<compile_context>
chip_gen: v7x
topology: tpu7x:2x2x1
jax: 0.10.2.dev20260603
libtpu: 0.0.44.dev20260713+nightly
codegen_flags: <defaults>
</compile_context>

<pallas_src>
import functools

import jax
import jax.numpy as jnp
from jax import lax
from jax.experimental import pallas as pl
from jax.experimental.pallas import tpu as pltpu
from jax.experimental.pallas import tpu_sc as plsc

B, L, D = 1024, 200, 64
NC, NS = 2, 16
NW = NC * NS
ROWS_PER_W = B // NW
TOK_PER_W = ROWS_PER_W * L
LANES = 16
VPR = D // LANES
LPAD = 208
NGRP = LPAD // LANES
NPAIR = ROWS_PER_W // 2


def _body(x_hbm, tok_hbm, pos_hbm, out_hbm,
          pos_v, idx_v, buf_v, isem, gsem0, gsem1, osem0, osem1):
    wid = lax.axis_index("s") * NC + lax.axis_index("c")
    row0 = wid * ROWS_PER_W

    gsems = (gsem0, gsem1)
    osems = (osem0, osem1)

    pltpu.async_copy(x_hbm.at[pl.ds(row0 * L, TOK_PER_W)],
                     idx_v.at[pl.ds(0, TOK_PER_W)], isem)
    pltpu.sync_copy(pos_hbm, pos_v)
    idx_v[pl.ds(TOK_PER_W, LANES)] = lax.iota(jnp.int32, LANES) + wid * LANES
    pltpu.make_async_copy(x_hbm.at[pl.ds(row0 * L, TOK_PER_W)],
                          idx_v.at[pl.ds(0, TOK_PER_W)], isem).wait()

    def enqueue_gathers(s, r):
        buf_s = buf_v.at[s]
        base = r * L

        def fetch(g, _):
            off = g * LANES
            vec = idx_v[pl.ds(base + off, LANES)]
            for k in range(LANES):
                pltpu.async_copy(tok_hbm.at[vec[k]], buf_s.at[off + k],
                                 gsems[s])
            return 0
        lax.fori_loop(0, NGRP, fetch, 0)

    def finish_row(s, b):
        buf_s = buf_v.at[s]
        pltpu.make_async_copy(tok_hbm.at[pl.ds(0, LPAD)], buf_s,
                              gsems[s]).wait()

        def add_one(i, _):
            l = i // VPR
            j = (i % VPR) * LANES
            buf_s[l, pl.ds(j, LANES)] = (
                buf_s[l, pl.ds(j, LANES)] + pos_v[pl.ds(l * D + j, LANES)])
            return 0
        lax.fori_loop(0, L * VPR, add_one, 0, unroll=8)

        pltpu.async_copy(buf_s.at[pl.ds(0, L)], out_hbm.at[b], osems[s])

    def out_wait(s, b):
        pltpu.make_async_copy(buf_v.at[s].at[pl.ds(0, L)], out_hbm.at[b],
                              osems[s]).wait()

    def pair(g, _):
        @pl.when(g > 0)
        def _():
            out_wait(0, row0 + 2 * g - 2)
        enqueue_gathers(0, 2 * g)

        @pl.when(g > 0)
        def _():
            finish_row(1, row0 + 2 * g - 1)

        @pl.when(g > 0)
        def _():
            out_wait(1, row0 + 2 * g - 1)
        enqueue_gathers(1, 2 * g + 1)

        finish_row(0, row0 + 2 * g)
        return 0

    lax.fori_loop(0, NPAIR, pair, 0)

    last1 = row0 + ROWS_PER_W - 1
    finish_row(1, last1)
    out_wait(0, last1 - 1)
    out_wait(1, last1)


def kernel(x, token_table, pos_table):
    mesh = plsc.VectorSubcoreMesh(
        core_axis_name="c", subcore_axis_name="s",
        num_cores=NC, num_subcores=NS)
    run = pl.kernel(
        _body,
        out_type=jax.ShapeDtypeStruct((B, L, D), jnp.float32),
        mesh=mesh,
        scratch_types=[
            pltpu.VMEM((L * D,), jnp.float32),
            pltpu.VMEM((TOK_PER_W + LANES,), jnp.int32),
            pltpu.VMEM((2, LPAD, D), jnp.float32),
            pltpu.SemaphoreType.DMA,
            pltpu.SemaphoreType.DMA,
            pltpu.SemaphoreType.DMA,
            pltpu.SemaphoreType.DMA,
            pltpu.SemaphoreType.DMA,
        ],
    )
    x_flat = x.astype(jnp.int32).reshape(-1)
    pos_flat = pos_table.reshape(-1)
    return run(x_flat, token_table, pos_flat)

# --- scband reference (transcript-rebuilt; emitter-appended) ---
"""Pipeline reference for scband-token-and-position-embedding-42984032698530 (READ-ONLY COPY).

The authoritative reference and input builder live on the scoring server;
editing this copy changes nothing except your own understanding.
"""

import jax, jax.numpy as jnp
import numpy as np

VOCAB = 1000000
MAX_LEN = 200
EMBED_DIM = 64

def setup_inputs(seed: int = 0) -> dict:
    key = jax.random.key(seed)
    k1, k2, k3 = jax.random.split(key, 3)
    x = jax.random.randint(k1, (1024, 200), 0, VOCAB, dtype=jnp.int64) if jax.config.jax_enable_x64 else jax.random.randint(k1, (1024, 200), 0, VOCAB, dtype=jnp.int32)
    token_table = jax.random.normal(k2, (VOCAB, EMBED_DIM), dtype=jnp.float32) * 0.02
    pos_table = jax.random.normal(k3, (MAX_LEN, EMBED_DIM), dtype=jnp.float32) * 0.02
    return {"x": x, "token_table": token_table, "pos_table": pos_table}

def reference(x, token_table, pos_table):
    len_input = x.shape[1]
    positions = jnp.arange(0, len_input)
    position_embedding = jnp.take(pos_table, positions, axis=0)  # [L, D]
    token_embedding = jnp.take(token_table, x, axis=0)           # [B, L, D]
    return token_embedding + position_embedding[None, :, :]

if __name__ == "__main__":
    import jax
    _d = setup_inputs()
    print(jax.jit(kernel)(*tuple(_d.values())))

</pallas_src>

<mosaic_0001>
#map = affine_map<(d0, d1) -> (0)>
#map1 = affine_map<(d0, d1) -> (0, 0)>
#map2 = affine_map<(d0, d1) -> (0, 0, 0)>
module attributes {stable_mosaic.version = 14 : i64} {
  func.func @_body(%arg0: i32, %arg1: i32, %arg2: memref<204800xi32, #tpu.memory_space<hbm>>, %arg3: memref<1000000x64xf32, #tpu.memory_space<hbm>>, %arg4: memref<12800xf32, #tpu.memory_space<hbm>>, %arg5: memref<1024x200x64xf32, #tpu.memory_space<hbm>>, %arg6: memref<12800xf32, #tpu.memory_space<vmem>>, %arg7: memref<6416xi32, #tpu.memory_space<vmem>>, %arg8: memref<2x208x64xf32, #tpu.memory_space<vmem>>, %arg9: memref<!tpu.dma_semaphore, #tpu.memory_space<semaphore_mem>>, %arg10: memref<!tpu.dma_semaphore, #tpu.memory_space<semaphore_mem>>, %arg11: memref<!tpu.dma_semaphore, #tpu.memory_space<semaphore_mem>>, %arg12: memref<!tpu.dma_semaphore, #tpu.memory_space<semaphore_mem>>, %arg13: memref<!tpu.dma_semaphore, #tpu.memory_space<semaphore_mem>>) attributes {dimension_semantics = [#tpu.dimension_semantics<core_parallel>, #tpu.dimension_semantics<subcore_parallel>], iteration_bounds = array<i64: 2, 16>, scalar_prefetch = 0 : i64, scratch_operands = 8 : i64, tpu.core_type = #tpu.core_type<sc_vector_subcore>, window_params = [{transform_indices = #map}, {transform_indices = #map1}, {transform_indices = #map}, {transform_indices = #map2}]} {
    %mul3A = arith.constant 2 : i32
    %mul3A_0 = arith.muli %arg1, %mul3A : i32
    %add3A = arith.addi %mul3A_0, %arg0 : i32
    %mul3A_1 = arith.constant 32 : i32
    %mul3A_2 = arith.muli %add3A, %mul3A_1 : i32
    %mul3A_3 = arith.constant 200 : i32
    %mul3A_4 = arith.muli %mul3A_2, %mul3A_3 : i32
    %dma_start3A = arith.constant 0 : i32
    %dma_start3A_5 = tpu.memref_slice %arg7[%dma_start3A] : memref<6416xi32, #tpu.memory_space<vmem>> -> memref<6400xi32, #tpu.memory_space<vmem>>
    %dma_start3A_6 = tpu.memref_slice %arg2[%mul3A_4] : memref<204800xi32, #tpu.memory_space<hbm>> -> memref<6400xi32, #tpu.memory_space<hbm>>
    %dma_start3A_7 = arith.constant 0 : i32
    %dma_start3A_8 = tpu.memref_slice %arg7[%dma_start3A_7] : memref<6416xi32, #tpu.memory_space<vmem>> -> memref<6400xi32, #tpu.memory_space<vmem>>
    %dma_start3A_9 = tpu.memref_slice %arg2[%mul3A_4] : memref<204800xi32, #tpu.memory_space<hbm>> -> memref<6400xi32, #tpu.memory_space<hbm>>
    tpu.enqueue_dma source(%dma_start3A_9 : memref<6400xi32, #tpu.memory_space<hbm>>) target(%dma_start3A_8 : memref<6400xi32, #tpu.memory_space<vmem>>) target_semaphore(%arg9 : memref<!tpu.dma_semaphore, #tpu.memory_space<semaphore_mem>>)
    "tpu.region"() ({
      %run_scoped3A = tpu.sem_alloc : memref<!tpu.dma_semaphore, #tpu.memory_space<semaphore_mem>>
      tpu.enqueue_dma source(%arg4 : memref<12800xf32, #tpu.memory_space<hbm>>) target(%arg6 : memref<12800xf32, #tpu.memory_space<vmem>>) target_semaphore(%run_scoped3A : memref<!tpu.dma_semaphore, #tpu.memory_space<semaphore_mem>>)
      tpu.wait_dma2 semaphore(%run_scoped3A : memref<!tpu.dma_semaphore, #tpu.memory_space<semaphore_mem>>) src(%arg4 : memref<12800xf32, #tpu.memory_space<hbm>>) dst(%arg6 : memref<12800xf32, #tpu.memory_space<vmem>>)
      tpu.yield
    }) : () -> ()
    %iota3A = tpu.iota {dimensions = array<i32: 0>} : vector<16xi32>
    %mul3A_10 = arith.constant 16 : i32
    %mul3A_11 = arith.muli %add3A, %mul3A_10 : i32
    %add3A_12 = vector.broadcast %mul3A_11 : i32 to vector<16xi32>
    %add3A_13 = arith.addi %iota3A, %add3A_12 : vector<16xi32>
    %swap3A = arith.constant 6400 : index
    %swap3A_14 = tpu.vector_load %arg7[%swap3A] {strides = array<i32>} : memref<6416xi32, #tpu.memory_space<vmem>>, vector<16xi32>,
    %swap3A_15 = vector.shape_cast %swap3A_14 : vector<16xi32> to vector<16xi32>
    %swap3A_16 = vector.shape_cast %add3A_13 : vector<16xi32> to vector<16xi32>
    tpu.vector_store %arg7[%swap3A], %swap3A_16 {strides = array<i32>} : memref<6416xi32, #tpu.memory_space<vmem>>, vector<16xi32>,
    %mul3A_17 = arith.constant 200 : i32
    %mul3A_18 = arith.muli %mul3A_2, %mul3A_17 : i32
    %dma_wait3A = arith.constant 0 : i32
    %dma_wait3A_19 = tpu.memref_slice %arg7[%dma_wait3A] : memref<6416xi32, #tpu.memory_space<vmem>> -> memref<6400xi32, #tpu.memory_space<vmem>>
    %dma_wait3A_20 = tpu.memref_slice %arg2[%mul3A_18] : memref<204800xi32, #tpu.memory_space<hbm>> -> memref<6400xi32, #tpu.memory_space<hbm>>
    %dma_wait3A_21 = arith.constant 0 : i32
    %dma_wait3A_22 = tpu.memref_slice %arg7[%dma_wait3A_21] : memref<6416xi32, #tpu.memory_space<vmem>> -> memref<6400xi32, #tpu.memory_space<vmem>>
    %dma_wait3A_23 = tpu.memref_slice %arg2[%mul3A_18] : memref<204800xi32, #tpu.memory_space<hbm>> -> memref<6400xi32, #tpu.memory_space<hbm>>
    tpu.wait_dma2 semaphore(%arg9 : memref<!tpu.dma_semaphore, #tpu.memory_space<semaphore_mem>>) src(%dma_wait3A_23 : memref<6400xi32, #tpu.memory_space<hbm>>) dst(%dma_wait3A_22 : memref<6400xi32, #tpu.memory_space<vmem>>)
    %scan3A = arith.constant 0 : i32
    %scan3A_24 = arith.constant 0 : i32
    %scan3A_25 = arith.constant 16 : i32
    %scan3A_26 = arith.addi %scan3A_24, %scan3A_25 : i32
    %scan3A_27 = arith.constant 1 : i32
    %scan3A_28 = scf.for %scan3A_127 = %scan3A_24 to %scan3A_26 step %scan3A_27 iter_args(%scan3A_128 = %scan3A) -> (i32)  : i32 {
      %gt3A = arith.constant 0 : i32
      %gt3A_129 = arith.cmpi sgt, %scan3A_127, %gt3A : i32
      %convert_element_type3A = arith.extui %gt3A_129 : i1 to i32
      %cond3A = arith.constant 0 : i32
      %cond3A_130 = arith.cmpi ne, %convert_element_type3A, %cond3A : i32
      scf.if %cond3A_130 {
        %mul3A_217 = arith.constant 2 : i32
        %mul3A_218 = arith.muli %mul3A_217, %scan3A_127 : i32
        %add3A_219 = arith.addi %mul3A_2, %mul3A_218 : i32
        %sub3A_220 = arith.constant 2 : i32
        %sub3A_221 = arith.subi %add3A_219, %sub3A_220 : i32
        %dma_wait3A_222 = arith.constant 0 : i32
        %dma_wait3A_223 = arith.constant 0 : i32
        %dma_wait3A_224 = arith.constant 0 : i32
        %dma_wait3A_225 = tpu.memref_slice %arg8[%dma_wait3A_222, %dma_wait3A_223, %dma_wait3A_224] : memref<2x208x64xf32, #tpu.memory_space<vmem>> -> memref<1x208x64xf32, #tpu.memory_space<vmem>>
        %dma_wait3A_226 = tpu.memref_squeeze %dma_wait3A_225 : memref<1x208x64xf32, #tpu.memory_space<vmem>> -> memref<208x64xf32, #tpu.memory_space<vmem>>
        %dma_wait3A_227 = arith.constant 0 : i32
        %dma_wait3A_228 = arith.constant 0 : i32
        %dma_wait3A_229 = tpu.memref_slice %dma_wait3A_226[%dma_wait3A_227, %dma_wait3A_228] : memref<208x64xf32, #tpu.memory_space<vmem>> -> memref<200x64xf32, #tpu.memory_space<vmem>>
        %dma_wait3A_230 = arith.constant 0 : i32
        %dma_wait3A_231 = arith.constant 0 : i32
        %dma_wait3A_232 = tpu.memref_slice %arg5[%sub3A_221, %dma_wait3A_230, %dma_wait3A_231] : memref<1024x200x64xf32, #tpu.memory_space<hbm>> -> memref<1x200x64xf32, #tpu.memory_space<hbm>>
        %dma_wait3A_233 = tpu.memref_squeeze %dma_wait3A_232 : memref<1x200x64xf32, #tpu.memory_space<hbm>> -> memref<200x64xf32, #tpu.memory_space<hbm>>
        %dma_wait3A_234 = arith.constant 0 : i32
        %dma_wait3A_235 = arith.constant 0 : i32
        %dma_wait3A_236 = tpu.memref_slice %arg5[%sub3A_221, %dma_wait3A_234, %dma_wait3A_235] : memref<1024x200x64xf32, #tpu.memory_space<hbm>> -> memref<1x200x64xf32, #tpu.memory_space<hbm>>
        %dma_wait3A_237 = tpu.memref_squeeze %dma_wait3A_236 : memref<1x200x64xf32, #tpu.memory_space<hbm>> -> memref<200x64xf32, #tpu.memory_space<hbm>>
        %dma_wait3A_238 = arith.constant 0 : i32
        %dma_wait3A_239 = arith.constant 0 : i32
        %dma_wait3A_240 = tpu.memref_slice %arg8[%dma_wait3A_222, %dma_wait3A_238, %dma_wait3A_239] : memref<2x208x64xf32, #tpu.memory_space<vmem>> -> memref<1x208x64xf32, #tpu.memory_space<vmem>>
        %dma_wait3A_241 = tpu.memref_squeeze %dma_wait3A_240 : memref<1x208x64xf32, #tpu.memory_space<vmem>> -> memref<208x64xf32, #tpu.memory_space<vmem>>
        %dma_wait3A_242 = arith.constant 0 : i32
        %dma_wait3A_243 = arith.constant 0 : i32
        %dma_wait3A_244 = tpu.memref_slice %dma_wait3A_241[%dma_wait3A_242, %dma_wait3A_243] : memref<208x64xf32, #tpu.memory_space<vmem>> -> memref<200x64xf32, #tpu.memory_space<vmem>>
        tpu.wait_dma2 semaphore(%arg12 : memref<!tpu.dma_semaphore, #tpu.memory_space<semaphore_mem>>) src(%dma_wait3A_244 : memref<200x64xf32, #tpu.memory_space<vmem>>) dst(%dma_wait3A_237 : memref<200x64xf32, #tpu.memory_space<hbm>>)
      } else {
      }
      %mul3A_131 = arith.constant 2 : i32
      %mul3A_132 = arith.muli %mul3A_131, %scan3A_127 : i32
      %mul3A_133 = arith.constant 200 : i32
      %mul3A_134 = arith.muli %mul3A_132, %mul3A_133 : i32
      %scan3A_135 = arith.constant 0 : i32
      %scan3A_136 = arith.constant 0 : i32
      %scan3A_137 = arith.constant 0 : i32
      %scan3A_138 = arith.constant 13 : i32
      %scan3A_139 = arith.addi %scan3A_137, %scan3A_138 : i32
      %scan3A_140 = arith.constant 1 : i32
      %scan3A_141 = scf.for %scan3A_217 = %scan3A_137 to %scan3A_139 step %scan3A_140 iter_args(%scan3A_218 = %scan3A_136) -> (i32)  : i32 {
        %mul3A_219 = arith.constant 16 : i32
        %mul3A_220 = arith.muli %scan3A_217, %mul3A_219 : i32
        %add3A_221 = arith.addi %mul3A_134, %mul3A_220 : i32
        %get3A = arith.index_cast %add3A_221 : i32 to index
        %get3A_222 = tpu.vector_load %arg7[%get3A] {strides = array<i32>} : memref<6416xi32, #tpu.memory_space<vmem>>, vector<16xi32>,
        %get3A_223 = vector.shape_cast %get3A_222 : vector<16xi32> to vector<16xi32>
        %slice3A = vector.extract_strided_slice %get3A_223 {offsets = [0], sizes = [1], strides = [1]} : vector<16xi32> to vector<1xi32>
        %squeeze3A = vector.extract %slice3A[0] : i32 from vector<1xi32>
        %add3A_224 = arith.constant 0 : i32
        %add3A_225 = arith.addi %mul3A_220, %add3A_224 : i32
        %dma_start3A_226 = arith.constant 0 : i32
        %dma_start3A_227 = arith.constant 0 : i32
        %dma_start3A_228 = tpu.memref_slice %arg8[%scan3A_135, %dma_start3A_226, %dma_start3A_227] : memref<2x208x64xf32, #tpu.memory_space<vmem>> -> memref<1x208x64xf32, #tpu.memory_space<vmem>>
        %dma_start3A_229 = tpu.memref_squeeze %dma_start3A_228 : memref<1x208x64xf32, #tpu.memory_space<vmem>> -> memref<208x64xf32, #tpu.memory_space<vmem>>
        %dma_start3A_230 = arith.constant 0 : i32
        %dma_start3A_231 = tpu.memref_slice %dma_start3A_229[%add3A_225, %dma_start3A_230] : memref<208x64xf32, #tpu.memory_space<vmem>> -> memref<1x64xf32, #tpu.memory_space<vmem>>
        %dma_start3A_232 = tpu.memref_squeeze %dma_start3A_231 : memref<1x64xf32, #tpu.memory_space<vmem>> -> memref<64xf32, #tpu.memory_space<vmem>>
        %dma_start3A_233 = arith.constant 0 : i32
        %dma_start3A_234 = tpu.memref_slice %arg3[%squeeze3A, %dma_start3A_233] : memref<1000000x64xf32, #tpu.memory_space<hbm>> -> memref<1x64xf32, #tpu.memory_space<hbm>>
        %dma_start3A_235 = tpu.memref_squeeze %dma_start3A_234 : memref<1x64xf32, #tpu.memory_space<hbm>> -> memref<64xf32, #tpu.memory_space<hbm>>
        %dma_start3A_236 = arith.constant 0 : i32
        %dma_start3A_237 = arith.constant 0 : i32
        %dma_start3A_238 = tpu.memref_slice %arg8[%scan3A_135, %dma_start3A_236, %dma_start3A_237] : memref<2x208x64xf32, #tpu.memory_space<vmem>> -> memref<1x208x64xf32, #tpu.memory_space<vmem>>
        %dma_start3A_239 = tpu.memref_squeeze %dma_start3A_238 : memref<1x208x64xf32, #tpu.memory_space<vmem>> -> memref<208x64xf32, #tpu.memory_space<vmem>>
        %dma_start3A_240 = arith.constant 0 : i32
        %dma_start3A_241 = tpu.memref_slice %dma_start3A_239[%add3A_225, %dma_start3A_240] : memref<208x64xf32, #tpu.memory_space<vmem>> -> memref<1x64xf32, #tpu.memory_space<vmem>>
        %dma_start3A_242 = tpu.memref_squeeze %dma_start3A_241 : memref<1x64xf32, #tpu.memory_space<vmem>> -> memref<64xf32, #tpu.memory_space<vmem>>
        %dma_start3A_243 = arith.constant 0 : i32
        %dma_start3A_244 = tpu.memref_slice %arg3[%squeeze3A, %dma_start3A_243] : memref<1000000x64xf32, #tpu.memory_space<hbm>> -> memref<1x64xf32, #tpu.memory_space<hbm>>
        %dma_start3A_245 = tpu.memref_squeeze %dma_start3A_244 : memref<1x64xf32, #tpu.memory_space<hbm>> -> memref<64xf32, #tpu.memory_space<hbm>>
        tpu.enqueue_dma source(%dma_start3A_245 : memref<64xf32, #tpu.memory_space<hbm>>) target(%dma_start3A_242 : memref<64xf32, #tpu.memory_space<vmem>>) target_semaphore(%arg10 : memref<!tpu.dma_semaphore, #tpu.memory_space<semaphore_mem>>)
        %slice3A_246 = vector.extract_strided_slice %get3A_223 {offsets = [1], sizes = [1], strides = [1]} : vector<16xi32> to vector<1xi32>
        %squeeze3A_247 = vector.extract %slice3A_246[0] : i32 from vector<1xi32>
        %add3A_248 = arith.constant 1 : i32
        %add3A_249 = arith.addi %mul3A_220, %add3A_248 : i32
        %dma_start3A_250 = arith.constant 0 : i32
        %dma_start3A_251 = arith.constant 0 : i32
        %dma_start3A_252 = tpu.memref_slice %arg8[%scan3A_135, %dma_start3A_250, %dma_start3A_251] : memref<2x208x64xf32, #tpu.memory_space<vmem>> -> memref<1x208x64xf32, #tpu.memory_space<vmem>>
        %dma_start3A_253 = tpu.memref_squeeze %dma_start3A_252 : memref<1x208x64xf32, #tpu.memory_space<vmem>> -> memref<208x64xf32, #tpu.memory_space<vmem>>
        %dma_start3A_254 = arith.constant 0 : i32
        %dma_start3A_255 = tpu.memref_slice %dma_start3A_253[%add3A_249, %dma_start3A_254] : memref<208x64xf32, #tpu.memory_space<vmem>> -> memref<1x64xf32, #tpu.memory_space<vmem>>
        %dma_start3A_256 = tpu.memref_squeeze %dma_start3A_255 : memref<1x64xf32, #tpu.memory_space<vmem>> -> memref<64xf32, #tpu.memory_space<vmem>>
        %dma_start3A_257 = arith.constant 0 : i32
        %dma_start3A_258 = tpu.memref_slice %arg3[%squeeze3A_247, %dma_start3A_257] : memref<1000000x64xf32, #tpu.memory_space<hbm>> -> memref<1x64xf32, #tpu.memory_space<hbm>>
        %dma_start3A_259 = tpu.memref_squeeze %dma_start3A_258 : memref<1x64xf32, #tpu.memory_space<hbm>> -> memref<64xf32, #tpu.memory_space<hbm>>
        %dma_start3A_260 = arith.constant 0 : i32
        %dma_start3A_261 = arith.constant 0 : i32
        %dma_start3A_262 = tpu.memref_slice %arg8[%scan3A_135, %dma_start3A_260, %dma_start3A_261] : memref<2x208x64xf32, #tpu.memory_space<vmem>> -> memref<1x208x64xf32, #tpu.memory_space<vmem>>
        %dma_start3A_263 = tpu.memref_squeeze %dma_start3A_262 : memref<1x208x64xf32, #tpu.memory_space<vmem>> -> memref<208x64xf32, #tpu.memory_space<vmem>>
        %dma_start3A_264 = arith.constant 0 : i32
        %dma_start3A_265 = tpu.memref_slice %dma_start3A_263[%add3A_249, %dma_start3A_264] : memref<208x64xf32, #tpu.memory_space<vmem>> -> memref<1x64xf32, #tpu.memory_space<vmem>>
        %dma_start3A_266 = tpu.memref_squeeze %dma_start3A_265 : memref<1x64xf32, #tpu.memory_space<vmem>> -> memref<64xf32, #tpu.memory_space<vmem>>
        %dma_start3A_267 = arith.constant 0 : i32
        %dma_start3A_268 = tpu.memref_slice %arg3[%squeeze3A_247, %dma_start3A_267] : memref<1000000x64xf32, #tpu.memory_space<hbm>> -> memref<1x64xf32, #tpu.memory_space<hbm>>
        %dma_start3A_269 = tpu.memref_squeeze %dma_start3A_268 : memref<1x64xf32, #tpu.memory_space<hbm>> -> memref<64xf32, #tpu.memory_space<hbm>>
        tpu.enqueue_dma source(%dma_start3A_269 : memref<64xf32, #tpu.memory_space<hbm>>) target(%dma_start3A_266 : memref<64xf32, #tpu.memory_space<vmem>>) target_semaphore(%arg10 : memref<!tpu.dma_semaphore, #tpu.memory_space<semaphore_mem>>)
        %slice3A_270 = vector.extract_strided_slice %get3A_223 {offsets = [2], sizes = [1], strides = [1]} : vector<16xi32> to vector<1xi32>
        %squeeze3A_271 = vector.extract %slice3A_270[0] : i32 from vector<1xi32>
        %add3A_272 = arith.constant 2 : i32
        %add3A_273 = arith.addi %mul3A_220, %add3A_272 : i32
        %dma_start3A_274 = arith.constant 0 : i32
        %dma_start3A_275 = arith.constant 0 : i32
        %dma_start3A_276 = tpu.memref_slice %arg8[%scan3A_135, %dma_start3A_274, %dma_start3A_275] : memref<2x208x64xf32, #tpu.memory_space<vmem>> -> memref<1x208x64xf32, #tpu.memory_space<vmem>>
        %dma_start3A_277 = tpu.memref_squeeze %dma_start3A_276 : memref<1x208x64xf32, #tpu.memory_space<vmem>> -> memref<208x64xf32, #tpu.memory_space<vmem>>
        %dma_start3A_278 = arith.constant 0 : i32
        %dma_start3A_279 = tpu.memref_slice %dma_start3A_277[%add3A_273, %dma_start3A_278] : memref<208x64xf32, #tpu.memory_space<vmem>> -> memref<1x64xf32, #tpu.memory_space<vmem>>
        %dma_start3A_280 = tpu.memref_squeeze %dma_start3A_279 : memref<1x64xf32, #tpu.memory_space<vmem>> -> memref<64xf32, #tpu.memory_space<vmem>>
        %dma_start3A_281 = arith.constant 0 : i32
        %dma_start3A_282 = tpu.memref_slice %arg3[%squeeze3A_271, %dma_start3A_281] : memref<1000000x64xf32, #tpu.memory_space<hbm>> -> memref<1x64xf32, #tpu.memory_space<hbm>>
        %dma_start3A_283 = tpu.memref_squeeze %dma_start3A_282 : memref<1x64xf32, #tpu.memory_space<hbm>> -> memref<64xf32, #tpu.memory_space<hbm>>
        %dma_start3A_284 = arith.constant 0 : i32
        %dma_start3A_285 = arith.constant 0 : i32
        %dma_start3A_286 = tpu.memref_slice %arg8[%scan3A_135, %dma_start3A_284, %dma_start3A_285] : memref<2x208x64xf32, #tpu.memory_space<vmem>> -> memref<1x208x64xf32, #tpu.memory_space<vmem>>
        %dma_start3A_287 = tpu.memref_squeeze %dma_start3A_286 : memref<1x208x64xf32, #tpu.memory_space<vmem>> -> memref<208x64xf32, #tpu.memory_space<vmem>>
        %dma_start3A_288 = arith.constant 0 : i32
        %dma_start3A_289 = tpu.memref_slice %dma_start3A_287[%add3A_273, %dma_start3A_288] : memref<208x64xf32, #tpu.memory_space<vmem>> -> memref<1x64xf32, #tpu.memory_space<vmem>>
        %dma_start3A_290 = tpu.memref_squeeze %dma_start3A_289 : memref<1x64xf32, #tpu.memory_space<vmem>> -> memref<64xf32, #tpu.memory_space<vmem>>
        %dma_start3A_291 = arith.constant 0 : i32
        %dma_start3A_292 = tpu.memref_slice %arg3[%squeeze3A_271, %dma_start3A_291] : memref<1000000x64xf32, #tpu.memory_space<hbm>> -> memref<1x64xf32, #tpu.memory_space<hbm>>
        %dma_start3A_293 = tpu.memref_squeeze %dma_start3A_292 : memref<1x64xf32, #tpu.memory_space<hbm>> -> memref<64xf32, #tpu.memory_space<hbm>>
        tpu.enqueue_dma source(%dma_start3A_293 : memref<64xf32, #tpu.memory_space<hbm>>) target(%dma_start3A_290 : memref<64xf32, #tpu.memory_space<vmem>>) target_semaphore(%arg10 : memref<!tpu.dma_semaphore, #tpu.memory_space<semaphore_mem>>)
        %slice3A_294 = vector.extract_strided_slice %get3A_223 {offsets = [3], sizes = [1], strides = [1]} : vector<16xi32> to vector<1xi32>
        %squeeze3A_295 = vector.extract %slice3A_294[0] : i32 from vector<1xi32>
        %add3A_296 = arith.constant 3 : i32
        %add3A_297 = arith.addi %mul3A_220, %add3A_296 : i32
        %dma_start3A_298 = arith.constant 0 : i32
        %dma_start3A_299 = arith.constant 0 : i32
        %dma_start3A_300 = tpu.memref_slice %arg8[%scan3A_135, %dma_start3A_298, %dma_start3A_299] : memref<2x208x64xf32, #tpu.memory_space<vmem>> -> memref<1x208x64xf32, #tpu.memory_space<vmem>>
        %dma_start3A_301 = tpu.memref_squeeze %dma_start3A_300 : memref<1x208x64xf32, #tpu.memory_space<vmem>> -> memref<208x64xf32, #tpu.memory_space<vmem>>
        %dma_start3A_302 = arith.constant 0 : i32
        %dma_start3A_303 = tpu.memref_slice %dma_start3A_301[%add3A_297, %dma_start3A_302] : memref<208x64xf32, #tpu.memory_space<vmem>> -> memref<1x64xf32, #tpu.memory_space<vmem>>
        %dma_start3A_304 = tpu.memref_squeeze %dma_start3A_303 : memref<1x64xf32, #tpu.memory_space<vmem>> -> memref<64xf32, #tpu.memory_space<vmem>>
        %dma_start3A_305 = arith.constant 0 : i32
        %dma_start3A_306 = tpu.memref_slice %arg3[%squeeze3A_295, %dma_start3A_305] : memref<1000000x64xf32, #tpu.memory_space<hbm>> -> memref<1x64xf32, #tpu.memory_space<hbm>>
        %dma_start3A_307 = tpu.memref_squeeze %dma_start3A_306 : memref<1x64xf32, #tpu.memory_space<hbm>> -> memref<64xf32, #tpu.memory_space<hbm>>
        %dma_start3A_308 = arith.constant 0 : i32
        %dma_start3A_309 = arith.constant 0 : i32
        %dma_start3A_310 = tpu.memref_slice %arg8[%scan3A_135, %dma_start3A_308, %dma_start3A_309] : memref<2x208x64xf32, #tpu.memory_space<vmem>> -> memref<1x208x64xf32, #tpu.memory_space<vmem>>
        %dma_start3A_311 = tpu.memref_squeeze %dma_start3A_310 : memref<1x208x64xf32, #tpu.memory_space<vmem>> -> memref<208x64xf32, #tpu.memory_space<vmem>>
        %dma_start3A_312 = arith.constant 0 : i32
        %dma_start3A_313 = tpu.memref_slice %dma_start3A_311[%add3A_297, %dma_start3A_312] : memref<208x64xf32, #tpu.memory_space<vmem>> -> memref<1x64xf32, #tpu.memory_space<vmem>>
        %dma_start3A_314 = tpu.memref_squeeze %dma_start3A_313 : memref<1x64xf32, #tpu.memory_space<vmem>> -> memref<64xf32, #tpu.memory_space<vmem>>
        %dma_start3A_315 = arith.constant 0 : i32
        %dma_start3A_316 = tpu.memref_slice %arg3[%squeeze3A_295, %dma_start3A_315] : memref<1000000x64xf32, #tpu.memory_space<hbm>> -> memref<1x64xf32, #tpu.memory_space<hbm>>
        %dma_start3A_317 = tpu.memref_squeeze %dma_start3A_316 : memref<1x64xf32, #tpu.memory_space<hbm>> -> memref<64xf32, #tpu.memory_space<hbm>>
        tpu.enqueue_dma source(%dma_start3A_317 : memref<64xf32, #tpu.memory_space<hbm>>) target(%dma_start3A_314 : memref<64xf32, #tpu.memory_space<vmem>>) target_semaphore(%arg10 : memref<!tpu.dma_semaphore, #tpu.memory_space<semaphore_mem>>)
        %slice3A_318 = vector.extract_strided_slice %get3A_223 {offsets = [4], sizes = [1], strides = [1]} : vector<16xi32> to vector<1xi32>
        %squeeze3A_319 = vector.extract %slice3A_318[0] : i32 from vector<1xi32>
        %add3A_320 = arith.constant 4 : i32
        %add3A_321 = arith.addi %mul3A_220, %add3A_320 : i32
        %dma_start3A_322 = arith.constant 0 : i32
        %dma_start3A_323 = arith.constant 0 : i32
        %dma_start3A_324 = tpu.memref_slice %arg8[%scan3A_135, %dma_start3A_322, %dma_start3A_323] : memref<2x208x64xf32, #tpu.memory_space<vmem>> -> memref<1x208x64xf32, #tpu.memory_space<vmem>>
        %dma_start3A_325 = tpu.memref_squeeze %dma_start3A_324 : memref<1x208x64xf32, #tpu.memory_space<vmem>> -> memref<208x64xf32, #tpu.memory_space<vmem>>
        %dma_start3A_326 = arith.constant 0 : i32
        %dma_start3A_327 = tpu.memref_slice %dma_start3A_325[%add3A_321, %dma_start3A_326] : memref<208x64xf32, #tpu.memory_space<vmem>> -> memref<1x64xf32, #tpu.memory_space<vmem>>
        %dma_start3A_328 = tpu.memref_squeeze %dma_start3A_327 : memref<1x64xf32, #tpu.memory_space<vmem>> -> memref<64xf32, #tpu.memory_space<vmem>>
        %dma_start3A_329 = arith.constant 0 : i32
        %dma_start3A_330 = tpu.memref_slice %arg3[%squeeze3A_319, %dma_start3A_329] : memref<1000000x64xf32, #tpu.memory_space<hbm>> -> memref<1x64xf32, #tpu.memory_space<hbm>>
        %dma_start3A_331 = tpu.memref_squeeze %dma_start3A_330 : memref<1x64xf32, #tpu.memory_space<hbm>> -> memref<64xf32, #tpu.memory_space<hbm>>
        %dma_start3A_332 = arith.constant 0 : i32
        %dma_start3A_333 = arith.constant 0 : i32
        %dma_start3A_334 = tpu.memref_slice %arg8[%scan3A_135, %dma_start3A_332, %dma_start3A_333] : memref<2x208x64xf32, #tpu.memory_space<vmem>> -> memref<1x208x64xf32, #tpu.memory_space<vmem>>
        %dma_start3A_335 = tpu.memref_squeeze %dma_start3A_334 : memref<1x208x64xf32, #tpu.memory_space<vmem>> -> memref<208x64xf32, #tpu.memory_space<vmem>>
        %dma_start3A_336 = arith.constant 0 : i32
        %dma_start3A_337 = tpu.memref_slice %dma_start3A_335[%add3A_321, %dma_start3A_336] : memref<208x64xf32, #tpu.memory_space<vmem>> -> memref<1x64xf32, #tpu.memory_space<vmem>>
        %dma_start3A_338 = tpu.memref_squeeze %dma_start3A_337 : memref<1x64xf32, #tpu.memory_space<vmem>> -> memref<64xf32, #tpu.memory_space<vmem>>
        %dma_start3A_339 = arith.constant 0 : i32
        %dma_start3A_340 = tpu.memref_slice %arg3[%squeeze3A_319, %dma_start3A_339] : memref<1000000x64xf32, #tpu.memory_space<hbm>> -> memref<1x64xf32, #tpu.memory_space<hbm>>
        %dma_start3A_341 = tpu.memref_squeeze %dma_start3A_340 : memref<1x64xf32, #tpu.memory_space<hbm>> -> memref<64xf32, #tpu.memory_space<hbm>>
        tpu.enqueue_dma source(%dma_start3A_341 : memref<64xf32, #tpu.memory_space<hbm>>) target(%dma_start3A_338 : memref<64xf32, #tpu.memory_space<vmem>>) target_semaphore(%arg10 : memref<!tpu.dma_semaphore, #tpu.memory_space<semaphore_mem>>)
        %slice3A_342 = vector.extract_strided_slice %get3A_223 {offsets = [5], sizes = [1], strides = [1]} : vector<16xi32> to vector<1xi32>
        %squeeze3A_343 = vector.extract %slice3A_342[0] : i32 from vector<1xi32>
        %add3A_344 = arith.constant 5 : i32
        %add3A_345 = arith.addi %mul3A_220, %add3A_344 : i32
        %dma_start3A_346 = arith.constant 0 : i32
        %dma_start3A_347 = arith.constant 0 : i32
        %dma_start3A_348 = tpu.memref_slice %arg8[%scan3A_135, %dma_start3A_346, %dma_start3A_347] : memref<2x208x64xf32, #tpu.memory_space<vmem>> -> memref<1x208x64xf32, #tpu.memory_space<vmem>>
        %dma_start3A_349 = tpu.memref_squeeze %dma_start3A_348 : memref<1x208x64xf32, #tpu.memory_space<vmem>> -> memref<208x64xf32, #tpu.memory_space<vmem>>
        %dma_start3A_350 = arith.constant 0 : i32
        %dma_start3A_351 = tpu.memref_slice %dma_start3A_349[%add3A_345, %dma_start3A_350] : memref<208x64xf32, #tpu.memory_space<vmem>> -> memref<1x64xf32, #tpu.memory_space<vmem>>
        %dma_start3A_352 = tpu.memref_squeeze %dma_start3A_351 : memref<1x64xf32, #tpu.memory_space<vmem>> -> memref<64xf32, #tpu.memory_space<vmem>>
        %dma_start3A_353 = arith.constant 0 : i32
        %dma_start3A_354 = tpu.memref_slice %arg3[%squeeze3A_343, %dma_start3A_353] : memref<1000000x64xf32, #tpu.memory_space<hbm>> -> memref<1x64xf32, #tpu.memory_space<hbm>>
        %dma_start3A_355 = tpu.memref_squeeze %dma_start3A_354 : memref<1x64xf32, #tpu.memory_space<hbm>> -> memref<64xf32, #tpu.memory_space<hbm>>
        %dma_start3A_356 = arith.constant 0 : i32
        %dma_start3A_357 = arith.constant 0 : i32
        %dma_start3A_358 = tpu.memref_slice %arg8[%scan3A_135, %dma_start3A_356, %dma_start3A_357] : memref<2x208x64xf32, #tpu.memory_space<vmem>> -> memref<1x208x64xf32, #tpu.memory_space<vmem>>
        %dma_start3A_359 = tpu.memref_squeeze %dma_start3A_358 : memref<1x208x64xf32, #tpu.memory_space<vmem>> -> memref<208x64xf32, #tpu.memory_space<vmem>>
        %dma_start3A_360 = arith.constant 0 : i32
        %dma_start3A_361 = tpu.memref_slice %dma_start3A_359[%add3A_345, %dma_start3A_360] : memref<208x64xf32, #tpu.memory_space<vmem>> -> memref<1x64xf32, #tpu.memory_space<vmem>>
        %dma_start3A_362 = tpu.memref_squeeze %dma_start3A_361 : memref<1x64xf32, #tpu.memory_space<vmem>> -> memref<64xf32, #tpu.memory_space<vmem>>
        %dma_start3A_363 = arith.constant 0 : i32
        %dma_start3A_364 = tpu.memref_slice %arg3[%squeeze3A_343, %dma_start3A_363] : memref<1000000x64xf32, #tpu.memory_space<hbm>> -> memref<1x64xf32, #tpu.memory_space<hbm>>
        %dma_start3A_365 = tpu.memref_squeeze %dma_start3A_364 : memref<1x64xf32, #tpu.memory_space<hbm>> -> memref<64xf32, #tpu.memory_space<hbm>>
        tpu.enqueue_dma source(%dma_start3A_365 : memref<64xf32, #tpu.memory_space<hbm>>) target(%dma_start3A_362 : memref<64xf32, #tpu.memory_space<vmem>>) target_semaphore(%arg10 : memref<!tpu.dma_semaphore, #tpu.memory_space<semaphore_mem>>)
        %slice3A_366 = vector.extract_strided_slice %get3A_223 {offsets = [6], sizes = [1], strides = [1]} : vector<16xi32> to vector<1xi32>
        %squeeze3A_367 = vector.extract %slice3A_366[0] : i32 from vector<1xi32>
        %add3A_368 = arith.constant 6 : i32
        %add3A_369 = arith.addi %mul3A_220, %add3A_368 : i32
        %dma_start3A_370 = arith.constant 0 : i32
        %dma_start3A_371 = arith.constant 0 : i32
        %dma_start3A_372 = tpu.memref_slice %arg8[%scan3A_135, %dma_start3A_370, %dma_start3A_371] : memref<2x208x64xf32, #tpu.memory_space<vmem>> -> memref<1x208x64xf32, #tpu.memory_space<vmem>>
        %dma_start3A_373 = tpu.memref_squeeze %dma_start3A_372 : memref<1x208x64xf32, #tpu.memory_space<vmem>> -> memref<208x64xf32, #tpu.memory_space<vmem>>
        %dma_start3A_374 = arith.constant 0 : i32
        %dma_start3A_375 = tpu.memref_slice %dma_start3A_373[%add3A_369, %dma_start3A_374] : memref<208x64xf32, #tpu.memory_space<vmem>> -> memref<1x64xf32, #tpu.memory_space<vmem>>
        %dma_start3A_376 = tpu.memref_squeeze %dma_start3A_375 : memref<1x64xf32, #tpu.memory_space<vmem>> -> memref<64xf32, #tpu.memory_space<vmem>>
        %dma_start3A_377 = arith.constant 0 : i32
        %dma_start3A_378 = tpu.memref_slice %arg3[%squeeze3A_367, %dma_start3A_377] : memref<1000000x64xf32, #tpu.memory_space<hbm>> -> memref<1x64xf32, #tpu.memory_space<hbm>>
        %dma_start3A_379 = tpu.memref_squeeze %dma_start3A_378 : memref<1x64xf32, #tpu.memory_space<hbm>> -> memref<64xf32, #tpu.memory_space<hbm>>
        %dma_start3A_380 = arith.constant 0 : i32
        %dma_start3A_381 = arith.constant 0 : i32
        %dma_start3A_382 = tpu.memref_slice %arg8[%scan3A_135, %dma_start3A_380, %dma_start3A_381] : memref<2x208x64xf32, #tpu.memory_space<vmem>> -> memref<1x208x64xf32, #tpu.memory_space<vmem>>
        %dma_start3A_383 = tpu.memref_squeeze %dma_start3A_382 : memref<1x208x64xf32, #tpu.memory_space<vmem>> -> memref<208x64xf32, #tpu.memory_space<vmem>>
        %dma_start3A_384 = arith.constant 0 : i32
        %dma_start3A_385 = tpu.memref_slice %dma_start3A_383[%add3A_369, %dma_start3A_384] : memref<208x64xf32, #tpu.memory_space<vmem>> -> memref<1x64xf32, #tpu.memory_space<vmem>>
        %dma_start3A_386 = tpu.memref_squeeze %dma_start3A_385 : memref<1x64xf32, #tpu.memory_space<vmem>> -> memref<64xf32, #tpu.memory_space<vmem>>
        %dma_start3A_387 = arith.constant 0 : i32
        %dma_start3A_388 = tpu.memref_slice %arg3[%squeeze3A_367, %dma_start3A_387] : memref<1000000x64xf32, #tpu.memory_space<hbm>> -> memref<1x64xf32, #tpu.memory_space<hbm>>
        %dma_start3A_389 = tpu.memref_squeeze %dma_start3A_388 : memref<1x64xf32, #tpu.memory_space<hbm>> -> memref<64xf32, #tpu.memory_space<hbm>>
        tpu.enqueue_dma source(%dma_start3A_389 : memref<64xf32, #tpu.memory_space<hbm>>) target(%dma_start3A_386 : memref<64xf32, #tpu.memory_space<vmem>>) target_semaphore(%arg10 : memref<!tpu.dma_semaphore, #tpu.memory_space<semaphore_mem>>)
        %slice3A_390 = vector.extract_strided_slice %get3A_223 {offsets = [7], sizes = [1], strides = [1]} : vector<16xi32> to vector<1xi32>
        %squeeze3A_391 = vector.extract %slice3A_390[0] : i32 from vector<1xi32>
        %add3A_392 = arith.constant 7 : i32
        %add3A_393 = arith.addi %mul3A_220, %add3A_392 : i32
        %dma_start3A_394 = arith.constant 0 : i32
        %dma_start3A_395 = arith.constant 0 : i32
        %dma_start3A_396 = tpu.memref_slice %arg8[%scan3A_135, %dma_start3A_394, %dma_start3A_395] : memref<2x208x64xf32, #tpu.memory_space<vmem>> -> memref<1x208x64xf32, #tpu.memory_space<vmem>>
        %dma_start3A_397 = tpu.memref_squeeze %dma_start3A_396 : memref<1x208x64xf32, #tpu.memory_space<vmem>> -> memref<208x64xf32, #tpu.memory_space<vmem>>
        %dma_start3A_398 = arith.constant 0 : i32
        %dma_start3A_399 = tpu.memref_slice %dma_start3A_397[%add3A_393, %dma_start3A_398] : memref<208x64xf32, #tpu.memory_space<vmem>> -> memref<1x64xf32, #tpu.memory_space<vmem>>
        %dma_start3A_400 = tpu.memref_squeeze %dma_start3A_399 : memref<1x64xf32, #tpu.memory_space<vmem>> -> memref<64xf32, #tpu.memory_space<vmem>>
        %dma_start3A_401 = arith.constant 0 : i32
        %dma_start3A_402 = tpu.memref_slice %arg3[%squeeze3A_391, %dma_start3A_401] : memref<1000000x64xf32, #tpu.memory_space<hbm>> -> memref<1x64xf32, #tpu.memory_space<hbm>>
        %dma_start3A_403 = tpu.memref_squeeze %dma_start3A_402 : memref<1x64xf32, #tpu.memory_space<hbm>> -> memref<64xf32, #tpu.memory_space<hbm>>
        %dma_start3A_404 = arith.constant 0 : i32
        %dma_start3A_405 = arith.constant 0 : i32
        %dma_start3A_406 = tpu.memref_slice %arg8[%scan3A_135, %dma_start3A_404, %dma_start3A_405] : memref<2x208x64xf32, #tpu.memory_space<vmem>> -> memref<1x208x64xf32, #tpu.memory_space<vmem>>
        %dma_start3A_407 = tpu.memref_squeeze %dma_start3A_406 : memref<1x208x64xf32, #tpu.memory_space<vmem>> -> memref<208x64xf32, #tpu.memory_space<vmem>>
        %dma_start3A_408 = arith.constant 0 : i32
        %dma_start3A_409 = tpu.memref_slice %dma_start3A_407[%add3A_393, %dma_start3A_408] : memref<208x64xf32, #tpu.memory_space<vmem>> -> memref<1x64xf32, #tpu.memory_space<vmem>>
        %dma_start3A_410 = tpu.memref_squeeze %dma_start3A_409 : memref<1x64xf32, #tpu.memory_space<vmem>> -> memref<64xf32, #tpu.memory_space<vmem>>
        %dma_start3A_411 = arith.constant 0 : i32
        %dma_start3A_412 = tpu.memref_slice %arg3[%squeeze3A_391, %dma_start3A_411] : memref<1000000x64xf32, #tpu.memory_space<hbm>> -> memref<1x64xf32, #tpu.memory_space<hbm>>
        %dma_start3A_413 = tpu.memref_squeeze %dma_start3A_412 : memref<1x64xf32, #tpu.memory_space<hbm>> -> memref<64xf32, #tpu.memory_space<hbm>>
        tpu.enqueue_dma source(%dma_start3A_413 : memref<64xf32, #tpu.memory_space<hbm>>) target(%dma_start3A_410 : memref<64xf32, #tpu.memory_space<vmem>>) target_semaphore(%arg10 : memref<!tpu.dma_semaphore, #tpu.memory_space<semaphore_mem>>)
        %slice3A_414 = vector.extract_strided_slice %get3A_223 {offsets = [8], sizes = [1], strides = [1]} : vector<16xi32> to vector<1xi32>
        %squeeze3A_415 = vector.extract %slice3A_414[0] : i32 from vector<1xi32>
        %add3A_416 = arith.constant 8 : i32
        %add3A_417 = arith.addi %mul3A_220, %add3A_416 : i32
        %dma_start3A_418 = arith.constant 0 : i32
        %dma_start3A_419 = arith.constant 0 : i32
        %dma_start3A_420 = tpu.memref_slice %arg8[%scan3A_135, %dma_start3A_418, %dma_start3A_419] : memref<2x208x64xf32, #tpu.memory_space<vmem>> -> memref<1x208x64xf32, #tpu.memory_space<vmem>>
        %dma_start3A_421 = tpu.memref_squeeze %dma_start3A_420 : memref<1x208x64xf32, #tpu.memory_space<vmem>> -> memref<208x64xf32, #tpu.memory_space<vmem>>
        %dma_start3A_422 = arith.constant 0 : i32
        %dma_start3A_423 = tpu.memref_slice %dma_start3A_421[%add3A_417, %dma_start3A_422] : memref<208x64xf32, #tpu.memory_space<vmem>> -> memref<1x64xf32, #tpu.memory_space<vmem>>
        %dma_start3A_424 = tpu.memref_squeeze %dma_start3A_423 : memref<1x64xf32, #tpu.memory_space<vmem>> -> memref<64xf32, #tpu.memory_space<vmem>>
        %dma_start3A_425 = arith.constant 0 : i32
        %dma_start3A_426 = tpu.memref_slice %arg3[%squeeze3A_415, %dma_start3A_425] : memref<1000000x64xf32, #tpu.memory_space<hbm>> -> memref<1x64xf32, #tpu.memory_space<hbm>>
        %dma_start3A_427 = tpu.memref_squeeze %dma_start3A_426 : memref<1x64xf32, #tpu.memory_space<hbm>> -> memref<64xf32, #tpu.memory_space<hbm>>
        %dma_start3A_428 = arith.constant 0 : i32
        %dma_start3A_429 = arith.constant 0 : i32
        %dma_start3A_430 = tpu.memref_slice %arg8[%scan3A_135, %dma_start3A_428, %dma_start3A_429] : memref<2x208x64xf32, #tpu.memory_space<vmem>> -> memref<1x208x64xf32, #tpu.memory_space<vmem>>
        %dma_start3A_431 = tpu.memref_squeeze %dma_start3A_430 : memref<1x208x64xf32, #tpu.memory_space<vmem>> -> memref<208x64xf32, #tpu.memory_space<vmem>>
        %dma_start3A_432 = arith.constant 0 : i32
        %dma_start3A_433 = tpu.memref_slice %dma_start3A_431[%add3A_417, %dma_start3A_432] : memref<208x64xf32, #tpu.memory_space<vmem>> -> memref<1x64xf32, #tpu.memory_space<vmem>>
        %dma_start3A_434 = tpu.memref_squeeze %dma_start3A_433 : memref<1x64xf32, #tpu.memory_space<vmem>> -> memref<64xf32, #tpu.memory_space<vmem>>
        %dma_start3A_435 = arith.constant 0 : i32
        %dma_start3A_436 = tpu.memref_slice %arg3[%squeeze3A_415, %dma_start3A_435] : memref<1000000x64xf32, #tpu.memory_space<hbm>> -> memref<1x64xf32, #tpu.memory_space<hbm>>
        %dma_start3A_437 = tpu.memref_squeeze %dma_start3A_436 : memref<1x64xf32, #tpu.memory_space<hbm>> -> memref<64xf32, #tpu.memory_space<hbm>>
        tpu.enqueue_dma source(%dma_start3A_437 : memref<64xf32, #tpu.memory_space<hbm>>) target(%dma_start3A_434 : memref<64xf32, #tpu.memory_space<vmem>>) target_semaphore(%arg10 : memref<!tpu.dma_semaphore, #tpu.memory_space<semaphore_mem>>)
        %slice3A_438 = vector.extract_strided_slice %get3A_223 {offsets = [9], sizes = [1], strides = [1]} : vector<16xi32> to vector<1xi32>
        %squeeze3A_439 = vector.extract %slice3A_438[0] : i32 from vector<1xi32>
        %add3A_440 = arith.constant 9 : i32
        %add3A_441 = arith.addi %mul3A_220, %add3A_440 : i32
        %dma_start3A_442 = arith.constant 0 : i32
        %dma_start3A_443 = arith.constant 0 : i32
        %dma_start3A_444 = tpu.memref_slice %arg8[%scan3A_135, %dma_start3A_442, %dma_start3A_443] : memref<2x208x64xf32, #tpu.memory_space<vmem>> -> memref<1x208x64xf32, #tpu.memory_space<vmem>>
        %dma_start3A_445 = tpu.memref_squeeze %dma_start3A_444 : memref<1x208x64xf32, #tpu.memory_space<vmem>> -> memref<208x64xf32, #tpu.memory_space<vmem>>
        %dma_start3A_446 = arith.constant 0 : i32
        %dma_start3A_447 = tpu.memref_slice %dma_start3A_445[%add3A_441, %dma_start3A_446] : memref<208x64xf32, #tpu.memory_space<vmem>> -> memref<1x64xf32, #tpu.memory_space<vmem>>
        %dma_start3A_448 = tpu.memref_squeeze %dma_start3A_447 : memref<1x64xf32, #tpu.memory_space<vmem>> -> memref<64xf32, #tpu.memory_space<vmem>>
        %dma_start3A_449 = arith.constant 0 : i32
        %dma_start3A_450 = tpu.memref_slice %arg3[%squeeze3A_439, %dma_start3A_449] : memref<1000000x64xf32, #tpu.memory_space<hbm>> -> memref<1x64xf32, #tpu.memory_space<hbm>>
        %dma_start3A_451 = tpu.memref_squeeze %dma_start3A_450 : memref<1x64xf32, #tpu.memory_space<hbm>> -> memref<64xf32, #tpu.memory_space<hbm>>
        %dma_start3A_452 = arith.constant 0 : i32
        %dma_start3A_453 = arith.constant 0 : i32
        %dma_start3A_454 = tpu.memref_slice %arg8[%scan3A_135, %dma_start3A_452, %dma_start3A_453] : memref<2x208x64xf32, #tpu.memory_space<vmem>> -> memref<1x208x64xf32, #tpu.memory_space<vmem>>
        %dma_start3A_455 = tpu.memref_squeeze %dma_start3A_454 : memref<1x208x64xf32, #tpu.memory_space<vmem>> -> memref<208x64xf32, #tpu.memory_space<vmem>>
        %dma_start3A_456 = arith.constant 0 : i32
        %dma_start3A_457 = tpu.memref_slice %dma_start3A_455[%add3A_441, %dma_start3A_456] : memref<208x64xf32, #tpu.memory_space<vmem>> -> memref<1x64xf32, #tpu.memory_space<vmem>>
        %dma_start3A_458 = tpu.memref_squeeze %dma_start3A_457 : memref<1x64xf32, #tpu.memory_space<vmem>> -> memref<64xf32, #tpu.memory_space<vmem>>
        %dma_start3A_459 = arith.constant 0 : i32
        %dma_start3A_460 = tpu.memref_slice %arg3[%squeeze3A_439, %dma_start3A_459] : memref<1000000x64xf32, #tpu.memory_space<hbm>> -> memref<1x64xf32, #tpu.memory_space<hbm>>
        %dma_start3A_461 = tpu.memref_squeeze %dma_start3A_460 : memref<1x64xf32, #tpu.memory_space<hbm>> -> memref<64xf32, #tpu.memory_space<hbm>>
        tpu.enqueue_dma source(%dma_start3A_461 : memref<64xf32, #tpu.memory_space<hbm>>) target(%dma_start3A_458 : memref<64xf32, #tpu.memory_space<vmem>>) target_semaphore(%arg10 : memref<!tpu.dma_semaphore, #tpu.memory_space<semaphore_mem>>)
        %slice3A_462 = vector.extract_strided_slice %get3A_223 {offsets = [10], sizes = [1], strides = [1]} : vector<16xi32> to vector<1xi32>
        %squeeze3A_463 = vector.extract %slice3A_462[0] : i32 from vector<1xi32>
        %add3A_464 = arith.constant 10 : i32
        %add3A_465 = arith.addi %mul3A_220, %add3A_464 : i32
        %dma_start3A_466 = arith.constant 0 : i32
        %dma_start3A_467 = arith.constant 0 : i32
        %dma_start3A_468 = tpu.memref_slice %arg8[%scan3A_135, %dma_start3A_466, %dma_start3A_467] : memref<2x208x64xf32, #tpu.memory_space<vmem>> -> memref<1x208x64xf32, #tpu.memory_space<vmem>>
        %dma_start3A_469 = tpu.memref_squeeze %dma_start3A_468 : memref<1x208x64xf32, #tpu.memory_space<vmem>> -> memref<208x64xf32, #tpu.memory_space<vmem>>
        %dma_start3A_470 = arith.constant 0 : i32
        %dma_start3A_471 = tpu.memref_slice %dma_start3A_469[%add3A_465, %dma_start3A_470] : memref<208x64xf32, #tpu.memory_space<vmem>> -> memref<1x64xf32, #tpu.memory_space<vmem>>
        %dma_start3A_472 = tpu.memref_squeeze %dma_start3A_471 : memref<1x64xf32, #tpu.memory_space<vmem>> -> memref<64xf32, #tpu.memory_space<vmem>>
        %dma_start3A_473 = arith.constant 0 : i32
        %dma_start3A_474 = tpu.memref_slice %arg3[%squeeze3A_463, %dma_start3A_473] : memref<1000000x64xf32, #tpu.memory_space<hbm>> -> memref<1x64xf32, #tpu.memory_space<hbm>>
        %dma_start3A_475 = tpu.memref_squeeze %dma_start3A_474 : memref<1x64xf32, #tpu.memory_space<hbm>> -> memref<64xf32, #tpu.memory_space<hbm>>
        %dma_start3A_476 = arith.constant 0 : i32
        %dma_start3A_477 = arith.constant 0 : i32
        %dma_start3A_478 = tpu.memref_slice %arg8[%scan3A_135, %dma_start3A_476, %dma_start3A_477] : memref<2x208x64xf32, #tpu.memory_space<vmem>> -> memref<1x208x64xf32, #tpu.memory_space<vmem>>
        %dma_start3A_479 = tpu.memref_squeeze %dma_start3A_478 : memref<1x208x64xf32, #tpu.memory_space<vmem>> -> memref<208x64xf32, #tpu.memory_space<vmem>>
        %dma_start3A_480 = arith.constant 0 : i32
        %dma_start3A_481 = tpu.memref_slice %dma_start3A_479[%add3A_465, %dma_start3A_480] : memref<208x64xf32, #tpu.memory_space<vmem>> -> memref<1x64xf32, #tpu.memory_space<vmem>>
        %dma_start3A_482 = tpu.memref_squeeze %dma_start3A_481 : memref<1x64xf32, #tpu.memory_space<vmem>> -> memref<64xf32, #tpu.memory_space<vmem>>
        %dma_start3A_483 = arith.constant 0 : i32
        %dma_start3A_484 = tpu.memref_slice %arg3[%squeeze3A_463, %dma_start3A_483] : memref<1000000x64xf32, #tpu.memory_space<hbm>> -> memref<1x64xf32, #tpu.memory_space<hbm>>
        %dma_start3A_485 = tpu.memref_squeeze %dma_start3A_484 : memref<1x64xf32, #tpu.memory_space<hbm>> -> memref<64xf32, #tpu.memory_space<hbm>>
        tpu.enqueue_dma source(%dma_start3A_485 : memref<64xf32, #tpu.memory_space<hbm>>) target(%dma_start3A_482 : memref<64xf32, #tpu.memory_space<vmem>>) target_semaphore(%arg10 : memref<!tpu.dma_semaphore, #tpu.memory_space<semaphore_mem>>)
        %slice3A_486 = vector.extract_strided_slice %get3A_223 {offsets = [11], sizes = [1], strides = [1]} : vector<16xi32> to vector<1xi32>
        %squeeze3A_487 = vector.extract %slice3A_486[0] : i32 from vector<1xi32>
        %add3A_488 = arith.constant 11 : i32
        %add3A_489 = arith.addi %mul3A_220, %add3A_488 : i32
        %dma_start3A_490 = arith.constant 0 : i32
        %dma_start3A_491 = arith.constant 0 : i32
        %dma_start3A_492 = tpu.memref_slice %arg8[%scan3A_135, %dma_start3A_490, %dma_start3A_491] : memref<2x208x64xf32, #tpu.memory_space<vmem>> -> memref<1x208x64xf32, #tpu.memory_space<vmem>>
        %dma_start3A_493 = tpu.memref_squeeze %dma_start3A_492 : memref<1x208x64xf32, #tpu.memory_space<vmem>> -> memref<208x64xf32, #tpu.memory_space<vmem>>
        %dma_start3A_494 = arith.constant 0 : i32
        %dma_start3A_495 = tpu.memref_slice %dma_start3A_493[%add3A_489, %dma_start3A_494] : memref<208x64xf32, #tpu.memory_space<vmem>> -> memref<1x64xf32, #tpu.memory_space<vmem>>
        %dma_start3A_496 = tpu.memref_squeeze %dma_start3A_495 : memref<1x64xf32, #tpu.memory_space<vmem>> -> memref<64xf32, #tpu.memory_space<vmem>>
        %dma_start3A_497 = arith.constant 0 : i32
        %dma_start3A_498 = tpu.memref_slice %arg3[%squeeze3A_487, %dma_start3A_497] : memref<1000000x64xf32, #tpu.memory_space<hbm>> -> memref<1x64xf32, #tpu.memory_space<hbm>>
        %dma_start3A_499 = tpu.memref_squeeze %dma_start3A_498 : memref<1x64xf32, #tpu.memory_space<hbm>> -> memref<64xf32, #tpu.memory_space<hbm>>
        %dma_start3A_500 = arith.constant 0 : i32
        %dma_start3A_501 = arith.constant 0 : i32
        %dma_start3A_502 = tpu.memref_slice %arg8[%scan3A_135, %dma_start3A_500, %dma_start3A_501] : memref<2x208x64xf32, #tpu.memory_space<vmem>> -> memref<1x208x64xf32, #tpu.memory_space<vmem>>
        %dma_start3A_503 = tpu.memref_squeeze %dma_start3A_502 : memref<1x208x64xf32, #tpu.memory_space<vmem>> -> memref<208x64xf32, #tpu.memory_space<vmem>>
        %dma_start3A_504 = arith.constant 0 : i32
        %dma_start3A_505 = tpu.memref_slice %dma_start3A_503[%add3A_489, %dma_start3A_504] : memref<208x64xf32, #tpu.memory_space<vmem>> -> memref<1x64xf32, #tpu.memory_space<vmem>>
        %dma_start3A_506 = tpu.memref_squeeze %dma_start3A_505 : memref<1x64xf32, #tpu.memory_space<vmem>> -> memref<64xf32, #tpu.memory_space<vmem>>
        %dma_start3A_507 = arith.constant 0 : i32
        %dma_start3A_508 = tpu.memref_slice %arg3[%squeeze3A_487, %dma_start3A_507] : memref<1000000x64xf32, #tpu.memory_space<hbm>> -> memref<1x64xf32, #tpu.memory_space<hbm>>
        %dma_start3A_509 = tpu.memref_squeeze %dma_start3A_508 : memref<1x64xf32, #tpu.memory_space<hbm>> -> memref<64xf32, #tpu.memory_space<hbm>>
        tpu.enqueue_dma source(%dma_start3A_509 : memref<64xf32, #tpu.memory_space<hbm>>) target(%dma_start3A_506 : memref<64xf32, #tpu.memory_space<vmem>>) target_semaphore(%arg10 : memref<!tpu.dma_semaphore, #tpu.memory_space<semaphore_mem>>)
        %slice3A_510 = vector.extract_strided_slice %get3A_223 {offsets = [12], sizes = [1], strides = [1]} : vector<16xi32> to vector<1xi32>
        %squeeze3A_511 = vector.extract %slice3A_510[0] : i32 from vector<1xi32>
        %add3A_512 = arith.constant 12 : i32
        %add3A_513 = arith.addi %mul3A_220, %add3A_512 : i32
        %dma_start3A_514 = arith.constant 0 : i32
        %dma_start3A_515 = arith.constant 0 : i32
        %dma_start3A_516 = tpu.memref_slice %arg8[%scan3A_135, %dma_start3A_514, %dma_start3A_515] : memref<2x208x64xf32, #tpu.memory_space<vmem>> -> memref<1x208x64xf32, #tpu.memory_space<vmem>>
        %dma_start3A_517 = tpu.memref_squeeze %dma_start3A_516 : memref<1x208x64xf32, #tpu.memory_space<vmem>> -> memref<208x64xf32, #tpu.memory_space<vmem>>
        %dma_start3A_518 = arith.constant 0 : i32
        %dma_start3A_519 = tpu.memref_slice %dma_start3A_517[%add3A_513, %dma_start3A_518] : memref<208x64xf32, #tpu.memory_space<vmem>> -> memref<1x64xf32, #tpu.memory_space<vmem>>
        %dma_start3A_520 = tpu.memref_squeeze %dma_start3A_519 : memref<1x64xf32, #tpu.memory_space<vmem>> -> memref<64xf32, #tpu.memory_space<vmem>>
        %dma_start3A_521 = arith.constant 0 : i32
        %dma_start3A_522 = tpu.memref_slice %arg3[%squeeze3A_511, %dma_start3A_521] : memref<1000000x64xf32, #tpu.memory_space<hbm>> -> memref<1x64xf32, #tpu.memory_space<hbm>>
        %dma_start3A_523 = tpu.memref_squeeze %dma_start3A_522 : memref<1x64xf32, #tpu.memory_space<hbm>> -> memref<64xf32, #tpu.memory_space<hbm>>
        %dma_start3A_524 = arith.constant 0 : i32
        %dma_start3A_525 = arith.constant 0 : i32
        %dma_start3A_526 = tpu.memref_slice %arg8[%scan3A_135, %dma_start3A_524, %dma_start3A_525] : memref<2x208x64xf32, #tpu.memory_space<vmem>> -> memref<1x208x64xf32, #tpu.memory_space<vmem>>
        %dma_start3A_527 = tpu.memref_squeeze %dma_start3A_526 : memref<1x208x64xf32, #tpu.memory_space<vmem>> -> memref<208x64xf32, #tpu.memory_space<vmem>>
        %dma_start3A_528 = arith.constant 0 : i32
        %dma_start3A_529 = tpu.memref_slice %dma_start3A_527[%add3A_513, %dma_start3A_528] : memref<208x64xf32, #tpu.memory_space<vmem>> -> memref<1x64xf32, #tpu.memory_space<vmem>>
        %dma_start3A_530 = tpu.memref_squeeze %dma_start3A_529 : memref<1x64xf32, #tpu.memory_space<vmem>> -> memref<64xf32, #tpu.memory_space<vmem>>
        %dma_start3A_531 = arith.constant 0 : i32
        %dma_start3A_532 = tpu.memref_slice %arg3[%squeeze3A_511, %dma_start3A_531] : memref<1000000x64xf32, #tpu.memory_space<hbm>> -> memref<1x64xf32, #tpu.memory_space<hbm>>
        %dma_start3A_533 = tpu.memref_squeeze %dma_start3A_532 : memref<1x64xf32, #tpu.memory_space<hbm>> -> memref<64xf32, #tpu.memory_space<hbm>>
        tpu.enqueue_dma source(%dma_start3A_533 : memref<64xf32, #tpu.memory_space<hbm>>) target(%dma_start3A_530 : memref<64xf32, #tpu.memory_space<vmem>>) target_semaphore(%arg10 : memref<!tpu.dma_semaphore, #tpu.memory_space<semaphore_mem>>)
        %slice3A_534 = vector.extract_strided_slice %get3A_223 {offsets = [13], sizes = [1], strides = [1]} : vector<16xi32> to vector<1xi32>
        %squeeze3A_535 = vector.extract %slice3A_534[0] : i32 from vector<1xi32>
        %add3A_536 = arith.constant 13 : i32
        %add3A_537 = arith.addi %mul3A_220, %add3A_536 : i32
        %dma_start3A_538 = arith.constant 0 : i32
        %dma_start3A_539 = arith.constant 0 : i32
        %dma_start3A_540 = tpu.memref_slice %arg8[%scan3A_135, %dma_start3A_538, %dma_start3A_539] : memref<2x208x64xf32, #tpu.memory_space<vmem>> -> memref<1x208x64xf32, #tpu.memory_space<vmem>>
        %dma_start3A_541 = tpu.memref_squeeze %dma_start3A_540 : memref<1x208x64xf32, #tpu.memory_space<vmem>> -> memref<208x64xf32, #tpu.memory_space<vmem>>
        %dma_start3A_542 = arith.constant 0 : i32
        %dma_start3A_543 = tpu.memref_slice %dma_start3A_541[%add3A_537, %dma_start3A_542] : memref<208x64xf32, #tpu.memory_space<vmem>> -> memref<1x64xf32, #tpu.memory_space<vmem>>
        %dma_start3A_544 = tpu.memref_squeeze %dma_start3A_543 : memref<1x64xf32, #tpu.memory_space<vmem>> -> memref<64xf32, #tpu.memory_space<vmem>>
        %dma_start3A_545 = arith.constant 0 : i32
        %dma_start3A_546 = tpu.memref_slice %arg3[%squeeze3A_535, %dma_start3A_545] : memref<1000000x64xf32, #tpu.memory_space<hbm>> -> memref<1x64xf32, #tpu.memory_space<hbm>>
        %dma_start3A_547 = tpu.memref_squeeze %dma_start3A_546 : memref<1x64xf32, #tpu.memory_space<hbm>> -> memref<64xf32, #tpu.memory_space<hbm>>
        %dma_start3A_548 = arith.constant 0 : i32
        %dma_start3A_549 = arith.constant 0 : i32
        %dma_start3A_550 = tpu.memref_slice %arg8[%scan3A_135, %dma_start3A_548, %dma_start3A_549] : memref<2x208x64xf32, #tpu.memory_space<vmem>> -> memref<1x208x64xf32, #tpu.memory_space<vmem>>
        %dma_start3A_551 = tpu.memref_squeeze %dma_start3A_550 : memref<1x208x64xf32, #tpu.memory_space<vmem>> -> memref<208x64xf32, #tpu.memory_space<vmem>>
        %dma_start3A_552 = arith.constant 0 : i32
        %dma_start3A_553 = tpu.memref_slice %dma_start3A_551[%add3A_537, %dma_start3A_552] : memref<208x64xf32, #tpu.memory_space<vmem>> -> memref<1x64xf32, #tpu.memory_space<vmem>>
        %dma_start3A_554 = tpu.memref_squeeze %dma_start3A_553 : memref<1x64xf32, #tpu.memory_space<vmem>> -> memref<64xf32, #tpu.memory_space<vmem>>
        %dma_start3A_555 = arith.constant 0 : i32
        %dma_start3A_556 = tpu.memref_slice %arg3[%squeeze3A_535, %dma_start3A_555] : memref<1000000x64xf32, #tpu.memory_space<hbm>> -> memref<1x64xf32, #tpu.memory_space<hbm>>
        %dma_start3A_557 = tpu.memref_squeeze %dma_start3A_556 : memref<1x64xf32, #tpu.memory_space<hbm>> -> memref<64xf32, #tpu.memory_space<hbm>>
        tpu.enqueue_dma source(%dma_start3A_557 : memref<64xf32, #tpu.memory_space<hbm>>) target(%dma_start3A_554 : memref<64xf32, #tpu.memory_space<vmem>>) target_semaphore(%arg10 : memref<!tpu.dma_semaphore, #tpu.memory_space<semaphore_mem>>)
        %slice3A_558 = vector.extract_strided_slice %get3A_223 {offsets = [14], sizes = [1], strides = [1]} : vector<16xi32> to vector<1xi32>
        %squeeze3A_559 = vector.extract %slice3A_558[0] : i32 from vector<1xi32>
        %add3A_560 = arith.constant 14 : i32
        %add3A_561 = arith.addi %mul3A_220, %add3A_560 : i32
        %dma_start3A_562 = arith.constant 0 : i32
        %dma_start3A_563 = arith.constant 0 : i32
        %dma_start3A_564 = tpu.memref_slice %arg8[%scan3A_135, %dma_start3A_562, %dma_start3A_563] : memref<2x208x64xf32, #tpu.memory_space<vmem>> -> memref<1x208x64xf32, #tpu.memory_space<vmem>>
        %dma_start3A_565 = tpu.memref_squeeze %dma_start3A_564 : memref<1x208x64xf32, #tpu.memory_space<vmem>> -> memref<208x64xf32, #tpu.memory_space<vmem>>
        %dma_start3A_566 = arith.constant 0 : i32
        %dma_start3A_567 = tpu.memref_slice %dma_start3A_565[%add3A_561, %dma_start3A_566] : memref<208x64xf32, #tpu.memory_space<vmem>> -> memref<1x64xf32, #tpu.memory_space<vmem>>
        %dma_start3A_568 = tpu.memref_squeeze %dma_start3A_567 : memref<1x64xf32, #tpu.memory_space<vmem>> -> memref<64xf32, #tpu.memory_space<vmem>>
        %dma_start3A_569 = arith.constant 0 : i32
        %dma_start3A_570 = tpu.memref_slice %arg3[%squeeze3A_559, %dma_start3A_569] : memref<1000000x64xf32, #tpu.memory_space<hbm>> -> memref<1x64xf32, #tpu.memory_space<hbm>>
        %dma_start3A_571 = tpu.memref_squeeze %dma_start3A_570 : memref<1x64xf32, #tpu.memory_space<hbm>> -> memref<64xf32, #tpu.memory_space<hbm>>
        %dma_start3A_572 = arith.constant 0 : i32
        %dma_start3A_573 = arith.constant 0 : i32
        %dma_start3A_574 = tpu.memref_slice %arg8[%scan3A_135, %dma_start3A_572, %dma_start3A_573] : memref<2x208x64xf32, #tpu.memory_space<vmem>> -> memref<1x208x64xf32, #tpu.memory_space<vmem>>
        %dma_start3A_575 = tpu.memref_squeeze %dma_start3A_574 : memref<1x208x64xf32, #tpu.memory_space<vmem>> -> memref<208x64xf32, #tpu.memory_space<vmem>>
        %dma_start3A_576 = arith.constant 0 : i32
        %dma_start3A_577 = tpu.memref_slice %dma_start3A_575[%add3A_561, %dma_start3A_576] : memref<208x64xf32, #tpu.memory_space<vmem>> -> memref<1x64xf32, #tpu.memory_space<vmem>>
        %dma_start3A_578 = tpu.memref_squeeze %dma_start3A_577 : memref<1x64xf32, #tpu.memory_space<vmem>> -> memref<64xf32, #tpu.memory_space<vmem>>
        %dma_start3A_579 = arith.constant 0 : i32
        %dma_start3A_580 = tpu.memref_slice %arg3[%squeeze3A_559, %dma_start3A_579] : memref<1000000x64xf32, #tpu.memory_space<hbm>> -> memref<1x64xf32, #tpu.memory_space<hbm>>
        %dma_start3A_581 = tpu.memref_squeeze %dma_start3A_580 : memref<1x64xf32, #tpu.memory_space<hbm>> -> memref<64xf32, #tpu.memory_space<hbm>>
        tpu.enqueue_dma source(%dma_start3A_581 : memref<64xf32, #tpu.memory_space<hbm>>) target(%dma_start3A_578 : memref<64xf32, #tpu.memory_space<vmem>>) target_semaphore(%arg10 : memref<!tpu.dma_semaphore, #tpu.memory_space<semaphore_mem>>)
        %slice3A_582 = vector.extract_strided_slice %get3A_223 {offsets = [15], sizes = [1], strides = [1]} : vector<16xi32> to vector<1xi32>
        %squeeze3A_583 = vector.extract %slice3A_582[0] : i32 from vector<1xi32>
        %add3A_584 = arith.constant 15 : i32
        %add3A_585 = arith.addi %mul3A_220, %add3A_584 : i32
        %dma_start3A_586 = arith.constant 0 : i32
        %dma_start3A_587 = arith.constant 0 : i32
        %dma_start3A_588 = tpu.memref_slice %arg8[%scan3A_135, %dma_start3A_586, %dma_start3A_587] : memref<2x208x64xf32, #tpu.memory_space<vmem>> -> memref<1x208x64xf32, #tpu.memory_space<vmem>>
        %dma_start3A_589 = tpu.memref_squeeze %dma_start3A_588 : memref<1x208x64xf32, #tpu.memory_space<vmem>> -> memref<208x64xf32, #tpu.memory_space<vmem>>
        %dma_start3A_590 = arith.constant 0 : i32
        %dma_start3A_591 = tpu.memref_slice %dma_start3A_589[%add3A_585, %dma_start3A_590] : memref<208x64xf32, #tpu.memory_space<vmem>> -> memref<1x64xf32, #tpu.memory_space<vmem>>
        %dma_start3A_592 = tpu.memref_squeeze %dma_start3A_591 : memref<1x64xf32, #tpu.memory_space<vmem>> -> memref<64xf32, #tpu.memory_space<vmem>>
        %dma_start3A_593 = arith.constant 0 : i32
        %dma_start3A_594 = tpu.memref_slice %arg3[%squeeze3A_583, %dma_start3A_593] : memref<1000000x64xf32, #tpu.memory_space<hbm>> -> memref<1x64xf32, #tpu.memory_space<hbm>>
        %dma_start3A_595 = tpu.memref_squeeze %dma_start3A_594 : memref<1x64xf32, #tpu.memory_space<hbm>> -> memref<64xf32, #tpu.memory_space<hbm>>
        %dma_start3A_596 = arith.constant 0 : i32
        %dma_start3A_597 = arith.constant 0 : i32
        %dma_start3A_598 = tpu.memref_slice %arg8[%scan3A_135, %dma_start3A_596, %dma_start3A_597] : memref<2x208x64xf32, #tpu.memory_space<vmem>> -> memref<1x208x64xf32, #tpu.memory_space<vmem>>
        %dma_start3A_599 = tpu.memref_squeeze %dma_start3A_598 : memref<1x208x64xf32, #tpu.memory_space<vmem>> -> memref<208x64xf32, #tpu.memory_space<vmem>>
        %dma_start3A_600 = arith.constant 0 : i32
        %dma_start3A_601 = tpu.memref_slice %dma_start3A_599[%add3A_585, %dma_start3A_600] : memref<208x64xf32, #tpu.memory_space<vmem>> -> memref<1x64xf32, #tpu.memory_space<vmem>>
        %dma_start3A_602 = tpu.memref_squeeze %dma_start3A_601 : memref<1x64xf32, #tpu.memory_space<vmem>> -> memref<64xf32, #tpu.memory_space<vmem>>
        %dma_start3A_603 = arith.constant 0 : i32
        %dma_start3A_604 = tpu.memref_slice %arg3[%squeeze3A_583, %dma_start3A_603] : memref<1000000x64xf32, #tpu.memory_space<hbm>> -> memref<1x64xf32, #tpu.memory_space<hbm>>
        %dma_start3A_605 = tpu.memref_squeeze %dma_start3A_604 : memref<1x64xf32, #tpu.memory_space<hbm>> -> memref<64xf32, #tpu.memory_space<hbm>>
        tpu.enqueue_dma source(%dma_start3A_605 : memref<64xf32, #tpu.memory_space<hbm>>) target(%dma_start3A_602 : memref<64xf32, #tpu.memory_space<vmem>>) target_semaphore(%arg10 : memref<!tpu.dma_semaphore, #tpu.memory_space<semaphore_mem>>)
        %scan3A_606 = arith.constant 0 : i32
        scf.yield %scan3A_606 : i32
      }
      %scan3A_142 = arith.constant 13 : i32
      %gt3A_143 = arith.constant 0 : i32
      %gt3A_144 = arith.cmpi sgt, %scan3A_127, %gt3A_143 : i32
      %convert_element_type3A_145 = arith.extui %gt3A_144 : i1 to i32
      %cond3A_146 = arith.constant 0 : i32
      %cond3A_147 = arith.cmpi ne, %convert_element_type3A_145, %cond3A_146 : i32
      scf.if %cond3A_147 {
        %mul3A_217 = arith.constant 2 : i32
        %mul3A_218 = arith.muli %mul3A_217, %scan3A_127 : i32
        %add3A_219 = arith.addi %mul3A_2, %mul3A_218 : i32
        %sub3A_220 = arith.constant 1 : i32
        %sub3A_221 = arith.subi %add3A_219, %sub3A_220 : i32
        %dma_wait3A_222 = arith.constant 1 : i32
        %dma_wait3A_223 = arith.constant 0 : i32
        %dma_wait3A_224 = arith.constant 0 : i32
        %dma_wait3A_225 = tpu.memref_slice %arg8[%dma_wait3A_222, %dma_wait3A_223, %dma_wait3A_224] : memref<2x208x64xf32, #tpu.memory_space<vmem>> -> memref<1x208x64xf32, #tpu.memory_space<vmem>>
        %dma_wait3A_226 = tpu.memref_squeeze %dma_wait3A_225 : memref<1x208x64xf32, #tpu.memory_space<vmem>> -> memref<208x64xf32, #tpu.memory_space<vmem>>
        %dma_wait3A_227 = arith.constant 0 : i32
        %dma_wait3A_228 = arith.constant 0 : i32
        %dma_wait3A_229 = tpu.memref_slice %arg3[%dma_wait3A_227, %dma_wait3A_228] : memref<1000000x64xf32, #tpu.memory_space<hbm>> -> memref<208x64xf32, #tpu.memory_space<hbm>>
        %dma_wait3A_230 = arith.constant 0 : i32
        %dma_wait3A_231 = arith.constant 0 : i32
        %dma_wait3A_232 = tpu.memref_slice %arg8[%dma_wait3A_222, %dma_wait3A_230, %dma_wait3A_231] : memref<2x208x64xf32, #tpu.memory_space<vmem>> -> memref<1x208x64xf32, #tpu.memory_space<vmem>>
        %dma_wait3A_233 = tpu.memref_squeeze %dma_wait3A_232 : memref<1x208x64xf32, #tpu.memory_space<vmem>> -> memref<208x64xf32, #tpu.memory_space<vmem>>
        %dma_wait3A_234 = arith.constant 0 : i32
        %dma_wait3A_235 = arith.constant 0 : i32
        %dma_wait3A_236 = tpu.memref_slice %arg3[%dma_wait3A_234, %dma_wait3A_235] : memref<1000000x64xf32, #tpu.memory_space<hbm>> -> memref<208x64xf32, #tpu.memory_space<hbm>>
        tpu.wait_dma2 semaphore(%arg11 : memref<!tpu.dma_semaphore, #tpu.memory_space<semaphore_mem>>) src(%dma_wait3A_236 : memref<208x64xf32, #tpu.memory_space<hbm>>) dst(%dma_wait3A_233 : memref<208x64xf32, #tpu.memory_space<vmem>>)
        %scan3A_237 = arith.constant 1 : i32
        %scan3A_238 = arith.constant 0 : i32
        %scan3A_239 = arith.constant 0 : i32
        %scan3A_240 = arith.constant 800 : i32
        %scan3A_241 = arith.addi %scan3A_239, %scan3A_240 : i32
        %scan3A_242 = arith.constant 8 : i32
        %scan3A_243 = scf.for %scan3A_268 = %scan3A_239 to %scan3A_241 step %scan3A_242 iter_args(%scan3A_269 = %scan3A_238) -> (i32)  : i32 {
          %jit3A = arith.constant 4 : i32
          %div3A = arith.divsi %scan3A_268, %jit3A : i32
          %sign3A = arith.constant 0 : i32
          %sign3A_270 = arith.cmpi sgt, %scan3A_268, %sign3A : i32
          %sign3A_271 = arith.extui %sign3A_270 : i1 to i32
          %sign3A_272 = arith.constant 0 : i32
          %sign3A_273 = arith.cmpi slt, %scan3A_268, %sign3A_272 : i32
          %sign3A_274 = arith.extui %sign3A_273 : i1 to i32
          %sign3A_275 = arith.subi %sign3A_271, %sign3A_274 : i32
          %sign3A_276 = arith.constant 0 : i32
          %sign3A_277 = arith.cmpi sgt, %jit3A, %sign3A_276 : i32
          %sign3A_278 = arith.extui %sign3A_277 : i1 to i32
          %sign3A_279 = arith.constant 0 : i32
          %sign3A_280 = arith.cmpi slt, %jit3A, %sign3A_279 : i32
          %sign3A_281 = arith.extui %sign3A_280 : i1 to i32
          %sign3A_282 = arith.subi %sign3A_278, %sign3A_281 : i32
          %ne3A = arith.cmpi ne, %sign3A_275, %sign3A_282 : i32
          %rem3A = arith.remsi %scan3A_268, %jit3A : i32
          %ne3A_283 = arith.constant 0 : i32
          %ne3A_284 = arith.cmpi ne, %rem3A, %ne3A_283 : i32
          %and3A = arith.andi %ne3A, %ne3A_284 : i1
          %sub3A_285 = arith.constant 1 : i32
          %sub3A_286 = arith.subi %div3A, %sub3A_285 : i32
          %select_n3A = arith.select %and3A, %sub3A_286, %div3A : i32
          %jit3A_287 = arith.constant 4 : i32
          %eq3A = arith.constant 0 : i32
          %eq3A_288 = arith.cmpi eq, %jit3A_287, %eq3A : i32
          %jit3A_289 = arith.constant 1 : i32
          %select_n3A_290 = arith.select %eq3A_288, %jit3A_289, %jit3A_287 : i32
          %rem3A_291 = arith.remsi %scan3A_268, %select_n3A_290 : i32
          %ne3A_292 = arith.constant 0 : i32
          %ne3A_293 = arith.cmpi ne, %rem3A_291, %ne3A_292 : i32
          %lt3A = arith.constant 0 : i32
          %lt3A_294 = arith.cmpi slt, %rem3A_291, %lt3A : i32
          %lt3A_295 = arith.constant 0 : i32
          %lt3A_296 = arith.cmpi slt, %select_n3A_290, %lt3A_295 : i32
          %ne3A_297 = arith.xori %lt3A_294, %lt3A_296 : i1
          %and3A_298 = arith.andi %ne3A_297, %ne3A_293 : i1
          %add3A_299 = arith.addi %rem3A_291, %select_n3A_290 : i32
          %select_n3A_300 = arith.select %and3A_298, %add3A_299, %rem3A_291 : i32
          %mul3A_301 = arith.constant 16 : i32
          %mul3A_302 = arith.muli %select_n3A_300, %mul3A_301 : i32
          %get3A = arith.constant 0 : i32
          %get3A_303 = arith.constant 0 : i32
          %get3A_304 = tpu.memref_slice %arg8[%scan3A_237, %get3A, %get3A_303] : memref<2x208x64xf32, #tpu.memory_space<vmem>> -> memref<1x208x64xf32, #tpu.memory_space<vmem>>
          %get3A_305 = tpu.memref_squeeze %get3A_304 : memref<1x208x64xf32, #tpu.memory_space<vmem>> -> memref<208x64xf32, #tpu.memory_space<vmem>>
          %get3A_306 = arith.index_cast %select_n3A : i32 to index
          %get3A_307 = arith.index_cast %mul3A_302 : i32 to index
          %get3A_308 = tpu.vector_load %get3A_305[%get3A_306, %get3A_307] {strides = array<i32>} : memref<208x64xf32, #tpu.memory_space<vmem>>, vector<1x16xf32>,
          %get3A_309 = vector.shape_cast %get3A_308 : vector<1x16xf32> to vector<16xf32>
          %mul3A_310 = arith.constant 64 : i32
          %mul3A_311 = arith.muli %select_n3A, %mul3A_310 : i32
          %add3A_312 = arith.addi %mul3A_311, %mul3A_302 : i32
          %get3A_313 = arith.index_cast %add3A_312 : i32 to index
          %get3A_314 = tpu.vector_load %arg6[%get3A_313] {strides = array<i32>} : memref<12800xf32, #tpu.memory_space<vmem>>, vector<16xf32>,
          %get3A_315 = vector.shape_cast %get3A_314 : vector<16xf32> to vector<16xf32>
          %add3A_316 = arith.addf %get3A_309, %get3A_315 : vector<16xf32>
          %swap3A_317 = arith.constant 0 : i32
          %swap3A_318 = arith.constant 0 : i32
          %swap3A_319 = tpu.memref_slice %arg8[%scan3A_237, %swap3A_317, %swap3A_318] : memref<2x208x64xf32, #tpu.memory_space<vmem>> -> memref<1x208x64xf32, #tpu.memory_space<vmem>>
          %swap3A_320 = tpu.memref_squeeze %swap3A_319 : memref<1x208x64xf32, #tpu.memory_space<vmem>> -> memref<208x64xf32, #tpu.memory_space<vmem>>
          %swap3A_321 = arith.index_cast %select_n3A : i32 to index
          %swap3A_322 = arith.index_cast %mul3A_302 : i32 to index
          %swap3A_323 = tpu.vector_load %swap3A_320[%swap3A_321, %swap3A_322] {strides = array<i32>} : memref<208x64xf32, #tpu.memory_space<vmem>>, vector<1x16xf32>,
          %swap3A_324 = vector.shape_cast %swap3A_323 : vector<1x16xf32> to vector<16xf32>
          %swap3A_325 = vector.shape_cast %add3A_316 : vector<16xf32> to vector<1x16xf32>
          tpu.vector_store %swap3A_320[%swap3A_321, %swap3A_322], %swap3A_325 {strides = array<i32>} : memref<208x64xf32, #tpu.memory_space<vmem>>, vector<1x16xf32>,
          %scan3A_326 = arith.constant 0 : i32
          %scan3A_327 = arith.constant 1 : i32
          %scan3A_328 = arith.addi %scan3A_268, %scan3A_327 : i32
          %jit3A_329 = arith.constant 4 : i32
          %div3A_330 = arith.divsi %scan3A_328, %jit3A_329 : i32
          %sign3A_331 = arith.constant 0 : i32
          %sign3A_332 = arith.cmpi sgt, %scan3A_328, %sign3A_331 : i32
          %sign3A_333 = arith.extui %sign3A_332 : i1 to i32
          %sign3A_334 = arith.constant 0 : i32
          %sign3A_335 = arith.cmpi slt, %scan3A_328, %sign3A_334 : i32
          %sign3A_336 = arith.extui %sign3A_335 : i1 to i32
          %sign3A_337 = arith.subi %sign3A_333, %sign3A_336 : i32
          %sign3A_338 = arith.constant 0 : i32
          %sign3A_339 = arith.cmpi sgt, %jit3A_329, %sign3A_338 : i32
          %sign3A_340 = arith.extui %sign3A_339 : i1 to i32
          %sign3A_341 = arith.constant 0 : i32
          %sign3A_342 = arith.cmpi slt, %jit3A_329, %sign3A_341 : i32
          %sign3A_343 = arith.extui %sign3A_342 : i1 to i32
          %sign3A_344 = arith.subi %sign3A_340, %sign3A_343 : i32
          %ne3A_345 = arith.cmpi ne, %sign3A_337, %sign3A_344 : i32
          %rem3A_346 = arith.remsi %scan3A_328, %jit3A_329 : i32
          %ne3A_347 = arith.constant 0 : i32
          %ne3A_348 = arith.cmpi ne, %rem3A_346, %ne3A_347 : i32
          %and3A_349 = arith.andi %ne3A_345, %ne3A_348 : i1
          %sub3A_350 = arith.constant 1 : i32
          %sub3A_351 = arith.subi %div3A_330, %sub3A_350 : i32
          %select_n3A_352 = arith.select %and3A_349, %sub3A_351, %div3A_330 : i32
          %jit3A_353 = arith.constant 4 : i32
          %eq3A_354 = arith.constant 0 : i32
          %eq3A_355 = arith.cmpi eq, %jit3A_353, %eq3A_354 : i32
          %jit3A_356 = arith.constant 1 : i32
          %select_n3A_357 = arith.select %eq3A_355, %jit3A_356, %jit3A_353 : i32
          %rem3A_358 = arith.remsi %scan3A_328, %select_n3A_357 : i32
          %ne3A_359 = arith.constant 0 : i32
          %ne3A_360 = arith.cmpi ne, %rem3A_358, %ne3A_359 : i32
          %lt3A_361 = arith.constant 0 : i32
          %lt3A_362 = arith.cmpi slt, %rem3A_358, %lt3A_361 : i32
          %lt3A_363 = arith.constant 0 : i32
          %lt3A_364 = arith.cmpi slt, %select_n3A_357, %lt3A_363 : i32
          %ne3A_365 = arith.xori %lt3A_362, %lt3A_364 : i1
          %and3A_366 = arith.andi %ne3A_365, %ne3A_360 : i1
          %add3A_367 = arith.addi %rem3A_358, %select_n3A_357 : i32
          %select_n3A_368 = arith.select %and3A_366, %add3A_367, %rem3A_358 : i32
          %mul3A_369 = arith.constant 16 : i32
          %mul3A_370 = arith.muli %select_n3A_368, %mul3A_369 : i32
          %get3A_371 = arith.constant 0 : i32
          %get3A_372 = arith.constant 0 : i32
          %get3A_373 = tpu.memref_slice %arg8[%scan3A_237, %get3A_371, %get3A_372] : memref<2x208x64xf32, #tpu.memory_space<vmem>> -> memref<1x208x64xf32, #tpu.memory_space<vmem>>
          %get3A_374 = tpu.memref_squeeze %get3A_373 : memref<1x208x64xf32, #tpu.memory_space<vmem>> -> memref<208x64xf32, #tpu.memory_space<vmem>>
          %get3A_375 = arith.index_cast %select_n3A_352 : i32 to index
          %get3A_376 = arith.index_cast %mul3A_370 : i32 to index
          %get3A_377 = tpu.vector_load %get3A_374[%get3A_375, %get3A_376] {strides = array<i32>} : memref<208x64xf32, #tpu.memory_space<vmem>>, vector<1x16xf32>,
          %get3A_378 = vector.shape_cast %get3A_377 : vector<1x16xf32> to vector<16xf32>
          %mul3A_379 = arith.constant 64 : i32
          %mul3A_380 = arith.muli %select_n3A_352, %mul3A_379 : i32
          %add3A_381 = arith.addi %mul3A_380, %mul3A_370 : i32
          %get3A_382 = arith.index_cast %add3A_381 : i32 to index
          %get3A_383 = tpu.vector_load %arg6[%get3A_382] {strides = array<i32>} : memref<12800xf32, #tpu.memory_space<vmem>>, vector<16xf32>,
          %get3A_384 = vector.shape_cast %get3A_383 : vector<16xf32> to vector<16xf32>
          %add3A_385 = arith.addf %get3A_378, %get3A_384 : vector<16xf32>
          %swap3A_386 = arith.constant 0 : i32
          %swap3A_387 = arith.constant 0 : i32
          %swap3A_388 = tpu.memref_slice %arg8[%scan3A_237, %swap3A_386, %swap3A_387] : memref<2x208x64xf32, #tpu.memory_space<vmem>> -> memref<1x208x64xf32, #tpu.memory_space<vmem>>
          %swap3A_389 = tpu.memref_squeeze %swap3A_388 : memref<1x208x64xf32, #tpu.memory_space<vmem>> -> memref<208x64xf32, #tpu.memory_space<vmem>>
          %swap3A_390 = arith.index_cast %select_n3A_352 : i32 to index
          %swap3A_391 = arith.index_cast %mul3A_370 : i32 to index
          %swap3A_392 = tpu.vector_load %swap3A_389[%swap3A_390, %swap3A_391] {strides = array<i32>} : memref<208x64xf32, #tpu.memory_space<vmem>>, vector<1x16xf32>,
          %swap3A_393 = vector.shape_cast %swap3A_392 : vector<1x16xf32> to vector<16xf32>
          %swap3A_394 = vector.shape_cast %add3A_385 : vector<16xf32> to vector<1x16xf32>
          tpu.vector_store %swap3A_389[%swap3A_390, %swap3A_391], %swap3A_394 {strides = array<i32>} : memref<208x64xf32, #tpu.memory_space<vmem>>, vector<1x16xf32>,
          %scan3A_395 = arith.constant 0 : i32
          %scan3A_396 = arith.constant 2 : i32
          %scan3A_397 = arith.addi %scan3A_268, %scan3A_396 : i32
          %jit3A_398 = arith.constant 4 : i32
          %div3A_399 = arith.divsi %scan3A_397, %jit3A_398 : i32
          %sign3A_400 = arith.constant 0 : i32
          %sign3A_401 = arith.cmpi sgt, %scan3A_397, %sign3A_400 : i32
          %sign3A_402 = arith.extui %sign3A_401 : i1 to i32
          %sign3A_403 = arith.constant 0 : i32
          %sign3A_404 = arith.cmpi slt, %scan3A_397, %sign3A_403 : i32
          %sign3A_405 = arith.extui %sign3A_404 : i1 to i32
          %sign3A_406 = arith.subi %sign3A_402, %sign3A_405 : i32
          %sign3A_407 = arith.constant 0 : i32
          %sign3A_408 = arith.cmpi sgt, %jit3A_398, %sign3A_407 : i32
          %sign3A_409 = arith.extui %sign3A_408 : i1 to i32
          %sign3A_410 = arith.constant 0 : i32
          %sign3A_411 = arith.cmpi slt, %jit3A_398, %sign3A_410 : i32
          %sign3A_412 = arith.extui %sign3A_411 : i1 to i32
          %sign3A_413 = arith.subi %sign3A_409, %sign3A_412 : i32
          %ne3A_414 = arith.cmpi ne, %sign3A_406, %sign3A_413 : i32
          %rem3A_415 = arith.remsi %scan3A_397, %jit3A_398 : i32
          %ne3A_416 = arith.constant 0 : i32
          %ne3A_417 = arith.cmpi ne, %rem3A_415, %ne3A_416 : i32
          %and3A_418 = arith.andi %ne3A_414, %ne3A_417 : i1
          %sub3A_419 = arith.constant 1 : i32
          %sub3A_420 = arith.subi %div3A_399, %sub3A_419 : i32
          %select_n3A_421 = arith.select %and3A_418, %sub3A_420, %div3A_399 : i32
          %jit3A_422 = arith.constant 4 : i32
          %eq3A_423 = arith.constant 0 : i32
          %eq3A_424 = arith.cmpi eq, %jit3A_422, %eq3A_423 : i32
          %jit3A_425 = arith.constant 1 : i32
          %select_n3A_426 = arith.select %eq3A_424, %jit3A_425, %jit3A_422 : i32
          %rem3A_427 = arith.remsi %scan3A_397, %select_n3A_426 : i32
          %ne3A_428 = arith.constant 0 : i32
          %ne3A_429 = arith.cmpi ne, %rem3A_427, %ne3A_428 : i32
          %lt3A_430 = arith.constant 0 : i32
          %lt3A_431 = arith.cmpi slt, %rem3A_427, %lt3A_430 : i32
          %lt3A_432 = arith.constant 0 : i32
          %lt3A_433 = arith.cmpi slt, %select_n3A_426, %lt3A_432 : i32
          %ne3A_434 = arith.xori %lt3A_431, %lt3A_433 : i1
          %and3A_435 = arith.andi %ne3A_434, %ne3A_429 : i1
          %add3A_436 = arith.addi %rem3A_427, %select_n3A_426 : i32
          %select_n3A_437 = arith.select %and3A_435, %add3A_436, %rem3A_427 : i32
          %mul3A_438 = arith.constant 16 : i32
          %mul3A_439 = arith.muli %select_n3A_437, %mul3A_438 : i32
          %get3A_440 = arith.constant 0 : i32
          %get3A_441 = arith.constant 0 : i32
          %get3A_442 = tpu.memref_slice %arg8[%scan3A_237, %get3A_440, %get3A_441] : memref<2x208x64xf32, #tpu.memory_space<vmem>> -> memref<1x208x64xf32, #tpu.memory_space<vmem>>
          %get3A_443 = tpu.memref_squeeze %get3A_442 : memref<1x208x64xf32, #tpu.memory_space<vmem>> -> memref<208x64xf32, #tpu.memory_space<vmem>>
          %get3A_444 = arith.index_cast %select_n3A_421 : i32 to index
          %get3A_445 = arith.index_cast %mul3A_439 : i32 to index
          %get3A_446 = tpu.vector_load %get3A_443[%get3A_444, %get3A_445] {strides = array<i32>} : memref<208x64xf32, #tpu.memory_space<vmem>>, vector<1x16xf32>,
          %get3A_447 = vector.shape_cast %get3A_446 : vector<1x16xf32> to vector<16xf32>
          %mul3A_448 = arith.constant 64 : i32
          %mul3A_449 = arith.muli %select_n3A_421, %mul3A_448 : i32
          %add3A_450 = arith.addi %mul3A_449, %mul3A_439 : i32
          %get3A_451 = arith.index_cast %add3A_450 : i32 to index
          %get3A_452 = tpu.vector_load %arg6[%get3A_451] {strides = array<i32>} : memref<12800xf32, #tpu.memory_space<vmem>>, vector<16xf32>,
          %get3A_453 = vector.shape_cast %get3A_452 : vector<16xf32> to vector<16xf32>
          %add3A_454 = arith.addf %get3A_447, %get3A_453 : vector<16xf32>
          %swap3A_455 = arith.constant 0 : i32
          %swap3A_456 = arith.constant 0 : i32
          %swap3A_457 = tpu.memref_slice %arg8[%scan3A_237, %swap3A_455, %swap3A_456] : memref<2x208x64xf32, #tpu.memory_space<vmem>> -> memref<1x208x64xf32, #tpu.memory_space<vmem>>
          %swap3A_458 = tpu.memref_squeeze %swap3A_457 : memref<1x208x64xf32, #tpu.memory_space<vmem>> -> memref<208x64xf32, #tpu.memory_space<vmem>>
          %swap3A_459 = arith.index_cast %select_n3A_421 : i32 to index
          %swap3A_460 = arith.index_cast %mul3A_439 : i32 to index
          %swap3A_461 = tpu.vector_load %swap3A_458[%swap3A_459, %swap3A_460] {strides = array<i32>} : memref<208x64xf32, #tpu.memory_space<vmem>>, vector<1x16xf32>,
          %swap3A_462 = vector.shape_cast %swap3A_461 : vector<1x16xf32> to vector<16xf32>
          %swap3A_463 = vector.shape_cast %add3A_454 : vector<16xf32> to vector<1x16xf32>
          tpu.vector_store %swap3A_458[%swap3A_459, %swap3A_460], %swap3A_463 {strides = array<i32>} : memref<208x64xf32, #tpu.memory_space<vmem>>, vector<1x16xf32>,
          %scan3A_464 = arith.constant 0 : i32
          %scan3A_465 = arith.constant 3 : i32
          %scan3A_466 = arith.addi %scan3A_268, %scan3A_465 : i32
          %jit3A_467 = arith.constant 4 : i32
          %div3A_468 = arith.divsi %scan3A_466, %jit3A_467 : i32
          %sign3A_469 = arith.constant 0 : i32
          %sign3A_470 = arith.cmpi sgt, %scan3A_466, %sign3A_469 : i32
          %sign3A_471 = arith.extui %sign3A_470 : i1 to i32
          %sign3A_472 = arith.constant 0 : i32
          %sign3A_473 = arith.cmpi slt, %scan3A_466, %sign3A_472 : i32
          %sign3A_474 = arith.extui %sign3A_473 : i1 to i32
          %sign3A_475 = arith.subi %sign3A_471, %sign3A_474 : i32
          %sign3A_476 = arith.constant 0 : i32
          %sign3A_477 = arith.cmpi sgt, %jit3A_467, %sign3A_476 : i32
          %sign3A_478 = arith.extui %sign3A_477 : i1 to i32
          %sign3A_479 = arith.constant 0 : i32
          %sign3A_480 = arith.cmpi slt, %jit3A_467, %sign3A_479 : i32
          %sign3A_481 = arith.extui %sign3A_480 : i1 to i32
          %sign3A_482 = arith.subi %sign3A_478, %sign3A_481 : i32
          %ne3A_483 = arith.cmpi ne, %sign3A_475, %sign3A_482 : i32
          %rem3A_484 = arith.remsi %scan3A_466, %jit3A_467 : i32
          %ne3A_485 = arith.constant 0 : i32
          %ne3A_486 = arith.cmpi ne, %rem3A_484, %ne3A_485 : i32
          %and3A_487 = arith.andi %ne3A_483, %ne3A_486 : i1
          %sub3A_488 = arith.constant 1 : i32
          %sub3A_489 = arith.subi %div3A_468, %sub3A_488 : i32
          %select_n3A_490 = arith.select %and3A_487, %sub3A_489, %div3A_468 : i32
          %jit3A_491 = arith.constant 4 : i32
          %eq3A_492 = arith.constant 0 : i32
          %eq3A_493 = arith.cmpi eq, %jit3A_491, %eq3A_492 : i32
          %jit3A_494 = arith.constant 1 : i32
          %select_n3A_495 = arith.select %eq3A_493, %jit3A_494, %jit3A_491 : i32
          %rem3A_496 = arith.remsi %scan3A_466, %select_n3A_495 : i32
          %ne3A_497 = arith.constant 0 : i32
          %ne3A_498 = arith.cmpi ne, %rem3A_496, %ne3A_497 : i32
          %lt3A_499 = arith.constant 0 : i32
          %lt3A_500 = arith.cmpi slt, %rem3A_496, %lt3A_499 : i32
          %lt3A_501 = arith.constant 0 : i32
          %lt3A_502 = arith.cmpi slt, %select_n3A_495, %lt3A_501 : i32
          %ne3A_503 = arith.xori %lt3A_500, %lt3A_502 : i1
          %and3A_504 = arith.andi %ne3A_503, %ne3A_498 : i1
          %add3A_505 = arith.addi %rem3A_496, %select_n3A_495 : i32
          %select_n3A_506 = arith.select %and3A_504, %add3A_505, %rem3A_496 : i32
          %mul3A_507 = arith.constant 16 : i32
          %mul3A_508 = arith.muli %select_n3A_506, %mul3A_507 : i32
          %get3A_509 = arith.constant 0 : i32
          %get3A_510 = arith.constant 0 : i32
          %get3A_511 = tpu.memref_slice %arg8[%scan3A_237, %get3A_509, %get3A_510] : memref<2x208x64xf32, #tpu.memory_space<vmem>> -> memref<1x208x64xf32, #tpu.memory_space<vmem>>
          %get3A_512 = tpu.memref_squeeze %get3A_511 : memref<1x208x64xf32, #tpu.memory_space<vmem>> -> memref<208x64xf32, #tpu.memory_space<vmem>>
          %get3A_513 = arith.index_cast %select_n3A_490 : i32 to index
          %get3A_514 = arith.index_cast %mul3A_508 : i32 to index
          %get3A_515 = tpu.vector_load %get3A_512[%get3A_513, %get3A_514] {strides = array<i32>} : memref<208x64xf32, #tpu.memory_space<vmem>>, vector<1x16xf32>,
          %get3A_516 = vector.shape_cast %get3A_515 : vector<1x16xf32> to vector<16xf32>
          %mul3A_517 = arith.constant 64 : i32
          %mul3A_518 = arith.muli %select_n3A_490, %mul3A_517 : i32
          %add3A_519 = arith.addi %mul3A_518, %mul3A_508 : i32
          %get3A_520 = arith.index_cast %add3A_519 : i32 to index
          %get3A_521 = tpu.vector_load %arg6[%get3A_520] {strides = array<i32>} : memref<12800xf32, #tpu.memory_space<vmem>>, vector<16xf32>,
          %get3A_522 = vector.shape_cast %get3A_521 : vector<16xf32> to vector<16xf32>
          %add3A_523 = arith.addf %get3A_516, %get3A_522 : vector<16xf32>
          %swap3A_524 = arith.constant 0 : i32
          %swap3A_525 = arith.constant 0 : i32
          %swap3A_526 = tpu.memref_slice %arg8[%scan3A_237, %swap3A_524, %swap3A_525] : memref<2x208x64xf32, #tpu.memory_space<vmem>> -> memref<1x208x64xf32, #tpu.memory_space<vmem>>
          %swap3A_527 = tpu.memref_squeeze %swap3A_526 : memref<1x208x64xf32, #tpu.memory_space<vmem>> -> memref<208x64xf32, #tpu.memory_space<vmem>>
          %swap3A_528 = arith.index_cast %select_n3A_490 : i32 to index
          %swap3A_529 = arith.index_cast %mul3A_508 : i32 to index
          %swap3A_530 = tpu.vector_load %swap3A_527[%swap3A_528, %swap3A_529] {strides = array<i32>} : memref<208x64xf32, #tpu.memory_space<vmem>>, vector<1x16xf32>,
          %swap3A_531 = vector.shape_cast %swap3A_530 : vector<1x16xf32> to vector<16xf32>
          %swap3A_532 = vector.shape_cast %add3A_523 : vector<16xf32> to vector<1x16xf32>
          tpu.vector_store %swap3A_527[%swap3A_528, %swap3A_529], %swap3A_532 {strides = array<i32>} : memref<208x64xf32, #tpu.memory_space<vmem>>, vector<1x16xf32>,
          %scan3A_533 = arith.constant 0 : i32
          %scan3A_534 = arith.constant 4 : i32
          %scan3A_535 = arith.addi %scan3A_268, %scan3A_534 : i32
          %jit3A_536 = arith.constant 4 : i32
          %div3A_537 = arith.divsi %scan3A_535, %jit3A_536 : i32
          %sign3A_538 = arith.constant 0 : i32
          %sign3A_539 = arith.cmpi sgt, %scan3A_535, %sign3A_538 : i32
          %sign3A_540 = arith.extui %sign3A_539 : i1 to i32
          %sign3A_541 = arith.constant 0 : i32
          %sign3A_542 = arith.cmpi slt, %scan3A_535, %sign3A_541 : i32
          %sign3A_543 = arith.extui %sign3A_542 : i1 to i32
          %sign3A_544 = arith.subi %sign3A_540, %sign3A_543 : i32
          %sign3A_545 = arith.constant 0 : i32
          %sign3A_546 = arith.cmpi sgt, %jit3A_536, %sign3A_545 : i32
          %sign3A_547 = arith.extui %sign3A_546 : i1 to i32
          %sign3A_548 = arith.constant 0 : i32
          %sign3A_549 = arith.cmpi slt, %jit3A_536, %sign3A_548 : i32
          %sign3A_550 = arith.extui %sign3A_549 : i1 to i32
          %sign3A_551 = arith.subi %sign3A_547, %sign3A_550 : i32
          %ne3A_552 = arith.cmpi ne, %sign3A_544, %sign3A_551 : i32
          %rem3A_553 = arith.remsi %scan3A_535, %jit3A_536 : i32
          %ne3A_554 = arith.constant 0 : i32
          %ne3A_555 = arith.cmpi ne, %rem3A_553, %ne3A_554 : i32
          %and3A_556 = arith.andi %ne3A_552, %ne3A_555 : i1
          %sub3A_557 = arith.constant 1 : i32
          %sub3A_558 = arith.subi %div3A_537, %sub3A_557 : i32
          %select_n3A_559 = arith.select %and3A_556, %sub3A_558, %div3A_537 : i32
          %jit3A_560 = arith.constant 4 : i32
          %eq3A_561 = arith.constant 0 : i32
          %eq3A_562 = arith.cmpi eq, %jit3A_560, %eq3A_561 : i32
          %jit3A_563 = arith.constant 1 : i32
          %select_n3A_564 = arith.select %eq3A_562, %jit3A_563, %jit3A_560 : i32
          %rem3A_565 = arith.remsi %scan3A_535, %select_n3A_564 : i32
          %ne3A_566 = arith.constant 0 : i32
          %ne3A_567 = arith.cmpi ne, %rem3A_565, %ne3A_566 : i32
          %lt3A_568 = arith.constant 0 : i32
          %lt3A_569 = arith.cmpi slt, %rem3A_565, %lt3A_568 : i32
          %lt3A_570 = arith.constant 0 : i32
          %lt3A_571 = arith.cmpi slt, %select_n3A_564, %lt3A_570 : i32
          %ne3A_572 = arith.xori %lt3A_569, %lt3A_571 : i1
          %and3A_573 = arith.andi %ne3A_572, %ne3A_567 : i1
          %add3A_574 = arith.addi %rem3A_565, %select_n3A_564 : i32
          %select_n3A_575 = arith.select %and3A_573, %add3A_574, %rem3A_565 : i32
          %mul3A_576 = arith.constant 16 : i32
          %mul3A_577 = arith.muli %select_n3A_575, %mul3A_576 : i32
          %get3A_578 = arith.constant 0 : i32
          %get3A_579 = arith.constant 0 : i32
          %get3A_580 = tpu.memref_slice %arg8[%scan3A_237, %get3A_578, %get3A_579] : memref<2x208x64xf32, #tpu.memory_space<vmem>> -> memref<1x208x64xf32, #tpu.memory_space<vmem>>
          %get3A_581 = tpu.memref_squeeze %get3A_580 : memref<1x208x64xf32, #tpu.memory_space<vmem>> -> memref<208x64xf32, #tpu.memory_space<vmem>>
          %get3A_582 = arith.index_cast %select_n3A_559 : i32 to index
          %get3A_583 = arith.index_cast %mul3A_577 : i32 to index
          %get3A_584 = tpu.vector_load %get3A_581[%get3A_582, %get3A_583] {strides = array<i32>} : memref<208x64xf32, #tpu.memory_space<vmem>>, vector<1x16xf32>,
          %get3A_585 = vector.shape_cast %get3A_584 : vector<1x16xf32> to vector<16xf32>
          %mul3A_586 = arith.constant 64 : i32
          %mul3A_587 = arith.muli %select_n3A_559, %mul3A_586 : i32
          %add3A_588 = arith.addi %mul3A_587, %mul3A_577 : i32
          %get3A_589 = arith.index_cast %add3A_588 : i32 to index
          %get3A_590 = tpu.vector_load %arg6[%get3A_589] {strides = array<i32>} : memref<12800xf32, #tpu.memory_space<vmem>>, vector<16xf32>,
          %get3A_591 = vector.shape_cast %get3A_590 : vector<16xf32> to vector<16xf32>
          %add3A_592 = arith.addf %get3A_585, %get3A_591 : vector<16xf32>
          %swap3A_593 = arith.constant 0 : i32
          %swap3A_594 = arith.constant 0 : i32
          %swap3A_595 = tpu.memref_slice %arg8[%scan3A_237, %swap3A_593, %swap3A_594] : memref<2x208x64xf32, #tpu.memory_space<vmem>> -> memref<1x208x64xf32, #tpu.memory_space<vmem>>
          %swap3A_596 = tpu.memref_squeeze %swap3A_595 : memref<1x208x64xf32, #tpu.memory_space<vmem>> -> memref<208x64xf32, #tpu.memory_space<vmem>>
          %swap3A_597 = arith.index_cast %select_n3A_559 : i32 to index
          %swap3A_598 = arith.index_cast %mul3A_577 : i32 to index
          %swap3A_599 = tpu.vector_load %swap3A_596[%swap3A_597, %swap3A_598] {strides = array<i32>} : memref<208x64xf32, #tpu.memory_space<vmem>>, vector<1x16xf32>,
          %swap3A_600 = vector.shape_cast %swap3A_599 : vector<1x16xf32> to vector<16xf32>
          %swap3A_601 = vector.shape_cast %add3A_592 : vector<16xf32> to vector<1x16xf32>
          tpu.vector_store %swap3A_596[%swap3A_597, %swap3A_598], %swap3A_601 {strides = array<i32>} : memref<208x64xf32, #tpu.memory_space<vmem>>, vector<1x16xf32>,
          %scan3A_602 = arith.constant 0 : i32
          %scan3A_603 = arith.constant 5 : i32
          %scan3A_604 = arith.addi %scan3A_268, %scan3A_603 : i32
          %jit3A_605 = arith.constant 4 : i32
          %div3A_606 = arith.divsi %scan3A_604, %jit3A_605 : i32
          %sign3A_607 = arith.constant 0 : i32
          %sign3A_608 = arith.cmpi sgt, %scan3A_604, %sign3A_607 : i32
          %sign3A_609 = arith.extui %sign3A_608 : i1 to i32
          %sign3A_610 = arith.constant 0 : i32
          %sign3A_611 = arith.cmpi slt, %scan3A_604, %sign3A_610 : i32
          %sign3A_612 = arith.extui %sign3A_611 : i1 to i32
          %sign3A_613 = arith.subi %sign3A_609, %sign3A_612 : i32
          %sign3A_614 = arith.constant 0 : i32
          %sign3A_615 = arith.cmpi sgt, %jit3A_605, %sign3A_614 : i32
          %sign3A_616 = arith.extui %sign3A_615 : i1 to i32
          %sign3A_617 = arith.constant 0 : i32
          %sign3A_618 = arith.cmpi slt, %jit3A_605, %sign3A_617 : i32
          %sign3A_619 = arith.extui %sign3A_618 : i1 to i32
          %sign3A_620 = arith.subi %sign3A_616, %sign3A_619 : i32
          %ne3A_621 = arith.cmpi ne, %sign3A_613, %sign3A_620 : i32
          %rem3A_622 = arith.remsi %scan3A_604, %jit3A_605 : i32
          %ne3A_623 = arith.constant 0 : i32
          %ne3A_624 = arith.cmpi ne, %rem3A_622, %ne3A_623 : i32
          %and3A_625 = arith.andi %ne3A_621, %ne3A_624 : i1
          %sub3A_626 = arith.constant 1 : i32
          %sub3A_627 = arith.subi %div3A_606, %sub3A_626 : i32
          %select_n3A_628 = arith.select %and3A_625, %sub3A_627, %div3A_606 : i32
          %jit3A_629 = arith.constant 4 : i32
          %eq3A_630 = arith.constant 0 : i32
          %eq3A_631 = arith.cmpi eq, %jit3A_629, %eq3A_630 : i32
          %jit3A_632 = arith.constant 1 : i32
          %select_n3A_633 = arith.select %eq3A_631, %jit3A_632, %jit3A_629 : i32
          %rem3A_634 = arith.remsi %scan3A_604, %select_n3A_633 : i32
          %ne3A_635 = arith.constant 0 : i32
          %ne3A_636 = arith.cmpi ne, %rem3A_634, %ne3A_635 : i32
          %lt3A_637 = arith.constant 0 : i32
          %lt3A_638 = arith.cmpi slt, %rem3A_634, %lt3A_637 : i32
          %lt3A_639 = arith.constant 0 : i32
          %lt3A_640 = arith.cmpi slt, %select_n3A_633, %lt3A_639 : i32
          %ne3A_641 = arith.xori %lt3A_638, %lt3A_640 : i1
          %and3A_642 = arith.andi %ne3A_641, %ne3A_636 : i1
          %add3A_643 = arith.addi %rem3A_634, %select_n3A_633 : i32
          %select_n3A_644 = arith.select %and3A_642, %add3A_643, %rem3A_634 : i32
          %mul3A_645 = arith.constant 16 : i32
          %mul3A_646 = arith.muli %select_n3A_644, %mul3A_645 : i32
          %get3A_647 = arith.constant 0 : i32
          %get3A_648 = arith.constant 0 : i32
          %get3A_649 = tpu.memref_slice %arg8[%scan3A_237, %get3A_647, %get3A_648] : memref<2x208x64xf32, #tpu.memory_space<vmem>> -> memref<1x208x64xf32, #tpu.memory_space<vmem>>
          %get3A_650 = tpu.memref_squeeze %get3A_649 : memref<1x208x64xf32, #tpu.memory_space<vmem>> -> memref<208x64xf32, #tpu.memory_space<vmem>>
          %get3A_651 = arith.index_cast %select_n3A_628 : i32 to index
          %get3A_652 = arith.index_cast %mul3A_646 : i32 to index
          %get3A_653 = tpu.vector_load %get3A_650[%get3A_651, %get3A_652] {strides = array<i32>} : memref<208x64xf32, #tpu.memory_space<vmem>>, vector<1x16xf32>,
          %get3A_654 = vector.shape_cast %get3A_653 : vector<1x16xf32> to vector<16xf32>
          %mul3A_655 = arith.constant 64 : i32
          %mul3A_656 = arith.muli %select_n3A_628, %mul3A_655 : i32
          %add3A_657 = arith.addi %mul3A_656, %mul3A_646 : i32
          %get3A_658 = arith.index_cast %add3A_657 : i32 to index
          %get3A_659 = tpu.vector_load %arg6[%get3A_658] {strides = array<i32>} : memref<12800xf32, #tpu.memory_space<vmem>>, vector<16xf32>,
          %get3A_660 = vector.shape_cast %get3A_659 : vector<16xf32> to vector<16xf32>
          %add3A_661 = arith.addf %get3A_654, %get3A_660 : vector<16xf32>
          %swap3A_662 = arith.constant 0 : i32
          %swap3A_663 = arith.constant 0 : i32
          %swap3A_664 = tpu.memref_slice %arg8[%scan3A_237, %swap3A_662, %swap3A_663] : memref<2x208x64xf32, #tpu.memory_space<vmem>> -> memref<1x208x64xf32, #tpu.memory_space<vmem>>
          %swap3A_665 = tpu.memref_squeeze %swap3A_664 : memref<1x208x64xf32, #tpu.memory_space<vmem>> -> memref<208x64xf32, #tpu.memory_space<vmem>>
          %swap3A_666 = arith.index_cast %select_n3A_628 : i32 to index
          %swap3A_667 = arith.index_cast %mul3A_646 : i32 to index
          %swap3A_668 = tpu.vector_load %swap3A_665[%swap3A_666, %swap3A_667] {strides = array<i32>} : memref<208x64xf32, #tpu.memory_space<vmem>>, vector<1x16xf32>,
          %swap3A_669 = vector.shape_cast %swap3A_668 : vector<1x16xf32> to vector<16xf32>
          %swap3A_670 = vector.shape_cast %add3A_661 : vector<16xf32> to vector<1x16xf32>
          tpu.vector_store %swap3A_665[%swap3A_666, %swap3A_667], %swap3A_670 {strides = array<i32>} : memref<208x64xf32, #tpu.memory_space<vmem>>, vector<1x16xf32>,
          %scan3A_671 = arith.constant 0 : i32
          %scan3A_672 = arith.constant 6 : i32
          %scan3A_673 = arith.addi %scan3A_268, %scan3A_672 : i32
          %jit3A_674 = arith.constant 4 : i32
          %div3A_675 = arith.divsi %scan3A_673, %jit3A_674 : i32
          %sign3A_676 = arith.constant 0 : i32
          %sign3A_677 = arith.cmpi sgt, %scan3A_673, %sign3A_676 : i32
          %sign3A_678 = arith.extui %sign3A_677 : i1 to i32
          %sign3A_679 = arith.constant 0 : i32
          %sign3A_680 = arith.cmpi slt, %scan3A_673, %sign3A_679 : i32
          %sign3A_681 = arith.extui %sign3A_680 : i1 to i32
          %sign3A_682 = arith.subi %sign3A_678, %sign3A_681 : i32
          %sign3A_683 = arith.constant 0 : i32
          %sign3A_684 = arith.cmpi sgt, %jit3A_674, %sign3A_683 : i32
          %sign3A_685 = arith.extui %sign3A_684 : i1 to i32
          %sign3A_686 = arith.constant 0 : i32
          %sign3A_687 = arith.cmpi slt, %jit3A_674, %sign3A_686 : i32
          %sign3A_688 = arith.extui %sign3A_687 : i1 to i32
          %sign3A_689 = arith.subi %sign3A_685, %sign3A_688 : i32
          %ne3A_690 = arith.cmpi ne, %sign3A_682, %sign3A_689 : i32
          %rem3A_691 = arith.remsi %scan3A_673, %jit3A_674 : i32
          %ne3A_692 = arith.constant 0 : i32
          %ne3A_693 = arith.cmpi ne, %rem3A_691, %ne3A_692 : i32
          %and3A_694 = arith.andi %ne3A_690, %ne3A_693 : i1
          %sub3A_695 = arith.constant 1 : i32
          %sub3A_696 = arith.subi %div3A_675, %sub3A_695 : i32
          %select_n3A_697 = arith.select %and3A_694, %sub3A_696, %div3A_675 : i32
          %jit3A_698 = arith.constant 4 : i32
          %eq3A_699 = arith.constant 0 : i32
          %eq3A_700 = arith.cmpi eq, %jit3A_698, %eq3A_699 : i32
          %jit3A_701 = arith.constant 1 : i32
          %select_n3A_702 = arith.select %eq3A_700, %jit3A_701, %jit3A_698 : i32
          %rem3A_703 = arith.remsi %scan3A_673, %select_n3A_702 : i32
          %ne3A_704 = arith.constant 0 : i32
          %ne3A_705 = arith.cmpi ne, %rem3A_703, %ne3A_704 : i32
          %lt3A_706 = arith.constant 0 : i32
          %lt3A_707 = arith.cmpi slt, %rem3A_703, %lt3A_706 : i32
          %lt3A_708 = arith.constant 0 : i32
          %lt3A_709 = arith.cmpi slt, %select_n3A_702, %lt3A_708 : i32
          %ne3A_710 = arith.xori %lt3A_707, %lt3A_709 : i1
          %and3A_711 = arith.andi %ne3A_710, %ne3A_705 : i1
          %add3A_712 = arith.addi %rem3A_703, %select_n3A_702 : i32
          %select_n3A_713 = arith.select %and3A_711, %add3A_712, %rem3A_703 : i32
          %mul3A_714 = arith.constant 16 : i32
          %mul3A_715 = arith.muli %select_n3A_713, %mul3A_714 : i32
          %get3A_716 = arith.constant 0 : i32
          %get3A_717 = arith.constant 0 : i32
          %get3A_718 = tpu.memref_slice %arg8[%scan3A_237, %get3A_716, %get3A_717] : memref<2x208x64xf32, #tpu.memory_space<vmem>> -> memref<1x208x64xf32, #tpu.memory_space<vmem>>
          %get3A_719 = tpu.memref_squeeze %get3A_718 : memref<1x208x64xf32, #tpu.memory_space<vmem>> -> memref<208x64xf32, #tpu.memory_space<vmem>>
          %get3A_720 = arith.index_cast %select_n3A_697 : i32 to index
          %get3A_721 = arith.index_cast %mul3A_715 : i32 to index
          %get3A_722 = tpu.vector_load %get3A_719[%get3A_720, %get3A_721] {strides = array<i32>} : memref<208x64xf32, #tpu.memory_space<vmem>>, vector<1x16xf32>,
          %get3A_723 = vector.shape_cast %get3A_722 : vector<1x16xf32> to vector<16xf32>
          %mul3A_724 = arith.constant 64 : i32
          %mul3A_725 = arith.muli %select_n3A_697, %mul3A_724 : i32
          %add3A_726 = arith.addi %mul3A_725, %mul3A_715 : i32
          %get3A_727 = arith.index_cast %add3A_726 : i32 to index
          %get3A_728 = tpu.vector_load %arg6[%get3A_727] {strides = array<i32>} : memref<12800xf32, #tpu.memory_space<vmem>>, vector<16xf32>,
          %get3A_729 = vector.shape_cast %get3A_728 : vector<16xf32> to vector<16xf32>
          %add3A_730 = arith.addf %get3A_723, %get3A_729 : vector<16xf32>
          %swap3A_731 = arith.constant 0 : i32
          %swap3A_732 = arith.constant 0 : i32
          %swap3A_733 = tpu.memref_slice %arg8[%scan3A_237, %swap3A_731, %swap3A_732] : memref<2x208x64xf32, #tpu.memory_space<vmem>> -> memref<1x208x64xf32, #tpu.memory_space<vmem>>
          %swap3A_734 = tpu.memref_squeeze %swap3A_733 : memref<1x208x64xf32, #tpu.memory_space<vmem>> -> memref<208x64xf32, #tpu.memory_space<vmem>>
          %swap3A_735 = arith.index_cast %select_n3A_697 : i32 to index
          %swap3A_736 = arith.index_cast %mul3A_715 : i32 to index
          %swap3A_737 = tpu.vector_load %swap3A_734[%swap3A_735, %swap3A_736] {strides = array<i32>} : memref<208x64xf32, #tpu.memory_space<vmem>>, vector<1x16xf32>,
          %swap3A_738 = vector.shape_cast %swap3A_737 : vector<1x16xf32> to vector<16xf32>
          %swap3A_739 = vector.shape_cast %add3A_730 : vector<16xf32> to vector<1x16xf32>
          tpu.vector_store %swap3A_734[%swap3A_735, %swap3A_736], %swap3A_739 {strides = array<i32>} : memref<208x64xf32, #tpu.memory_space<vmem>>, vector<1x16xf32>,
          %scan3A_740 = arith.constant 0 : i32
          %scan3A_741 = arith.constant 7 : i32
          %scan3A_742 = arith.addi %scan3A_268, %scan3A_741 : i32
          %jit3A_743 = arith.constant 4 : i32
          %div3A_744 = arith.divsi %scan3A_742, %jit3A_743 : i32
          %sign3A_745 = arith.constant 0 : i32
          %sign3A_746 = arith.cmpi sgt, %scan3A_742, %sign3A_745 : i32
          %sign3A_747 = arith.extui %sign3A_746 : i1 to i32
          %sign3A_748 = arith.constant 0 : i32
          %sign3A_749 = arith.cmpi slt, %scan3A_742, %sign3A_748 : i32
          %sign3A_750 = arith.extui %sign3A_749 : i1 to i32
          %sign3A_751 = arith.subi %sign3A_747, %sign3A_750 : i32
          %sign3A_752 = arith.constant 0 : i32
          %sign3A_753 = arith.cmpi sgt, %jit3A_743, %sign3A_752 : i32
          %sign3A_754 = arith.extui %sign3A_753 : i1 to i32
          %sign3A_755 = arith.constant 0 : i32
          %sign3A_756 = arith.cmpi slt, %jit3A_743, %sign3A_755 : i32
          %sign3A_757 = arith.extui %sign3A_756 : i1 to i32
          %sign3A_758 = arith.subi %sign3A_754, %sign3A_757 : i32
          %ne3A_759 = arith.cmpi ne, %sign3A_751, %sign3A_758 : i32
          %rem3A_760 = arith.remsi %scan3A_742, %jit3A_743 : i32
          %ne3A_761 = arith.constant 0 : i32
          %ne3A_762 = arith.cmpi ne, %rem3A_760, %ne3A_761 : i32
          %and3A_763 = arith.andi %ne3A_759, %ne3A_762 : i1
          %sub3A_764 = arith.constant 1 : i32
          %sub3A_765 = arith.subi %div3A_744, %sub3A_764 : i32
          %select_n3A_766 = arith.select %and3A_763, %sub3A_765, %div3A_744 : i32
          %jit3A_767 = arith.constant 4 : i32
          %eq3A_768 = arith.constant 0 : i32
          %eq3A_769 = arith.cmpi eq, %jit3A_767, %eq3A_768 : i32
          %jit3A_770 = arith.constant 1 : i32
          %select_n3A_771 = arith.select %eq3A_769, %jit3A_770, %jit3A_767 : i32
          %rem3A_772 = arith.remsi %scan3A_742, %select_n3A_771 : i32
          %ne3A_773 = arith.constant 0 : i32
          %ne3A_774 = arith.cmpi ne, %rem3A_772, %ne3A_773 : i32
          %lt3A_775 = arith.constant 0 : i32
          %lt3A_776 = arith.cmpi slt, %rem3A_772, %lt3A_775 : i32
          %lt3A_777 = arith.constant 0 : i32
          %lt3A_778 = arith.cmpi slt, %select_n3A_771, %lt3A_777 : i32
          %ne3A_779 = arith.xori %lt3A_776, %lt3A_778 : i1
          %and3A_780 = arith.andi %ne3A_779, %ne3A_774 : i1
          %add3A_781 = arith.addi %rem3A_772, %select_n3A_771 : i32
          %select_n3A_782 = arith.select %and3A_780, %add3A_781, %rem3A_772 : i32
          %mul3A_783 = arith.constant 16 : i32
          %mul3A_784 = arith.muli %select_n3A_782, %mul3A_783 : i32
          %get3A_785 = arith.constant 0 : i32
          %get3A_786 = arith.constant 0 : i32
          %get3A_787 = tpu.memref_slice %arg8[%scan3A_237, %get3A_785, %get3A_786] : memref<2x208x64xf32, #tpu.memory_space<vmem>> -> memref<1x208x64xf32, #tpu.memory_space<vmem>>
          %get3A_788 = tpu.memref_squeeze %get3A_787 : memref<1x208x64xf32, #tpu.memory_space<vmem>> -> memref<208x64xf32, #tpu.memory_space<vmem>>
          %get3A_789 = arith.index_cast %select_n3A_766 : i32 to index
          %get3A_790 = arith.index_cast %mul3A_784 : i32 to index
          %get3A_791 = tpu.vector_load %get3A_788[%get3A_789, %get3A_790] {strides = array<i32>} : memref<208x64xf32, #tpu.memory_space<vmem>>, vector<1x16xf32>,
          %get3A_792 = vector.shape_cast %get3A_791 : vector<1x16xf32> to vector<16xf32>
          %mul3A_793 = arith.constant 64 : i32
          %mul3A_794 = arith.muli %select_n3A_766, %mul3A_793 : i32
          %add3A_795 = arith.addi %mul3A_794, %mul3A_784 : i32
          %get3A_796 = arith.index_cast %add3A_795 : i32 to index
          %get3A_797 = tpu.vector_load %arg6[%get3A_796] {strides = array<i32>} : memref<12800xf32, #tpu.memory_space<vmem>>, vector<16xf32>,
          %get3A_798 = vector.shape_cast %get3A_797 : vector<16xf32> to vector<16xf32>
          %add3A_799 = arith.addf %get3A_792, %get3A_798 : vector<16xf32>
          %swap3A_800 = arith.constant 0 : i32
          %swap3A_801 = arith.constant 0 : i32
          %swap3A_802 = tpu.memref_slice %arg8[%scan3A_237, %swap3A_800, %swap3A_801] : memref<2x208x64xf32, #tpu.memory_space<vmem>> -> memref<1x208x64xf32, #tpu.memory_space<vmem>>
          %swap3A_803 = tpu.memref_squeeze %swap3A_802 : memref<1x208x64xf32, #tpu.memory_space<vmem>> -> memref<208x64xf32, #tpu.memory_space<vmem>>
          %swap3A_804 = arith.index_cast %select_n3A_766 : i32 to index
          %swap3A_805 = arith.index_cast %mul3A_784 : i32 to index
          %swap3A_806 = tpu.vector_load %swap3A_803[%swap3A_804, %swap3A_805] {strides = array<i32>} : memref<208x64xf32, #tpu.memory_space<vmem>>, vector<1x16xf32>,
          %swap3A_807 = vector.shape_cast %swap3A_806 : vector<1x16xf32> to vector<16xf32>
          %swap3A_808 = vector.shape_cast %add3A_799 : vector<16xf32> to vector<1x16xf32>
          tpu.vector_store %swap3A_803[%swap3A_804, %swap3A_805], %swap3A_808 {strides = array<i32>} : memref<208x64xf32, #tpu.memory_space<vmem>>, vector<1x16xf32>,
          %scan3A_809 = arith.constant 0 : i32
          scf.yield %scan3A_809 : i32
        }
        %scan3A_244 = arith.constant 800 : i32
        %dma_start3A_245 = arith.constant 1 : i32
        %dma_start3A_246 = arith.constant 0 : i32
        %dma_start3A_247 = arith.constant 0 : i32
        %dma_start3A_248 = tpu.memref_slice %arg8[%dma_start3A_245, %dma_start3A_246, %dma_start3A_247] : memref<2x208x64xf32, #tpu.memory_space<vmem>> -> memref<1x208x64xf32, #tpu.memory_space<vmem>>
        %dma_start3A_249 = tpu.memref_squeeze %dma_start3A_248 : memref<1x208x64xf32, #tpu.memory_space<vmem>> -> memref<208x64xf32, #tpu.memory_space<vmem>>
        %dma_start3A_250 = arith.constant 0 : i32
        %dma_start3A_251 = arith.constant 0 : i32
        %dma_start3A_252 = tpu.memref_slice %dma_start3A_249[%dma_start3A_250, %dma_start3A_251] : memref<208x64xf32, #tpu.memory_space<vmem>> -> memref<200x64xf32, #tpu.memory_space<vmem>>
        %dma_start3A_253 = arith.constant 0 : i32
        %dma_start3A_254 = arith.constant 0 : i32
        %dma_start3A_255 = tpu.memref_slice %arg5[%sub3A_221, %dma_start3A_253, %dma_start3A_254] : memref<1024x200x64xf32, #tpu.memory_space<hbm>> -> memref<1x200x64xf32, #tpu.memory_space<hbm>>
        %dma_start3A_256 = tpu.memref_squeeze %dma_start3A_255 : memref<1x200x64xf32, #tpu.memory_space<hbm>> -> memref<200x64xf32, #tpu.memory_space<hbm>>
        %dma_start3A_257 = arith.constant 0 : i32
        %dma_start3A_258 = arith.constant 0 : i32
        %dma_start3A_259 = tpu.memref_slice %arg5[%sub3A_221, %dma_start3A_257, %dma_start3A_258] : memref<1024x200x64xf32, #tpu.memory_space<hbm>> -> memref<1x200x64xf32, #tpu.memory_space<hbm>>
        %dma_start3A_260 = tpu.memref_squeeze %dma_start3A_259 : memref<1x200x64xf32, #tpu.memory_space<hbm>> -> memref<200x64xf32, #tpu.memory_space<hbm>>
        %dma_start3A_261 = arith.constant 0 : i32
        %dma_start3A_262 = arith.constant 0 : i32
        %dma_start3A_263 = tpu.memref_slice %arg8[%dma_start3A_245, %dma_start3A_261, %dma_start3A_262] : memref<2x208x64xf32, #tpu.memory_space<vmem>> -> memref<1x208x64xf32, #tpu.memory_space<vmem>>
        %dma_start3A_264 = tpu.memref_squeeze %dma_start3A_263 : memref<1x208x64xf32, #tpu.memory_space<vmem>> -> memref<208x64xf32, #tpu.memory_space<vmem>>
        %dma_start3A_265 = arith.constant 0 : i32
        %dma_start3A_266 = arith.constant 0 : i32
        %dma_start3A_267 = tpu.memref_slice %dma_start3A_264[%dma_start3A_265, %dma_start3A_266] : memref<208x64xf32, #tpu.memory_space<vmem>> -> memref<200x64xf32, #tpu.memory_space<vmem>>
        tpu.enqueue_dma source(%dma_start3A_267 : memref<200x64xf32, #tpu.memory_space<vmem>>) target(%dma_start3A_260 : memref<200x64xf32, #tpu.memory_space<hbm>>) target_semaphore(%arg13 : memref<!tpu.dma_semaphore, #tpu.memory_space<semaphore_mem>>)
      } else {
      }
      %gt3A_148 = arith.constant 0 : i32
      %gt3A_149 = arith.cmpi sgt, %scan3A_127, %gt3A_148 : i32
      %convert_element_type3A_150 = arith.extui %gt3A_149 : i1 to i32
      %cond3A_151 = arith.constant 0 : i32
      %cond3A_152 = arith.cmpi ne, %convert_element_type3A_150, %cond3A_151 : i32
      scf.if %cond3A_152 {
        %mul3A_217 = arith.constant 2 : i32
        %mul3A_218 = arith.muli %mul3A_217, %scan3A_127 : i32
        %add3A_219 = arith.addi %mul3A_2, %mul3A_218 : i32
        %sub3A_220 = arith.constant 1 : i32
        %sub3A_221 = arith.subi %add3A_219, %sub3A_220 : i32
        %dma_wait3A_222 = arith.constant 1 : i32
        %dma_wait3A_223 = arith.constant 0 : i32
        %dma_wait3A_224 = arith.constant 0 : i32
        %dma_wait3A_225 = tpu.memref_slice %arg8[%dma_wait3A_222, %dma_wait3A_223, %dma_wait3A_224] : memref<2x208x64xf32, #tpu.memory_space<vmem>> -> memref<1x208x64xf32, #tpu.memory_space<vmem>>
        %dma_wait3A_226 = tpu.memref_squeeze %dma_wait3A_225 : memref<1x208x64xf32, #tpu.memory_space<vmem>> -> memref<208x64xf32, #tpu.memory_space<vmem>>
        %dma_wait3A_227 = arith.constant 0 : i32
        %dma_wait3A_228 = arith.constant 0 : i32
        %dma_wait3A_229 = tpu.memref_slice %dma_wait3A_226[%dma_wait3A_227, %dma_wait3A_228] : memref<208x64xf32, #tpu.memory_space<vmem>> -> memref<200x64xf32, #tpu.memory_space<vmem>>
        %dma_wait3A_230 = arith.constant 0 : i32
        %dma_wait3A_231 = arith.constant 0 : i32
        %dma_wait3A_232 = tpu.memref_slice %arg5[%sub3A_221, %dma_wait3A_230, %dma_wait3A_231] : memref<1024x200x64xf32, #tpu.memory_space<hbm>> -> memref<1x200x64xf32, #tpu.memory_space<hbm>>
        %dma_wait3A_233 = tpu.memref_squeeze %dma_wait3A_232 : memref<1x200x64xf32, #tpu.memory_space<hbm>> -> memref<200x64xf32, #tpu.memory_space<hbm>>
        %dma_wait3A_234 = arith.constant 0 : i32
        %dma_wait3A_235 = arith.constant 0 : i32
        %dma_wait3A_236 = tpu.memref_slice %arg5[%sub3A_221, %dma_wait3A_234, %dma_wait3A_235] : memref<1024x200x64xf32, #tpu.memory_space<hbm>> -> memref<1x200x64xf32, #tpu.memory_space<hbm>>
        %dma_wait3A_237 = tpu.memref_squeeze %dma_wait3A_236 : memref<1x200x64xf32, #tpu.memory_space<hbm>> -> memref<200x64xf32, #tpu.memory_space<hbm>>
        %dma_wait3A_238 = arith.constant 0 : i32
        %dma_wait3A_239 = arith.constant 0 : i32
        %dma_wait3A_240 = tpu.memref_slice %arg8[%dma_wait3A_222, %dma_wait3A_238, %dma_wait3A_239] : memref<2x208x64xf32, #tpu.memory_space<vmem>> -> memref<1x208x64xf32, #tpu.memory_space<vmem>>
        %dma_wait3A_241 = tpu.memref_squeeze %dma_wait3A_240 : memref<1x208x64xf32, #tpu.memory_space<vmem>> -> memref<208x64xf32, #tpu.memory_space<vmem>>
        %dma_wait3A_242 = arith.constant 0 : i32
        %dma_wait3A_243 = arith.constant 0 : i32
        %dma_wait3A_244 = tpu.memref_slice %dma_wait3A_241[%dma_wait3A_242, %dma_wait3A_243] : memref<208x64xf32, #tpu.memory_space<vmem>> -> memref<200x64xf32, #tpu.memory_space<vmem>>
        tpu.wait_dma2 semaphore(%arg13 : memref<!tpu.dma_semaphore, #tpu.memory_space<semaphore_mem>>) src(%dma_wait3A_244 : memref<200x64xf32, #tpu.memory_space<vmem>>) dst(%dma_wait3A_237 : memref<200x64xf32, #tpu.memory_space<hbm>>)
      } else {
      }
      %mul3A_153 = arith.constant 2 : i32
      %mul3A_154 = arith.muli %mul3A_153, %scan3A_127 : i32
      %add3A_155 = arith.constant 1 : i32
      %add3A_156 = arith.addi %mul3A_154, %add3A_155 : i32
      %mul3A_157 = arith.constant 200 : i32
      %mul3A_158 = arith.muli %add3A_156, %mul3A_157 : i32
      %scan3A_159 = arith.constant 1 : i32
      %scan3A_160 = arith.constant 0 : i32
      %scan3A_161 = arith.constant 0 : i32
      %scan3A_162 = arith.constant 13 : i32
      %scan3A_163 = arith.addi %scan3A_161, %scan3A_162 : i32
      %scan3A_164 = arith.constant 1 : i32
      %scan3A_165 = scf.for %scan3A_217 = %scan3A_161 to %scan3A_163 step %scan3A_164 iter_args(%scan3A_218 = %scan3A_160) -> (i32)  : i32 {
        %mul3A_219 = arith.constant 16 : i32
        %mul3A_220 = arith.muli %scan3A_217, %mul3A_219 : i32
        %add3A_221 = arith.addi %mul3A_158, %mul3A_220 : i32
        %get3A = arith.index_cast %add3A_221 : i32 to index
        %get3A_222 = tpu.vector_load %arg7[%get3A] {strides = array<i32>} : memref<6416xi32, #tpu.memory_space<vmem>>, vector<16xi32>,
        %get3A_223 = vector.shape_cast %get3A_222 : vector<16xi32> to vector<16xi32>
        %slice3A = vector.extract_strided_slice %get3A_223 {offsets = [0], sizes = [1], strides = [1]} : vector<16xi32> to vector<1xi32>
        %squeeze3A = vector.extract %slice3A[0] : i32 from vector<1xi32>
        %add3A_224 = arith.constant 0 : i32
        %add3A_225 = arith.addi %mul3A_220, %add3A_224 : i32
        %dma_start3A_226 = arith.constant 0 : i32
        %dma_start3A_227 = arith.constant 0 : i32
        %dma_start3A_228 = tpu.memref_slice %arg8[%scan3A_159, %dma_start3A_226, %dma_start3A_227] : memref<2x208x64xf32, #tpu.memory_space<vmem>> -> memref<1x208x64xf32, #tpu.memory_space<vmem>>
        %dma_start3A_229 = tpu.memref_squeeze %dma_start3A_228 : memref<1x208x64xf32, #tpu.memory_space<vmem>> -> memref<208x64xf32, #tpu.memory_space<vmem>>
        %dma_start3A_230 = arith.constant 0 : i32
        %dma_start3A_231 = tpu.memref_slice %dma_start3A_229[%add3A_225, %dma_start3A_230] : memref<208x64xf32, #tpu.memory_space<vmem>> -> memref<1x64xf32, #tpu.memory_space<vmem>>
        %dma_start3A_232 = tpu.memref_squeeze %dma_start3A_231 : memref<1x64xf32, #tpu.memory_space<vmem>> -> memref<64xf32, #tpu.memory_space<vmem>>
        %dma_start3A_233 = arith.constant 0 : i32
        %dma_start3A_234 = tpu.memref_slice %arg3[%squeeze3A, %dma_start3A_233] : memref<1000000x64xf32, #tpu.memory_space<hbm>> -> memref<1x64xf32, #tpu.memory_space<hbm>>
        %dma_start3A_235 = tpu.memref_squeeze %dma_start3A_234 : memref<1x64xf32, #tpu.memory_space<hbm>> -> memref<64xf32, #tpu.memory_space<hbm>>
        %dma_start3A_236 = arith.constant 0 : i32
        %dma_start3A_237 = arith.constant 0 : i32
        %dma_start3A_238 = tpu.memref_slice %arg8[%scan3A_159, %dma_start3A_236, %dma_start3A_237] : memref<2x208x64xf32, #tpu.memory_space<vmem>> -> memref<1x208x64xf32, #tpu.memory_space<vmem>>
        %dma_start3A_239 = tpu.memref_squeeze %dma_start3A_238 : memref<1x208x64xf32, #tpu.memory_space<vmem>> -> memref<208x64xf32, #tpu.memory_space<vmem>>
        %dma_start3A_240 = arith.constant 0 : i32
        %dma_start3A_241 = tpu.memref_slice %dma_start3A_239[%add3A_225, %dma_start3A_240] : memref<208x64xf32, #tpu.memory_space<vmem>> -> memref<1x64xf32, #tpu.memory_space<vmem>>
        %dma_start3A_242 = tpu.memref_squeeze %dma_start3A_241 : memref<1x64xf32, #tpu.memory_space<vmem>> -> memref<64xf32, #tpu.memory_space<vmem>>
        %dma_start3A_243 = arith.constant 0 : i32
        %dma_start3A_244 = tpu.memref_slice %arg3[%squeeze3A, %dma_start3A_243] : memref<1000000x64xf32, #tpu.memory_space<hbm>> -> memref<1x64xf32, #tpu.memory_space<hbm>>
        %dma_start3A_245 = tpu.memref_squeeze %dma_start3A_244 : memref<1x64xf32, #tpu.memory_space<hbm>> -> memref<64xf32, #tpu.memory_space<hbm>>
        tpu.enqueue_dma source(%dma_start3A_245 : memref<64xf32, #tpu.memory_space<hbm>>) target(%dma_start3A_242 : memref<64xf32, #tpu.memory_space<vmem>>) target_semaphore(%arg11 : memref<!tpu.dma_semaphore, #tpu.memory_space<semaphore_mem>>)
        %slice3A_246 = vector.extract_strided_slice %get3A_223 {offsets = [1], sizes = [1], strides = [1]} : vector<16xi32> to vector<1xi32>
        %squeeze3A_247 = vector.extract %slice3A_246[0] : i32 from vector<1xi32>
        %add3A_248 = arith.constant 1 : i32
        %add3A_249 = arith.addi %mul3A_220, %add3A_248 : i32
        %dma_start3A_250 = arith.constant 0 : i32
        %dma_start3A_251 = arith.constant 0 : i32
        %dma_start3A_252 = tpu.memref_slice %arg8[%scan3A_159, %dma_start3A_250, %dma_start3A_251] : memref<2x208x64xf32, #tpu.memory_space<vmem>> -> memref<1x208x64xf32, #tpu.memory_space<vmem>>
        %dma_start3A_253 = tpu.memref_squeeze %dma_start3A_252 : memref<1x208x64xf32, #tpu.memory_space<vmem>> -> memref<208x64xf32, #tpu.memory_space<vmem>>
        %dma_start3A_254 = arith.constant 0 : i32
        %dma_start3A_255 = tpu.memref_slice %dma_start3A_253[%add3A_249, %dma_start3A_254] : memref<208x64xf32, #tpu.memory_space<vmem>> -> memref<1x64xf32, #tpu.memory_space<vmem>>
        %dma_start3A_256 = tpu.memref_squeeze %dma_start3A_255 : memref<1x64xf32, #tpu.memory_space<vmem>> -> memref<64xf32, #tpu.memory_space<vmem>>
        %dma_start3A_257 = arith.constant 0 : i32
        %dma_start3A_258 = tpu.memref_slice %arg3[%squeeze3A_247, %dma_start3A_257] : memref<1000000x64xf32, #tpu.memory_space<hbm>> -> memref<1x64xf32, #tpu.memory_space<hbm>>
        %dma_start3A_259 = tpu.memref_squeeze %dma_start3A_258 : memref<1x64xf32, #tpu.memory_space<hbm>> -> memref<64xf32, #tpu.memory_space<hbm>>
        %dma_start3A_260 = arith.constant 0 : i32
        %dma_start3A_261 = arith.constant 0 : i32
        %dma_start3A_262 = tpu.memref_slice %arg8[%scan3A_159, %dma_start3A_260, %dma_start3A_261] : memref<2x208x64xf32, #tpu.memory_space<vmem>> -> memref<1x208x64xf32, #tpu.memory_space<vmem>>
        %dma_start3A_263 = tpu.memref_squeeze %dma_start3A_262 : memref<1x208x64xf32, #tpu.memory_space<vmem>> -> memref<208x64xf32, #tpu.memory_space<vmem>>
        %dma_start3A_264 = arith.constant 0 : i32
        %dma_start3A_265 = tpu.memref_slice %dma_start3A_263[%add3A_249, %dma_start3A_264] : memref<208x64xf32, #tpu.memory_space<vmem>> -> memref<1x64xf32, #tpu.memory_space<vmem>>
        %dma_start3A_266 = tpu.memref_squeeze %dma_start3A_265 : memref<1x64xf32, #tpu.memory_space<vmem>> -> memref<64xf32, #tpu.memory_space<vmem>>
        %dma_start3A_267 = arith.constant 0 : i32
        %dma_start3A_268 = tpu.memref_slice %arg3[%squeeze3A_247, %dma_start3A_267] : memref<1000000x64xf32, #tpu.memory_space<hbm>> -> memref<1x64xf32, #tpu.memory_space<hbm>>
        %dma_start3A_269 = tpu.memref_squeeze %dma_start3A_268 : memref<1x64xf32, #tpu.memory_space<hbm>> -> memref<64xf32, #tpu.memory_space<hbm>>
        tpu.enqueue_dma source(%dma_start3A_269 : memref<64xf32, #tpu.memory_space<hbm>>) target(%dma_start3A_266 : memref<64xf32, #tpu.memory_space<vmem>>) target_semaphore(%arg11 : memref<!tpu.dma_semaphore, #tpu.memory_space<semaphore_mem>>)
        %slice3A_270 = vector.extract_strided_slice %get3A_223 {offsets = [2], sizes = [1], strides = [1]} : vector<16xi32> to vector<1xi32>
        %squeeze3A_271 = vector.extract %slice3A_270[0] : i32 from vector<1xi32>
        %add3A_272 = arith.constant 2 : i32
        %add3A_273 = arith.addi %mul3A_220, %add3A_272 : i32
        %dma_start3A_274 = arith.constant 0 : i32
        %dma_start3A_275 = arith.constant 0 : i32
        %dma_start3A_276 = tpu.memref_slice %arg8[%scan3A_159, %dma_start3A_274, %dma_start3A_275] : memref<2x208x64xf32, #tpu.memory_space<vmem>> -> memref<1x208x64xf32, #tpu.memory_space<vmem>>
        %dma_start3A_277 = tpu.memref_squeeze %dma_start3A_276 : memref<1x208x64xf32, #tpu.memory_space<vmem>> -> memref<208x64xf32, #tpu.memory_space<vmem>>
        %dma_start3A_278 = arith.constant 0 : i32
        %dma_start3A_279 = tpu.memref_slice %dma_start3A_277[%add3A_273, %dma_start3A_278] : memref<208x64xf32, #tpu.memory_space<vmem>> -> memref<1x64xf32, #tpu.memory_space<vmem>>
        %dma_start3A_280 = tpu.memref_squeeze %dma_start3A_279 : memref<1x64xf32, #tpu.memory_space<vmem>> -> memref<64xf32, #tpu.memory_space<vmem>>
        %dma_start3A_281 = arith.constant 0 : i32
        %dma_start3A_282 = tpu.memref_slice %arg3[%squeeze3A_271, %dma_start3A_281] : memref<1000000x64xf32, #tpu.memory_space<hbm>> -> memref<1x64xf32, #tpu.memory_space<hbm>>
        %dma_start3A_283 = tpu.memref_squeeze %dma_start3A_282 : memref<1x64xf32, #tpu.memory_space<hbm>> -> memref<64xf32, #tpu.memory_space<hbm>>
        %dma_start3A_284 = arith.constant 0 : i32
        %dma_start3A_285 = arith.constant 0 : i32
        %dma_start3A_286 = tpu.memref_slice %arg8[%scan3A_159, %dma_start3A_284, %dma_start3A_285] : memref<2x208x64xf32, #tpu.memory_space<vmem>> -> memref<1x208x64xf32, #tpu.memory_space<vmem>>
        %dma_start3A_287 = tpu.memref_squeeze %dma_start3A_286 : memref<1x208x64xf32, #tpu.memory_space<vmem>> -> memref<208x64xf32, #tpu.memory_space<vmem>>
        %dma_start3A_288 = arith.constant 0 : i32
        %dma_start3A_289 = tpu.memref_slice %dma_start3A_287[%add3A_273, %dma_start3A_288] : memref<208x64xf32, #tpu.memory_space<vmem>> -> memref<1x64xf32, #tpu.memory_space<vmem>>
        %dma_start3A_290 = tpu.memref_squeeze %dma_start3A_289 : memref<1x64xf32, #tpu.memory_space<vmem>> -> memref<64xf32, #tpu.memory_space<vmem>>
        %dma_start3A_291 = arith.constant 0 : i32
        %dma_start3A_292 = tpu.memref_slice %arg3[%squeeze3A_271, %dma_start3A_291] : memref<1000000x64xf32, #tpu.memory_space<hbm>> -> memref<1x64xf32, #tpu.memory_space<hbm>>
        %dma_start3A_293 = tpu.memref_squeeze %dma_start3A_292 : memref<1x64xf32, #tpu.memory_space<hbm>> -> memref<64xf32, #tpu.memory_space<hbm>>
        tpu.enqueue_dma source(%dma_start3A_293 : memref<64xf32, #tpu.memory_space<hbm>>) target(%dma_start3A_290 : memref<64xf32, #tpu.memory_space<vmem>>) target_semaphore(%arg11 : memref<!tpu.dma_semaphore, #tpu.memory_space<semaphore_mem>>)
        %slice3A_294 = vector.extract_strided_slice %get3A_223 {offsets = [3], sizes = [1], strides = [1]} : vector<16xi32> to vector<1xi32>
        %squeeze3A_295 = vector.extract %slice3A_294[0] : i32 from vector<1xi32>
        %add3A_296 = arith.constant 3 : i32
        %add3A_297 = arith.addi %mul3A_220, %add3A_296 : i32
        %dma_start3A_298 = arith.constant 0 : i32
        %dma_start3A_299 = arith.constant 0 : i32
        %dma_start3A_300 = tpu.memref_slice %arg8[%scan3A_159, %dma_start3A_298, %dma_start3A_299] : memref<2x208x64xf32, #tpu.memory_space<vmem>> -> memref<1x208x64xf32, #tpu.memory_space<vmem>>
        %dma_start3A_301 = tpu.memref_squeeze %dma_start3A_300 : memref<1x208x64xf32, #tpu.memory_space<vmem>> -> memref<208x64xf32, #tpu.memory_space<vmem>>
        %dma_start3A_302 = arith.constant 0 : i32
        %dma_start3A_303 = tpu.memref_slice %dma_start3A_301[%add3A_297, %dma_start3A_302] : memref<208x64xf32, #tpu.memory_space<vmem>> -> memref<1x64xf32, #tpu.memory_space<vmem>>
        %dma_start3A_304 = tpu.memref_squeeze %dma_start3A_303 : memref<1x64xf32, #tpu.memory_space<vmem>> -> memref<64xf32, #tpu.memory_space<vmem>>
        %dma_start3A_305 = arith.constant 0 : i32
        %dma_start3A_306 = tpu.memref_slice %arg3[%squeeze3A_295, %dma_start3A_305] : memref<1000000x64xf32, #tpu.memory_space<hbm>> -> memref<1x64xf32, #tpu.memory_space<hbm>>
        %dma_start3A_307 = tpu.memref_squeeze %dma_start3A_306 : memref<1x64xf32, #tpu.memory_space<hbm>> -> memref<64xf32, #tpu.memory_space<hbm>>
        %dma_start3A_308 = arith.constant 0 : i32
        %dma_start3A_309 = arith.constant 0 : i32
        %dma_start3A_310 = tpu.memref_slice %arg8[%scan3A_159, %dma_start3A_308, %dma_start3A_309] : memref<2x208x64xf32, #tpu.memory_space<vmem>> -> memref<1x208x64xf32, #tpu.memory_space<vmem>>
        %dma_start3A_311 = tpu.memref_squeeze %dma_start3A_310 : memref<1x208x64xf32, #tpu.memory_space<vmem>> -> memref<208x64xf32, #tpu.memory_space<vmem>>
        %dma_start3A_312 = arith.constant 0 : i32
        %dma_start3A_313 = tpu.memref_slice %dma_start3A_311[%add3A_297, %dma_start3A_312] : memref<208x64xf32, #tpu.memory_space<vmem>> -> memref<1x64xf32, #tpu.memory_space<vmem>>
        %dma_start3A_314 = tpu.memref_squeeze %dma_start3A_313 : memref<1x64xf32, #tpu.memory_space<vmem>> -> memref<64xf32, #tpu.memory_space<vmem>>
        %dma_start3A_315 = arith.constant 0 : i32
        %dma_start3A_316 = tpu.memref_slice %arg3[%squeeze3A_295, %dma_start3A_315] : memref<1000000x64xf32, #tpu.memory_space<hbm>> -> memref<1x64xf32, #tpu.memory_space<hbm>>
        %dma_start3A_317 = tpu.memref_squeeze %dma_start3A_316 : memref<1x64xf32, #tpu.memory_space<hbm>> -> memref<64xf32, #tpu.memory_space<hbm>>
        tpu.enqueue_dma source(%dma_start3A_317 : memref<64xf32, #tpu.memory_space<hbm>>) target(%dma_start3A_314 : memref<64xf32, #tpu.memory_space<vmem>>) target_semaphore(%arg11 : memref<!tpu.dma_semaphore, #tpu.memory_space<semaphore_mem>>)
        %slice3A_318 = vector.extract_strided_slice %get3A_223 {offsets = [4], sizes = [1], strides = [1]} : vector<16xi32> to vector<1xi32>
        %squeeze3A_319 = vector.extract %slice3A_318[0] : i32 from vector<1xi32>
        %add3A_320 = arith.constant 4 : i32
        %add3A_321 = arith.addi %mul3A_220, %add3A_320 : i32
        %dma_start3A_322 = arith.constant 0 : i32
        %dma_start3A_323 = arith.constant 0 : i32
        %dma_start3A_324 = tpu.memref_slice %arg8[%scan3A_159, %dma_start3A_322, %dma_start3A_323] : memref<2x208x64xf32, #tpu.memory_space<vmem>> -> memref<1x208x64xf32, #tpu.memory_space<vmem>>
        %dma_start3A_325 = tpu.memref_squeeze %dma_start3A_324 : memref<1x208x64xf32, #tpu.memory_space<vmem>> -> memref<208x64xf32, #tpu.memory_space<vmem>>
        %dma_start3A_326 = arith.constant 0 : i32
        %dma_start3A_327 = tpu.memref_slice %dma_start3A_325[%add3A_321, %dma_start3A_326] : memref<208x64xf32, #tpu.memory_space<vmem>> -> memref<1x64xf32, #tpu.memory_space<vmem>>
        %dma_start3A_328 = tpu.memref_squeeze %dma_start3A_327 : memref<1x64xf32, #tpu.memory_space<vmem>> -> memref<64xf32, #tpu.memory_space<vmem>>
        %dma_start3A_329 = arith.constant 0 : i32
        %dma_start3A_330 = tpu.memref_slice %arg3[%squeeze3A_319, %dma_start3A_329] : memref<1000000x64xf32, #tpu.memory_space<hbm>> -> memref<1x64xf32, #tpu.memory_space<hbm>>
        %dma_start3A_331 = tpu.memref_squeeze %dma_start3A_330 : memref<1x64xf32, #tpu.memory_space<hbm>> -> memref<64xf32, #tpu.memory_space<hbm>>
        %dma_start3A_332 = arith.constant 0 : i32
        %dma_start3A_333 = arith.constant 0 : i32
        %dma_start3A_334 = tpu.memref_slice %arg8[%scan3A_159, %dma_start3A_332, %dma_start3A_333] : memref<2x208x64xf32, #tpu.memory_space<vmem>> -> memref<1x208x64xf32, #tpu.memory_space<vmem>>
        %dma_start3A_335 = tpu.memref_squeeze %dma_start3A_334 : memref<1x208x64xf32, #tpu.memory_space<vmem>> -> memref<208x64xf32, #tpu.memory_space<vmem>>
        %dma_start3A_336 = arith.constant 0 : i32
        %dma_start3A_337 = tpu.memref_slice %dma_start3A_335[%add3A_321, %dma_start3A_336] : memref<208x64xf32, #tpu.memory_space<vmem>> -> memref<1x64xf32, #tpu.memory_space<vmem>>
        %dma_start3A_338 = tpu.memref_squeeze %dma_start3A_337 : memref<1x64xf32, #tpu.memory_space<vmem>> -> memref<64xf32, #tpu.memory_space<vmem>>
        %dma_start3A_339 = arith.constant 0 : i32
        %dma_start3A_340 = tpu.memref_slice %arg3[%squeeze3A_319, %dma_start3A_339] : memref<1000000x64xf32, #tpu.memory_space<hbm>> -> memref<1x64xf32, #tpu.memory_space<hbm>>
        %dma_start3A_341 = tpu.memref_squeeze %dma_start3A_340 : memref<1x64xf32, #tpu.memory_space<hbm>> -> memref<64xf32, #tpu.memory_space<hbm>>
        tpu.enqueue_dma source(%dma_start3A_341 : memref<64xf32, #tpu.memory_space<hbm>>) target(%dma_start3A_338 : memref<64xf32, #tpu.memory_space<vmem>>) target_semaphore(%arg11 : memref<!tpu.dma_semaphore, #tpu.memory_space<semaphore_mem>>)
        %slice3A_342 = vector.extract_strided_slice %get3A_223 {offsets = [5], sizes = [1], strides = [1]} : vector<16xi32> to vector<1xi32>
        %squeeze3A_343 = vector.extract %slice3A_342[0] : i32 from vector<1xi32>
        %add3A_344 = arith.constant 5 : i32
        %add3A_345 = arith.addi %mul3A_220, %add3A_344 : i32
        %dma_start3A_346 = arith.constant 0 : i32
        %dma_start3A_347 = arith.constant 0 : i32
        %dma_start3A_348 = tpu.memref_slice %arg8[%scan3A_159, %dma_start3A_346, %dma_start3A_347] : memref<2x208x64xf32, #tpu.memory_space<vmem>> -> memref<1x208x64xf32, #tpu.memory_space<vmem>>
        %dma_start3A_349 = tpu.memref_squeeze %dma_start3A_348 : memref<1x208x64xf32, #tpu.memory_space<vmem>> -> memref<208x64xf32, #tpu.memory_space<vmem>>
        %dma_start3A_350 = arith.constant 0 : i32
        %dma_start3A_351 = tpu.memref_slice %dma_start3A_349[%add3A_345, %dma_start3A_350] : memref<208x64xf32, #tpu.memory_space<vmem>> -> memref<1x64xf32, #tpu.memory_space<vmem>>
        %dma_start3A_352 = tpu.memref_squeeze %dma_start3A_351 : memref<1x64xf32, #tpu.memory_space<vmem>> -> memref<64xf32, #tpu.memory_space<vmem>>
        %dma_start3A_353 = arith.constant 0 : i32
        %dma_start3A_354 = tpu.memref_slice %arg3[%squeeze3A_343, %dma_start3A_353] : memref<1000000x64xf32, #tpu.memory_space<hbm>> -> memref<1x64xf32, #tpu.memory_space<hbm>>
        %dma_start3A_355 = tpu.memref_squeeze %dma_start3A_354 : memref<1x64xf32, #tpu.memory_space<hbm>> -> memref<64xf32, #tpu.memory_space<hbm>>
        %dma_start3A_356 = arith.constant 0 : i32
        %dma_start3A_357 = arith.constant 0 : i32
        %dma_start3A_358 = tpu.memref_slice %arg8[%scan3A_159, %dma_start3A_356, %dma_start3A_357] : memref<2x208x64xf32, #tpu.memory_space<vmem>> -> memref<1x208x64xf32, #tpu.memory_space<vmem>>
        %dma_start3A_359 = tpu.memref_squeeze %dma_start3A_358 : memref<1x208x64xf32, #tpu.memory_space<vmem>> -> memref<208x64xf32, #tpu.memory_space<vmem>>
        %dma_start3A_360 = arith.constant 0 : i32
        %dma_start3A_361 = tpu.memref_slice %dma_start3A_359[%add3A_345, %dma_start3A_360] : memref<208x64xf32, #tpu.memory_space<vmem>> -> memref<1x64xf32, #tpu.memory_space<vmem>>
        %dma_start3A_362 = tpu.memref_squeeze %dma_start3A_361 : memref<1x64xf32, #tpu.memory_space<vmem>> -> memref<64xf32, #tpu.memory_space<vmem>>
        %dma_start3A_363 = arith.constant 0 : i32
        %dma_start3A_364 = tpu.memref_slice %arg3[%squeeze3A_343, %dma_start3A_363] : memref<1000000x64xf32, #tpu.memory_space<hbm>> -> memref<1x64xf32, #tpu.memory_space<hbm>>
        %dma_start3A_365 = tpu.memref_squeeze %dma_start3A_364 : memref<1x64xf32, #tpu.memory_space<hbm>> -> memref<64xf32, #tpu.memory_space<hbm>>
        tpu.enqueue_dma source(%dma_start3A_365 : memref<64xf32, #tpu.memory_space<hbm>>) target(%dma_start3A_362 : memref<64xf32, #tpu.memory_space<vmem>>) target_semaphore(%arg11 : memref<!tpu.dma_semaphore, #tpu.memory_space<semaphore_mem>>)
        %slice3A_366 = vector.extract_strided_slice %get3A_223 {offsets = [6], sizes = [1], strides = [1]} : vector<16xi32> to vector<1xi32>
        %squeeze3A_367 = vector.extract %slice3A_366[0] : i32 from vector<1xi32>
        %add3A_368 = arith.constant 6 : i32
        %add3A_369 = arith.addi %mul3A_220, %add3A_368 : i32
        %dma_start3A_370 = arith.constant 0 : i32
        %dma_start3A_371 = arith.constant 0 : i32
        %dma_start3A_372 = tpu.memref_slice %arg8[%scan3A_159, %dma_start3A_370, %dma_start3A_371] : memref<2x208x64xf32, #tpu.memory_space<vmem>> -> memref<1x208x64xf32, #tpu.memory_space<vmem>>
        %dma_start3A_373 = tpu.memref_squeeze %dma_start3A_372 : memref<1x208x64xf32, #tpu.memory_space<vmem>> -> memref<208x64xf32, #tpu.memory_space<vmem>>
        %dma_start3A_374 = arith.constant 0 : i32
        %dma_start3A_375 = tpu.memref_slice %dma_start3A_373[%add3A_369, %dma_start3A_374] : memref<208x64xf32, #tpu.memory_space<vmem>> -> memref<1x64xf32, #tpu.memory_space<vmem>>
        %dma_start3A_376 = tpu.memref_squeeze %dma_start3A_375 : memref<1x64xf32, #tpu.memory_space<vmem>> -> memref<64xf32, #tpu.memory_space<vmem>>
        %dma_start3A_377 = arith.constant 0 : i32
        %dma_start3A_378 = tpu.memref_slice %arg3[%squeeze3A_367, %dma_start3A_377] : memref<1000000x64xf32, #tpu.memory_space<hbm>> -> memref<1x64xf32, #tpu.memory_space<hbm>>
        %dma_start3A_379 = tpu.memref_squeeze %dma_start3A_378 : memref<1x64xf32, #tpu.memory_space<hbm>> -> memref<64xf32, #tpu.memory_space<hbm>>
        %dma_start3A_380 = arith.constant 0 : i32
        %dma_start3A_381 = arith.constant 0 : i32
        %dma_start3A_382 = tpu.memref_slice %arg8[%scan3A_159, %dma_start3A_380, %dma_start3A_381] : memref<2x208x64xf32, #tpu.memory_space<vmem>> -> memref<1x208x64xf32, #tpu.memory_space<vmem>>
        %dma_start3A_383 = tpu.memref_squeeze %dma_start3A_382 : memref<1x208x64xf32, #tpu.memory_space<vmem>> -> memref<208x64xf32, #tpu.memory_space<vmem>>
        %dma_start3A_384 = arith.constant 0 : i32
        %dma_start3A_385 = tpu.memref_slice %dma_start3A_383[%add3A_369, %dma_start3A_384] : memref<208x64xf32, #tpu.memory_space<vmem>> -> memref<1x64xf32, #tpu.memory_space<vmem>>
        %dma_start3A_386 = tpu.memref_squeeze %dma_start3A_385 : memref<1x64xf32, #tpu.memory_space<vmem>> -> memref<64xf32, #tpu.memory_space<vmem>>
        %dma_start3A_387 = arith.constant 0 : i32
        %dma_start3A_388 = tpu.memref_slice %arg3[%squeeze3A_367, %dma_start3A_387] : memref<1000000x64xf32, #tpu.memory_space<hbm>> -> memref<1x64xf32, #tpu.memory_space<hbm>>
        %dma_start3A_389 = tpu.memref_squeeze %dma_start3A_388 : memref<1x64xf32, #tpu.memory_space<hbm>> -> memref<64xf32, #tpu.memory_space<hbm>>
        tpu.enqueue_dma source(%dma_start3A_389 : memref<64xf32, #tpu.memory_space<hbm>>) target(%dma_start3A_386 : memref<64xf32, #tpu.memory_space<vmem>>) target_semaphore(%arg11 : memref<!tpu.dma_semaphore, #tpu.memory_space<semaphore_mem>>)
        %slice3A_390 = vector.extract_strided_slice %get3A_223 {offsets = [7], sizes = [1], strides = [1]} : vector<16xi32> to vector<1xi32>
        %squeeze3A_391 = vector.extract %slice3A_390[0] : i32 from vector<1xi32>
        %add3A_392 = arith.constant 7 : i32
        %add3A_393 = arith.addi %mul3A_220, %add3A_392 : i32
        %dma_start3A_394 = arith.constant 0 : i32
        %dma_start3A_395 = arith.constant 0 : i32
        %dma_start3A_396 = tpu.memref_slice %arg8[%scan3A_159, %dma_start3A_394, %dma_start3A_395] : memref<2x208x64xf32, #tpu.memory_space<vmem>> -> memref<1x208x64xf32, #tpu.memory_space<vmem>>
        %dma_start3A_397 = tpu.memref_squeeze %dma_start3A_396 : memref<1x208x64xf32, #tpu.memory_space<vmem>> -> memref<208x64xf32, #tpu.memory_space<vmem>>
        %dma_start3A_398 = arith.constant 0 : i32
        %dma_start3A_399 = tpu.memref_slice %dma_start3A_397[%add3A_393, %dma_start3A_398] : memref<208x64xf32, #tpu.memory_space<vmem>> -> memref<1x64xf32, #tpu.memory_space<vmem>>
        %dma_start3A_400 = tpu.memref_squeeze %dma_start3A_399 : memref<1x64xf32, #tpu.memory_space<vmem>> -> memref<64xf32, #tpu.memory_space<vmem>>
        %dma_start3A_401 = arith.constant 0 : i32
        %dma_start3A_402 = tpu.memref_slice %arg3[%squeeze3A_391, %dma_start3A_401] : memref<1000000x64xf32, #tpu.memory_space<hbm>> -> memref<1x64xf32, #tpu.memory_space<hbm>>
        %dma_start3A_403 = tpu.memref_squeeze %dma_start3A_402 : memref<1x64xf32, #tpu.memory_space<hbm>> -> memref<64xf32, #tpu.memory_space<hbm>>
        %dma_start3A_404 = arith.constant 0 : i32
        %dma_start3A_405 = arith.constant 0 : i32
        %dma_start3A_406 = tpu.memref_slice %arg8[%scan3A_159, %dma_start3A_404, %dma_start3A_405] : memref<2x208x64xf32, #tpu.memory_space<vmem>> -> memref<1x208x64xf32, #tpu.memory_space<vmem>>
        %dma_start3A_407 = tpu.memref_squeeze %dma_start3A_406 : memref<1x208x64xf32, #tpu.memory_space<vmem>> -> memref<208x64xf32, #tpu.memory_space<vmem>>
        %dma_start3A_408 = arith.constant 0 : i32
        %dma_start3A_409 = tpu.memref_slice %dma_start3A_407[%add3A_393, %dma_start3A_408] : memref<208x64xf32, #tpu.memory_space<vmem>> -> memref<1x64xf32, #tpu.memory_space<vmem>>
        %dma_start3A_410 = tpu.memref_squeeze %dma_start3A_409 : memref<1x64xf32, #tpu.memory_space<vmem>> -> memref<64xf32, #tpu.memory_space<vmem>>
        %dma_start3A_411 = arith.constant 0 : i32
        %dma_start3A_412 = tpu.memref_slice %arg3[%squeeze3A_391, %dma_start3A_411] : memref<1000000x64xf32, #tpu.memory_space<hbm>> -> memref<1x64xf32, #tpu.memory_space<hbm>>
        %dma_start3A_413 = tpu.memref_squeeze %dma_start3A_412 : memref<1x64xf32, #tpu.memory_space<hbm>> -> memref<64xf32, #tpu.memory_space<hbm>>
        tpu.enqueue_dma source(%dma_start3A_413 : memref<64xf32, #tpu.memory_space<hbm>>) target(%dma_start3A_410 : memref<64xf32, #tpu.memory_space<vmem>>) target_semaphore(%arg11 : memref<!tpu.dma_semaphore, #tpu.memory_space<semaphore_mem>>)
        %slice3A_414 = vector.extract_strided_slice %get3A_223 {offsets = [8], sizes = [1], strides = [1]} : vector<16xi32> to vector<1xi32>
        %squeeze3A_415 = vector.extract %slice3A_414[0] : i32 from vector<1xi32>
        %add3A_416 = arith.constant 8 : i32
        %add3A_417 = arith.addi %mul3A_220, %add3A_416 : i32
        %dma_start3A_418 = arith.constant 0 : i32
        %dma_start3A_419 = arith.constant 0 : i32
        %dma_start3A_420 = tpu.memref_slice %arg8[%scan3A_159, %dma_start3A_418, %dma_start3A_419] : memref<2x208x64xf32, #tpu.memory_space<vmem>> -> memref<1x208x64xf32, #tpu.memory_space<vmem>>
        %dma_start3A_421 = tpu.memref_squeeze %dma_start3A_420 : memref<1x208x64xf32, #tpu.memory_space<vmem>> -> memref<208x64xf32, #tpu.memory_space<vmem>>
        %dma_start3A_422 = arith.constant 0 : i32
        %dma_start3A_423 = tpu.memref_slice %dma_start3A_421[%add3A_417, %dma_start3A_422] : memref<208x64xf32, #tpu.memory_space<vmem>> -> memref<1x64xf32, #tpu.memory_space<vmem>>
        %dma_start3A_424 = tpu.memref_squeeze %dma_start3A_423 : memref<1x64xf32, #tpu.memory_space<vmem>> -> memref<64xf32, #tpu.memory_space<vmem>>
        %dma_start3A_425 = arith.constant 0 : i32
        %dma_start3A_426 = tpu.memref_slice %arg3[%squeeze3A_415, %dma_start3A_425] : memref<1000000x64xf32, #tpu.memory_space<hbm>> -> memref<1x64xf32, #tpu.memory_space<hbm>>
        %dma_start3A_427 = tpu.memref_squeeze %dma_start3A_426 : memref<1x64xf32, #tpu.memory_space<hbm>> -> memref<64xf32, #tpu.memory_space<hbm>>
        %dma_start3A_428 = arith.constant 0 : i32
        %dma_start3A_429 = arith.constant 0 : i32
        %dma_start3A_430 = tpu.memref_slice %arg8[%scan3A_159, %dma_start3A_428, %dma_start3A_429] : memref<2x208x64xf32, #tpu.memory_space<vmem>> -> memref<1x208x64xf32, #tpu.memory_space<vmem>>
        %dma_start3A_431 = tpu.memref_squeeze %dma_start3A_430 : memref<1x208x64xf32, #tpu.memory_space<vmem>> -> memref<208x64xf32, #tpu.memory_space<vmem>>
        %dma_start3A_432 = arith.constant 0 : i32
        %dma_start3A_433 = tpu.memref_slice %dma_start3A_431[%add3A_417, %dma_start3A_432] : memref<208x64xf32, #tpu.memory_space<vmem>> -> memref<1x64xf32, #tpu.memory_space<vmem>>
        %dma_start3A_434 = tpu.memref_squeeze %dma_start3A_433 : memref<1x64xf32, #tpu.memory_space<vmem>> -> memref<64xf32, #tpu.memory_space<vmem>>
        %dma_start3A_435 = arith.constant 0 : i32
        %dma_start3A_436 = tpu.memref_slice %arg3[%squeeze3A_415, %dma_start3A_435] : memref<1000000x64xf32, #tpu.memory_space<hbm>> -> memref<1x64xf32, #tpu.memory_space<hbm>>
        %dma_start3A_437 = tpu.memref_squeeze %dma_start3A_436 : memref<1x64xf32, #tpu.memory_space<hbm>> -> memref<64xf32, #tpu.memory_space<hbm>>
        tpu.enqueue_dma source(%dma_start3A_437 : memref<64xf32, #tpu.memory_space<hbm>>) target(%dma_start3A_434 : memref<64xf32, #tpu.memory_space<vmem>>) target_semaphore(%arg11 : memref<!tpu.dma_semaphore, #tpu.memory_space<semaphore_mem>>)
        %slice3A_438 = vector.extract_strided_slice %get3A_223 {offsets = [9], sizes = [1], strides = [1]} : vector<16xi32> to vector<1xi32>
        %squeeze3A_439 = vector.extract %slice3A_438[0] : i32 from vector<1xi32>
        %add3A_440 = arith.constant 9 : i32
        %add3A_441 = arith.addi %mul3A_220, %add3A_440 : i32
        %dma_start3A_442 = arith.constant 0 : i32
        %dma_start3A_443 = arith.constant 0 : i32
        %dma_start3A_444 = tpu.memref_slice %arg8[%scan3A_159, %dma_start3A_442, %dma_start3A_443] : memref<2x208x64xf32, #tpu.memory_space<vmem>> -> memref<1x208x64xf32, #tpu.memory_space<vmem>>
        %dma_start3A_445 = tpu.memref_squeeze %dma_start3A_444 : memref<1x208x64xf32, #tpu.memory_space<vmem>> -> memref<208x64xf32, #tpu.memory_space<vmem>>
        %dma_start3A_446 = arith.constant 0 : i32
        %dma_start3A_447 = tpu.memref_slice %dma_start3A_445[%add3A_441, %dma_start3A_446] : memref<208x64xf32, #tpu.memory_space<vmem>> -> memref<1x64xf32, #tpu.memory_space<vmem>>
        %dma_start3A_448 = tpu.memref_squeeze %dma_start3A_447 : memref<1x64xf32, #tpu.memory_space<vmem>> -> memref<64xf32, #tpu.memory_space<vmem>>
        %dma_start3A_449 = arith.constant 0 : i32
        %dma_start3A_450 = tpu.memref_slice %arg3[%squeeze3A_439, %dma_start3A_449] : memref<1000000x64xf32, #tpu.memory_space<hbm>> -> memref<1x64xf32, #tpu.memory_space<hbm>>
        %dma_start3A_451 = tpu.memref_squeeze %dma_start3A_450 : memref<1x64xf32, #tpu.memory_space<hbm>> -> memref<64xf32, #tpu.memory_space<hbm>>
        %dma_start3A_452 = arith.constant 0 : i32
        %dma_start3A_453 = arith.constant 0 : i32
        %dma_start3A_454 = tpu.memref_slice %arg8[%scan3A_159, %dma_start3A_452, %dma_start3A_453] : memref<2x208x64xf32, #tpu.memory_space<vmem>> -> memref<1x208x64xf32, #tpu.memory_space<vmem>>
        %dma_start3A_455 = tpu.memref_squeeze %dma_start3A_454 : memref<1x208x64xf32, #tpu.memory_space<vmem>> -> memref<208x64xf32, #tpu.memory_space<vmem>>
        %dma_start3A_456 = arith.constant 0 : i32
        %dma_start3A_457 = tpu.memref_slice %dma_start3A_455[%add3A_441, %dma_start3A_456] : memref<208x64xf32, #tpu.memory_space<vmem>> -> memref<1x64xf32, #tpu.memory_space<vmem>>
        %dma_start3A_458 = tpu.memref_squeeze %dma_start3A_457 : memref<1x64xf32, #tpu.memory_space<vmem>> -> memref<64xf32, #tpu.memory_space<vmem>>
        %dma_start3A_459 = arith.constant 0 : i32
        %dma_start3A_460 = tpu.memref_slice %arg3[%squeeze3A_439, %dma_start3A_459] : memref<1000000x64xf32, #tpu.memory_space<hbm>> -> memref<1x64xf32, #tpu.memory_space<hbm>>
        %dma_start3A_461 = tpu.memref_squeeze %dma_start3A_460 : memref<1x64xf32, #tpu.memory_space<hbm>> -> memref<64xf32, #tpu.memory_space<hbm>>
        tpu.enqueue_dma source(%dma_start3A_461 : memref<64xf32, #tpu.memory_space<hbm>>) target(%dma_start3A_458 : memref<64xf32, #tpu.memory_space<vmem>>) target_semaphore(%arg11 : memref<!tpu.dma_semaphore, #tpu.memory_space<semaphore_mem>>)
        %slice3A_462 = vector.extract_strided_slice %get3A_223 {offsets = [10], sizes = [1], strides = [1]} : vector<16xi32> to vector<1xi32>
        %squeeze3A_463 = vector.extract %slice3A_462[0] : i32 from vector<1xi32>
        %add3A_464 = arith.constant 10 : i32
        %add3A_465 = arith.addi %mul3A_220, %add3A_464 : i32
        %dma_start3A_466 = arith.constant 0 : i32
        %dma_start3A_467 = arith.constant 0 : i32
        %dma_start3A_468 = tpu.memref_slice %arg8[%scan3A_159, %dma_start3A_466, %dma_start3A_467] : memref<2x208x64xf32, #tpu.memory_space<vmem>> -> memref<1x208x64xf32, #tpu.memory_space<vmem>>
        %dma_start3A_469 = tpu.memref_squeeze %dma_start3A_468 : memref<1x208x64xf32, #tpu.memory_space<vmem>> -> memref<208x64xf32, #tpu.memory_space<vmem>>
        %dma_start3A_470 = arith.constant 0 : i32
        %dma_start3A_471 = tpu.memref_slice %dma_start3A_469[%add3A_465, %dma_start3A_470] : memref<208x64xf32, #tpu.memory_space<vmem>> -> memref<1x64xf32, #tpu.memory_space<vmem>>
        %dma_start3A_472 = tpu.memref_squeeze %dma_start3A_471 : memref<1x64xf32, #tpu.memory_space<vmem>> -> memref<64xf32, #tpu.memory_space<vmem>>
        %dma_start3A_473 = arith.constant 0 : i32
        %dma_start3A_474 = tpu.memref_slice %arg3[%squeeze3A_463, %dma_start3A_473] : memref<1000000x64xf32, #tpu.memory_space<hbm>> -> memref<1x64xf32, #tpu.memory_space<hbm>>
        %dma_start3A_475 = tpu.memref_squeeze %dma_start3A_474 : memref<1x64xf32, #tpu.memory_space<hbm>> -> memref<64xf32, #tpu.memory_space<hbm>>
        %dma_start3A_476 = arith.constant 0 : i32
        %dma_start3A_477 = arith.constant 0 : i32
        %dma_start3A_478 = tpu.memref_slice %arg8[%scan3A_159, %dma_start3A_476, %dma_start3A_477] : memref<2x208x64xf32, #tpu.memory_space<vmem>> -> memref<1x208x64xf32, #tpu.memory_space<vmem>>
        %dma_start3A_479 = tpu.memref_squeeze %dma_start3A_478 : memref<1x208x64xf32, #tpu.memory_space<vmem>> -> memref<208x64xf32, #tpu.memory_space<vmem>>
        %dma_start3A_480 = arith.constant 0 : i32
        %dma_start3A_481 = tpu.memref_slice %dma_start3A_479[%add3A_465, %dma_start3A_480] : memref<208x64xf32, #tpu.memory_space<vmem>> -> memref<1x64xf32, #tpu.memory_space<vmem>>
        %dma_start3A_482 = tpu.memref_squeeze %dma_start3A_481 : memref<1x64xf32, #tpu.memory_space<vmem>> -> memref<64xf32, #tpu.memory_space<vmem>>
        %dma_start3A_483 = arith.constant 0 : i32
        %dma_start3A_484 = tpu.memref_slice %arg3[%squeeze3A_463, %dma_start3A_483] : memref<1000000x64xf32, #tpu.memory_space<hbm>> -> memref<1x64xf32, #tpu.memory_space<hbm>>
        %dma_start3A_485 = tpu.memref_squeeze %dma_start3A_484 : memref<1x64xf32, #tpu.memory_space<hbm>> -> memref<64xf32, #tpu.memory_space<hbm>>
        tpu.enqueue_dma source(%dma_start3A_485 : memref<64xf32, #tpu.memory_space<hbm>>) target(%dma_start3A_482 : memref<64xf32, #tpu.memory_space<vmem>>) target_semaphore(%arg11 : memref<!tpu.dma_semaphore, #tpu.memory_space<semaphore_mem>>)
        %slice3A_486 = vector.extract_strided_slice %get3A_223 {offsets = [11], sizes = [1], strides = [1]} : vector<16xi32> to vector<1xi32>
        %squeeze3A_487 = vector.extract %slice3A_486[0] : i32 from vector<1xi32>
        %add3A_488 = arith.constant 11 : i32
        %add3A_489 = arith.addi %mul3A_220, %add3A_488 : i32
        %dma_start3A_490 = arith.constant 0 : i32
        %dma_start3A_491 = arith.constant 0 : i32
        %dma_start3A_492 = tpu.memref_slice %arg8[%scan3A_159, %dma_start3A_490, %dma_start3A_491] : memref<2x208x64xf32, #tpu.memory_space<vmem>> -> memref<1x208x64xf32, #tpu.memory_space<vmem>>
        %dma_start3A_493 = tpu.memref_squeeze %dma_start3A_492 : memref<1x208x64xf32, #tpu.memory_space<vmem>> -> memref<208x64xf32, #tpu.memory_space<vmem>>
        %dma_start3A_494 = arith.constant 0 : i32
        %dma_start3A_495 = tpu.memref_slice %dma_start3A_493[%add3A_489, %dma_start3A_494] : memref<208x64xf32, #tpu.memory_space<vmem>> -> memref<1x64xf32, #tpu.memory_space<vmem>>
        %dma_start3A_496 = tpu.memref_squeeze %dma_start3A_495 : memref<1x64xf32, #tpu.memory_space<vmem>> -> memref<64xf32, #tpu.memory_space<vmem>>
        %dma_start3A_497 = arith.constant 0 : i32
        %dma_start3A_498 = tpu.memref_slice %arg3[%squeeze3A_487, %dma_start3A_497] : memref<1000000x64xf32, #tpu.memory_space<hbm>> -> memref<1x64xf32, #tpu.memory_space<hbm>>
        %dma_start3A_499 = tpu.memref_squeeze %dma_start3A_498 : memref<1x64xf32, #tpu.memory_space<hbm>> -> memref<64xf32, #tpu.memory_space<hbm>>
        %dma_start3A_500 = arith.constant 0 : i32
        %dma_start3A_501 = arith.constant 0 : i32
        %dma_start3A_502 = tpu.memref_slice %arg8[%scan3A_159, %dma_start3A_500, %dma_start3A_501] : memref<2x208x64xf32, #tpu.memory_space<vmem>> -> memref<1x208x64xf32, #tpu.memory_space<vmem>>
        %dma_start3A_503 = tpu.memref_squeeze %dma_start3A_502 : memref<1x208x64xf32, #tpu.memory_space<vmem>> -> memref<208x64xf32, #tpu.memory_space<vmem>>
        %dma_start3A_504 = arith.constant 0 : i32
        %dma_start3A_505 = tpu.memref_slice %dma_start3A_503[%add3A_489, %dma_start3A_504] : memref<208x64xf32, #tpu.memory_space<vmem>> -> memref<1x64xf32, #tpu.memory_space<vmem>>
        %dma_start3A_506 = tpu.memref_squeeze %dma_start3A_505 : memref<1x64xf32, #tpu.memory_space<vmem>> -> memref<64xf32, #tpu.memory_space<vmem>>
        %dma_start3A_507 = arith.constant 0 : i32
        %dma_start3A_508 = tpu.memref_slice %arg3[%squeeze3A_487, %dma_start3A_507] : memref<1000000x64xf32, #tpu.memory_space<hbm>> -> memref<1x64xf32, #tpu.memory_space<hbm>>
        %dma_start3A_509 = tpu.memref_squeeze %dma_start3A_508 : memref<1x64xf32, #tpu.memory_space<hbm>> -> memref<64xf32, #tpu.memory_space<hbm>>
        tpu.enqueue_dma source(%dma_start3A_509 : memref<64xf32, #tpu.memory_space<hbm>>) target(%dma_start3A_506 : memref<64xf32, #tpu.memory_space<vmem>>) target_semaphore(%arg11 : memref<!tpu.dma_semaphore, #tpu.memory_space<semaphore_mem>>)
        %slice3A_510 = vector.extract_strided_slice %get3A_223 {offsets = [12], sizes = [1], strides = [1]} : vector<16xi32> to vector<1xi32>
        %squeeze3A_511 = vector.extract %slice3A_510[0] : i32 from vector<1xi32>
        %add3A_512 = arith.constant 12 : i32
        %add3A_513 = arith.addi %mul3A_220, %add3A_512 : i32
        %dma_start3A_514 = arith.constant 0 : i32
        %dma_start3A_515 = arith.constant 0 : i32
        %dma_start3A_516 = tpu.memref_slice %arg8[%scan3A_159, %dma_start3A_514, %dma_start3A_515] : memref<2x208x64xf32, #tpu.memory_space<vmem>> -> memref<1x208x64xf32, #tpu.memory_space<vmem>>
        %dma_start3A_517 = tpu.memref_squeeze %dma_start3A_516 : memref<1x208x64xf32, #tpu.memory_space<vmem>> -> memref<208x64xf32, #tpu.memory_space<vmem>>
        %dma_start3A_518 = arith.constant 0 : i32
        %dma_start3A_519 = tpu.memref_slice %dma_start3A_517[%add3A_513, %dma_start3A_518] : memref<208x64xf32, #tpu.memory_space<vmem>> -> memref<1x64xf32, #tpu.memory_space<vmem>>
        %dma_start3A_520 = tpu.memref_squeeze %dma_start3A_519 : memref<1x64xf32, #tpu.memory_space<vmem>> -> memref<64xf32, #tpu.memory_space<vmem>>
        %dma_start3A_521 = arith.constant 0 : i32
        %dma_start3A_522 = tpu.memref_slice %arg3[%squeeze3A_511, %dma_start3A_521] : memref<1000000x64xf32, #tpu.memory_space<hbm>> -> memref<1x64xf32, #tpu.memory_space<hbm>>
        %dma_start3A_523 = tpu.memref_squeeze %dma_start3A_522 : memref<1x64xf32, #tpu.memory_space<hbm>> -> memref<64xf32, #tpu.memory_space<hbm>>
        %dma_start3A_524 = arith.constant 0 : i32
        %dma_start3A_525 = arith.constant 0 : i32
        %dma_start3A_526 = tpu.memref_slice %arg8[%scan3A_159, %dma_start3A_524, %dma_start3A_525] : memref<2x208x64xf32, #tpu.memory_space<vmem>> -> memref<1x208x64xf32, #tpu.memory_space<vmem>>
        %dma_start3A_527 = tpu.memref_squeeze %dma_start3A_526 : memref<1x208x64xf32, #tpu.memory_space<vmem>> -> memref<208x64xf32, #tpu.memory_space<vmem>>
        %dma_start3A_528 = arith.constant 0 : i32
        %dma_start3A_529 = tpu.memref_slice %dma_start3A_527[%add3A_513, %dma_start3A_528] : memref<208x64xf32, #tpu.memory_space<vmem>> -> memref<1x64xf32, #tpu.memory_space<vmem>>
        %dma_start3A_530 = tpu.memref_squeeze %dma_start3A_529 : memref<1x64xf32, #tpu.memory_space<vmem>> -> memref<64xf32, #tpu.memory_space<vmem>>
        %dma_start3A_531 = arith.constant 0 : i32
        %dma_start3A_532 = tpu.memref_slice %arg3[%squeeze3A_511, %dma_start3A_531] : memref<1000000x64xf32, #tpu.memory_space<hbm>> -> memref<1x64xf32, #tpu.memory_space<hbm>>
        %dma_start3A_533 = tpu.memref_squeeze %dma_start3A_532 : memref<1x64xf32, #tpu.memory_space<hbm>> -> memref<64xf32, #tpu.memory_space<hbm>>
        tpu.enqueue_dma source(%dma_start3A_533 : memref<64xf32, #tpu.memory_space<hbm>>) target(%dma_start3A_530 : memref<64xf32, #tpu.memory_space<vmem>>) target_semaphore(%arg11 : memref<!tpu.dma_semaphore, #tpu.memory_space<semaphore_mem>>)
        %slice3A_534 = vector.extract_strided_slice %get3A_223 {offsets = [13], sizes = [1], strides = [1]} : vector<16xi32> to vector<1xi32>
        %squeeze3A_535 = vector.extract %slice3A_534[0] : i32 from vector<1xi32>
        %add3A_536 = arith.constant 13 : i32
        %add3A_537 = arith.addi %mul3A_220, %add3A_536 : i32
        %dma_start3A_538 = arith.constant 0 : i32
        %dma_start3A_539 = arith.constant 0 : i32
        %dma_start3A_540 = tpu.memref_slice %arg8[%scan3A_159, %dma_start3A_538, %dma_start3A_539] : memref<2x208x64xf32, #tpu.memory_space<vmem>> -> memref<1x208x64xf32, #tpu.memory_space<vmem>>
        %dma_start3A_541 = tpu.memref_squeeze %dma_start3A_540 : memref<1x208x64xf32, #tpu.memory_space<vmem>> -> memref<208x64xf32, #tpu.memory_space<vmem>>
        %dma_start3A_542 = arith.constant 0 : i32
        %dma_start3A_543 = tpu.memref_slice %dma_start3A_541[%add3A_537, %dma_start3A_542] : memref<208x64xf32, #tpu.memory_space<vmem>> -> memref<1x64xf32, #tpu.memory_space<vmem>>
        %dma_start3A_544 = tpu.memref_squeeze %dma_start3A_543 : memref<1x64xf32, #tpu.memory_space<vmem>> -> memref<64xf32, #tpu.memory_space<vmem>>
        %dma_start3A_545 = arith.constant 0 : i32
        %dma_start3A_546 = tpu.memref_slice %arg3[%squeeze3A_535, %dma_start3A_545] : memref<1000000x64xf32, #tpu.memory_space<hbm>> -> memref<1x64xf32, #tpu.memory_space<hbm>>
        %dma_start3A_547 = tpu.memref_squeeze %dma_start3A_546 : memref<1x64xf32, #tpu.memory_space<hbm>> -> memref<64xf32, #tpu.memory_space<hbm>>
        %dma_start3A_548 = arith.constant 0 : i32
        %dma_start3A_549 = arith.constant 0 : i32
        %dma_start3A_550 = tpu.memref_slice %arg8[%scan3A_159, %dma_start3A_548, %dma_start3A_549] : memref<2x208x64xf32, #tpu.memory_space<vmem>> -> memref<1x208x64xf32, #tpu.memory_space<vmem>>
        %dma_start3A_551 = tpu.memref_squeeze %dma_start3A_550 : memref<1x208x64xf32, #tpu.memory_space<vmem>> -> memref<208x64xf32, #tpu.memory_space<vmem>>
        %dma_start3A_552 = arith.constant 0 : i32
        %dma_start3A_553 = tpu.memref_slice %dma_start3A_551[%add3A_537, %dma_start3A_552] : memref<208x64xf32, #tpu.memory_space<vmem>> -> memref<1x64xf32, #tpu.memory_space<vmem>>
        %dma_start3A_554 = tpu.memref_squeeze %dma_start3A_553 : memref<1x64xf32, #tpu.memory_space<vmem>> -> memref<64xf32, #tpu.memory_space<vmem>>
        %dma_start3A_555 = arith.constant 0 : i32
        %dma_start3A_556 = tpu.memref_slice %arg3[%squeeze3A_535, %dma_start3A_555] : memref<1000000x64xf32, #tpu.memory_space<hbm>> -> memref<1x64xf32, #tpu.memory_space<hbm>>
        %dma_start3A_557 = tpu.memref_squeeze %dma_start3A_556 : memref<1x64xf32, #tpu.memory_space<hbm>> -> memref<64xf32, #tpu.memory_space<hbm>>
        tpu.enqueue_dma source(%dma_start3A_557 : memref<64xf32, #tpu.memory_space<hbm>>) target(%dma_start3A_554 : memref<64xf32, #tpu.memory_space<vmem>>) target_semaphore(%arg11 : memref<!tpu.dma_semaphore, #tpu.memory_space<semaphore_mem>>)
        %slice3A_558 = vector.extract_strided_slice %get3A_223 {offsets = [14], sizes = [1], strides = [1]} : vector<16xi32> to vector<1xi32>
        %squeeze3A_559 = vector.extract %slice3A_558[0] : i32 from vector<1xi32>
        %add3A_560 = arith.constant 14 : i32
        %add3A_561 = arith.addi %mul3A_220, %add3A_560 : i32
        %dma_start3A_562 = arith.constant 0 : i32
        %dma_start3A_563 = arith.constant 0 : i32
        %dma_start3A_564 = tpu.memref_slice %arg8[%scan3A_159, %dma_start3A_562, %dma_start3A_563] : memref<2x208x64xf32, #tpu.memory_space<vmem>> -> memref<1x208x64xf32, #tpu.memory_space<vmem>>
        %dma_start3A_565 = tpu.memref_squeeze %dma_start3A_564 : memref<1x208x64xf32, #tpu.memory_space<vmem>> -> memref<208x64xf32, #tpu.memory_space<vmem>>
        %dma_start3A_566 = arith.constant 0 : i32
        %dma_start3A_567 = tpu.memref_slice %dma_start3A_565[%add3A_561, %dma_start3A_566] : memref<208x64xf32, #tpu.memory_space<vmem>> -> memref<1x64xf32, #tpu.memory_space<vmem>>
        %dma_start3A_568 = tpu.memref_squeeze %dma_start3A_567 : memref<1x64xf32, #tpu.memory_space<vmem>> -> memref<64xf32, #tpu.memory_space<vmem>>
        %dma_start3A_569 = arith.constant 0 : i32
        %dma_start3A_570 = tpu.memref_slice %arg3[%squeeze3A_559, %dma_start3A_569] : memref<1000000x64xf32, #tpu.memory_space<hbm>> -> memref<1x64xf32, #tpu.memory_space<hbm>>
        %dma_start3A_571 = tpu.memref_squeeze %dma_start3A_570 : memref<1x64xf32, #tpu.memory_space<hbm>> -> memref<64xf32, #tpu.memory_space<hbm>>
        %dma_start3A_572 = arith.constant 0 : i32
        %dma_start3A_573 = arith.constant 0 : i32
        %dma_start3A_574 = tpu.memref_slice %arg8[%scan3A_159, %dma_start3A_572, %dma_start3A_573] : memref<2x208x64xf32, #tpu.memory_space<vmem>> -> memref<1x208x64xf32, #tpu.memory_space<vmem>>
        %dma_start3A_575 = tpu.memref_squeeze %dma_start3A_574 : memref<1x208x64xf32, #tpu.memory_space<vmem>> -> memref<208x64xf32, #tpu.memory_space<vmem>>
        %dma_start3A_576 = arith.constant 0 : i32
        %dma_start3A_577 = tpu.memref_slice %dma_start3A_575[%add3A_561, %dma_start3A_576] : memref<208x64xf32, #tpu.memory_space<vmem>> -> memref<1x64xf32, #tpu.memory_space<vmem>>
        %dma_start3A_578 = tpu.memref_squeeze %dma_start3A_577 : memref<1x64xf32, #tpu.memory_space<vmem>> -> memref<64xf32, #tpu.memory_space<vmem>>
        %dma_start3A_579 = arith.constant 0 : i32
        %dma_start3A_580 = tpu.memref_slice %arg3[%squeeze3A_559, %dma_start3A_579] : memref<1000000x64xf32, #tpu.memory_space<hbm>> -> memref<1x64xf32, #tpu.memory_space<hbm>>
        %dma_start3A_581 = tpu.memref_squeeze %dma_start3A_580 : memref<1x64xf32, #tpu.memory_space<hbm>> -> memref<64xf32, #tpu.memory_space<hbm>>
        tpu.enqueue_dma source(%dma_start3A_581 : memref<64xf32, #tpu.memory_space<hbm>>) target(%dma_start3A_578 : memref<64xf32, #tpu.memory_space<vmem>>) target_semaphore(%arg11 : memref<!tpu.dma_semaphore, #tpu.memory_space<semaphore_mem>>)
        %slice3A_582 = vector.extract_strided_slice %get3A_223 {offsets = [15], sizes = [1], strides = [1]} : vector<16xi32> to vector<1xi32>
        %squeeze3A_583 = vector.extract %slice3A_582[0] : i32 from vector<1xi32>
        %add3A_584 = arith.constant 15 : i32
        %add3A_585 = arith.addi %mul3A_220, %add3A_584 : i32
        %dma_start3A_586 = arith.constant 0 : i32
        %dma_start3A_587 = arith.constant 0 : i32
        %dma_start3A_588 = tpu.memref_slice %arg8[%scan3A_159, %dma_start3A_586, %dma_start3A_587] : memref<2x208x64xf32, #tpu.memory_space<vmem>> -> memref<1x208x64xf32, #tpu.memory_space<vmem>>
        %dma_start3A_589 = tpu.memref_squeeze %dma_start3A_588 : memref<1x208x64xf32, #tpu.memory_space<vmem>> -> memref<208x64xf32, #tpu.memory_space<vmem>>
        %dma_start3A_590 = arith.constant 0 : i32
        %dma_start3A_591 = tpu.memref_slice %dma_start3A_589[%add3A_585, %dma_start3A_590] : memref<208x64xf32, #tpu.memory_space<vmem>> -> memref<1x64xf32, #tpu.memory_space<vmem>>
        %dma_start3A_592 = tpu.memref_squeeze %dma_start3A_591 : memref<1x64xf32, #tpu.memory_space<vmem>> -> memref<64xf32, #tpu.memory_space<vmem>>
        %dma_start3A_593 = arith.constant 0 : i32
        %dma_start3A_594 = tpu.memref_slice %arg3[%squeeze3A_583, %dma_start3A_593] : memref<1000000x64xf32, #tpu.memory_space<hbm>> -> memref<1x64xf32, #tpu.memory_space<hbm>>
        %dma_start3A_595 = tpu.memref_squeeze %dma_start3A_594 : memref<1x64xf32, #tpu.memory_space<hbm>> -> memref<64xf32, #tpu.memory_space<hbm>>
        %dma_start3A_596 = arith.constant 0 : i32
        %dma_start3A_597 = arith.constant 0 : i32
        %dma_start3A_598 = tpu.memref_slice %arg8[%scan3A_159, %dma_start3A_596, %dma_start3A_597] : memref<2x208x64xf32, #tpu.memory_space<vmem>> -> memref<1x208x64xf32, #tpu.memory_space<vmem>>
        %dma_start3A_599 = tpu.memref_squeeze %dma_start3A_598 : memref<1x208x64xf32, #tpu.memory_space<vmem>> -> memref<208x64xf32, #tpu.memory_space<vmem>>
        %dma_start3A_600 = arith.constant 0 : i32
        %dma_start3A_601 = tpu.memref_slice %dma_start3A_599[%add3A_585, %dma_start3A_600] : memref<208x64xf32, #tpu.memory_space<vmem>> -> memref<1x64xf32, #tpu.memory_space<vmem>>
        %dma_start3A_602 = tpu.memref_squeeze %dma_start3A_601 : memref<1x64xf32, #tpu.memory_space<vmem>> -> memref<64xf32, #tpu.memory_space<vmem>>
        %dma_start3A_603 = arith.constant 0 : i32
        %dma_start3A_604 = tpu.memref_slice %arg3[%squeeze3A_583, %dma_start3A_603] : memref<1000000x64xf32, #tpu.memory_space<hbm>> -> memref<1x64xf32, #tpu.memory_space<hbm>>
        %dma_start3A_605 = tpu.memref_squeeze %dma_start3A_604 : memref<1x64xf32, #tpu.memory_space<hbm>> -> memref<64xf32, #tpu.memory_space<hbm>>
        tpu.enqueue_dma source(%dma_start3A_605 : memref<64xf32, #tpu.memory_space<hbm>>) target(%dma_start3A_602 : memref<64xf32, #tpu.memory_space<vmem>>) target_semaphore(%arg11 : memref<!tpu.dma_semaphore, #tpu.memory_space<semaphore_mem>>)
        %scan3A_606 = arith.constant 0 : i32
        scf.yield %scan3A_606 : i32
      }
      %scan3A_166 = arith.constant 13 : i32
      %mul3A_167 = arith.constant 2 : i32
      %mul3A_168 = arith.muli %mul3A_167, %scan3A_127 : i32
      %add3A_169 = arith.addi %mul3A_2, %mul3A_168 : i32
      %dma_wait3A_170 = arith.constant 0 : i32
      %dma_wait3A_171 = arith.constant 0 : i32
      %dma_wait3A_172 = arith.constant 0 : i32
      %dma_wait3A_173 = tpu.memref_slice %arg8[%dma_wait3A_170, %dma_wait3A_171, %dma_wait3A_172] : memref<2x208x64xf32, #tpu.memory_space<vmem>> -> memref<1x208x64xf32, #tpu.memory_space<vmem>>
      %dma_wait3A_174 = tpu.memref_squeeze %dma_wait3A_173 : memref<1x208x64xf32, #tpu.memory_space<vmem>> -> memref<208x64xf32, #tpu.memory_space<vmem>>
      %dma_wait3A_175 = arith.constant 0 : i32
      %dma_wait3A_176 = arith.constant 0 : i32
      %dma_wait3A_177 = tpu.memref_slice %arg3[%dma_wait3A_175, %dma_wait3A_176] : memref<1000000x64xf32, #tpu.memory_space<hbm>> -> memref<208x64xf32, #tpu.memory_space<hbm>>
      %dma_wait3A_178 = arith.constant 0 : i32
      %dma_wait3A_179 = arith.constant 0 : i32
      %dma_wait3A_180 = tpu.memref_slice %arg8[%dma_wait3A_170, %dma_wait3A_178, %dma_wait3A_179] : memref<2x208x64xf32, #tpu.memory_space<vmem>> -> memref<1x208x64xf32, #tpu.memory_space<vmem>>
      %dma_wait3A_181 = tpu.memref_squeeze %dma_wait3A_180 : memref<1x208x64xf32, #tpu.memory_space<vmem>> -> memref<208x64xf32, #tpu.memory_space<vmem>>
      %dma_wait3A_182 = arith.constant 0 : i32
      %dma_wait3A_183 = arith.constant 0 : i32
      %dma_wait3A_184 = tpu.memref_slice %arg3[%dma_wait3A_182, %dma_wait3A_183] : memref<1000000x64xf32, #tpu.memory_space<hbm>> -> memref<208x64xf32, #tpu.memory_space<hbm>>
      tpu.wait_dma2 semaphore(%arg10 : memref<!tpu.dma_semaphore, #tpu.memory_space<semaphore_mem>>) src(%dma_wait3A_184 : memref<208x64xf32, #tpu.memory_space<hbm>>) dst(%dma_wait3A_181 : memref<208x64xf32, #tpu.memory_space<vmem>>)
      %scan3A_185 = arith.constant 0 : i32
      %scan3A_186 = arith.constant 0 : i32
      %scan3A_187 = arith.constant 0 : i32
      %scan3A_188 = arith.constant 800 : i32
      %scan3A_189 = arith.addi %scan3A_187, %scan3A_188 : i32
      %scan3A_190 = arith.constant 8 : i32
      %scan3A_191 = scf.for %scan3A_217 = %scan3A_187 to %scan3A_189 step %scan3A_190 iter_args(%scan3A_218 = %scan3A_186) -> (i32)  : i32 {
        %jit3A = arith.constant 4 : i32
        %div3A = arith.divsi %scan3A_217, %jit3A : i32
        %sign3A = arith.constant 0 : i32
        %sign3A_219 = arith.cmpi sgt, %scan3A_217, %sign3A : i32
        %sign3A_220 = arith.extui %sign3A_219 : i1 to i32
        %sign3A_221 = arith.constant 0 : i32
        %sign3A_222 = arith.cmpi slt, %scan3A_217, %sign3A_221 : i32
        %sign3A_223 = arith.extui %sign3A_222 : i1 to i32
        %sign3A_224 = arith.subi %sign3A_220, %sign3A_223 : i32
        %sign3A_225 = arith.constant 0 : i32
        %sign3A_226 = arith.cmpi sgt, %jit3A, %sign3A_225 : i32
        %sign3A_227 = arith.extui %sign3A_226 : i1 to i32
        %sign3A_228 = arith.constant 0 : i32
        %sign3A_229 = arith.cmpi slt, %jit3A, %sign3A_228 : i32
        %sign3A_230 = arith.extui %sign3A_229 : i1 to i32
        %sign3A_231 = arith.subi %sign3A_227, %sign3A_230 : i32
        %ne3A = arith.cmpi ne, %sign3A_224, %sign3A_231 : i32
        %rem3A = arith.remsi %scan3A_217, %jit3A : i32
        %ne3A_232 = arith.constant 0 : i32
        %ne3A_233 = arith.cmpi ne, %rem3A, %ne3A_232 : i32
        %and3A = arith.andi %ne3A, %ne3A_233 : i1
        %sub3A_234 = arith.constant 1 : i32
        %sub3A_235 = arith.subi %div3A, %sub3A_234 : i32
        %select_n3A = arith.select %and3A, %sub3A_235, %div3A : i32
        %jit3A_236 = arith.constant 4 : i32
        %eq3A = arith.constant 0 : i32
        %eq3A_237 = arith.cmpi eq, %jit3A_236, %eq3A : i32
        %jit3A_238 = arith.constant 1 : i32
        %select_n3A_239 = arith.select %eq3A_237, %jit3A_238, %jit3A_236 : i32
        %rem3A_240 = arith.remsi %scan3A_217, %select_n3A_239 : i32
        %ne3A_241 = arith.constant 0 : i32
        %ne3A_242 = arith.cmpi ne, %rem3A_240, %ne3A_241 : i32
        %lt3A = arith.constant 0 : i32
        %lt3A_243 = arith.cmpi slt, %rem3A_240, %lt3A : i32
        %lt3A_244 = arith.constant 0 : i32
        %lt3A_245 = arith.cmpi slt, %select_n3A_239, %lt3A_244 : i32
        %ne3A_246 = arith.xori %lt3A_243, %lt3A_245 : i1
        %and3A_247 = arith.andi %ne3A_246, %ne3A_242 : i1
        %add3A_248 = arith.addi %rem3A_240, %select_n3A_239 : i32
        %select_n3A_249 = arith.select %and3A_247, %add3A_248, %rem3A_240 : i32
        %mul3A_250 = arith.constant 16 : i32
        %mul3A_251 = arith.muli %select_n3A_249, %mul3A_250 : i32
        %get3A = arith.constant 0 : i32
        %get3A_252 = arith.constant 0 : i32
        %get3A_253 = tpu.memref_slice %arg8[%scan3A_185, %get3A, %get3A_252] : memref<2x208x64xf32, #tpu.memory_space<vmem>> -> memref<1x208x64xf32, #tpu.memory_space<vmem>>
        %get3A_254 = tpu.memref_squeeze %get3A_253 : memref<1x208x64xf32, #tpu.memory_space<vmem>> -> memref<208x64xf32, #tpu.memory_space<vmem>>
        %get3A_255 = arith.index_cast %select_n3A : i32 to index
        %get3A_256 = arith.index_cast %mul3A_251 : i32 to index
        %get3A_257 = tpu.vector_load %get3A_254[%get3A_255, %get3A_256] {strides = array<i32>} : memref<208x64xf32, #tpu.memory_space<vmem>>, vector<1x16xf32>,
        %get3A_258 = vector.shape_cast %get3A_257 : vector<1x16xf32> to vector<16xf32>
        %mul3A_259 = arith.constant 64 : i32
        %mul3A_260 = arith.muli %select_n3A, %mul3A_259 : i32
        %add3A_261 = arith.addi %mul3A_260, %mul3A_251 : i32
        %get3A_262 = arith.index_cast %add3A_261 : i32 to index
        %get3A_263 = tpu.vector_load %arg6[%get3A_262] {strides = array<i32>} : memref<12800xf32, #tpu.memory_space<vmem>>, vector<16xf32>,
        %get3A_264 = vector.shape_cast %get3A_263 : vector<16xf32> to vector<16xf32>
        %add3A_265 = arith.addf %get3A_258, %get3A_264 : vector<16xf32>
        %swap3A_266 = arith.constant 0 : i32
        %swap3A_267 = arith.constant 0 : i32
        %swap3A_268 = tpu.memref_slice %arg8[%scan3A_185, %swap3A_266, %swap3A_267] : memref<2x208x64xf32, #tpu.memory_space<vmem>> -> memref<1x208x64xf32, #tpu.memory_space<vmem>>
        %swap3A_269 = tpu.memref_squeeze %swap3A_268 : memref<1x208x64xf32, #tpu.memory_space<vmem>> -> memref<208x64xf32, #tpu.memory_space<vmem>>
        %swap3A_270 = arith.index_cast %select_n3A : i32 to index
        %swap3A_271 = arith.index_cast %mul3A_251 : i32 to index
        %swap3A_272 = tpu.vector_load %swap3A_269[%swap3A_270, %swap3A_271] {strides = array<i32>} : memref<208x64xf32, #tpu.memory_space<vmem>>, vector<1x16xf32>,
        %swap3A_273 = vector.shape_cast %swap3A_272 : vector<1x16xf32> to vector<16xf32>
        %swap3A_274 = vector.shape_cast %add3A_265 : vector<16xf32> to vector<1x16xf32>
        tpu.vector_store %swap3A_269[%swap3A_270, %swap3A_271], %swap3A_274 {strides = array<i32>} : memref<208x64xf32, #tpu.memory_space<vmem>>, vector<1x16xf32>,
        %scan3A_275 = arith.constant 0 : i32
        %scan3A_276 = arith.constant 1 : i32
        %scan3A_277 = arith.addi %scan3A_217, %scan3A_276 : i32
        %jit3A_278 = arith.constant 4 : i32
        %div3A_279 = arith.divsi %scan3A_277, %jit3A_278 : i32
        %sign3A_280 = arith.constant 0 : i32
        %sign3A_281 = arith.cmpi sgt, %scan3A_277, %sign3A_280 : i32
        %sign3A_282 = arith.extui %sign3A_281 : i1 to i32
        %sign3A_283 = arith.constant 0 : i32
        %sign3A_284 = arith.cmpi slt, %scan3A_277, %sign3A_283 : i32
        %sign3A_285 = arith.extui %sign3A_284 : i1 to i32
        %sign3A_286 = arith.subi %sign3A_282, %sign3A_285 : i32
        %sign3A_287 = arith.constant 0 : i32
        %sign3A_288 = arith.cmpi sgt, %jit3A_278, %sign3A_287 : i32
        %sign3A_289 = arith.extui %sign3A_288 : i1 to i32
        %sign3A_290 = arith.constant 0 : i32
        %sign3A_291 = arith.cmpi slt, %jit3A_278, %sign3A_290 : i32
        %sign3A_292 = arith.extui %sign3A_291 : i1 to i32
        %sign3A_293 = arith.subi %sign3A_289, %sign3A_292 : i32
        %ne3A_294 = arith.cmpi ne, %sign3A_286, %sign3A_293 : i32
        %rem3A_295 = arith.remsi %scan3A_277, %jit3A_278 : i32
        %ne3A_296 = arith.constant 0 : i32
        %ne3A_297 = arith.cmpi ne, %rem3A_295, %ne3A_296 : i32
        %and3A_298 = arith.andi %ne3A_294, %ne3A_297 : i1
        %sub3A_299 = arith.constant 1 : i32
        %sub3A_300 = arith.subi %div3A_279, %sub3A_299 : i32
        %select_n3A_301 = arith.select %and3A_298, %sub3A_300, %div3A_279 : i32
        %jit3A_302 = arith.constant 4 : i32
        %eq3A_303 = arith.constant 0 : i32
        %eq3A_304 = arith.cmpi eq, %jit3A_302, %eq3A_303 : i32
        %jit3A_305 = arith.constant 1 : i32
        %select_n3A_306 = arith.select %eq3A_304, %jit3A_305, %jit3A_302 : i32
        %rem3A_307 = arith.remsi %scan3A_277, %select_n3A_306 : i32
        %ne3A_308 = arith.constant 0 : i32
        %ne3A_309 = arith.cmpi ne, %rem3A_307, %ne3A_308 : i32
        %lt3A_310 = arith.constant 0 : i32
        %lt3A_311 = arith.cmpi slt, %rem3A_307, %lt3A_310 : i32
        %lt3A_312 = arith.constant 0 : i32
        %lt3A_313 = arith.cmpi slt, %select_n3A_306, %lt3A_312 : i32
        %ne3A_314 = arith.xori %lt3A_311, %lt3A_313 : i1
        %and3A_315 = arith.andi %ne3A_314, %ne3A_309 : i1
        %add3A_316 = arith.addi %rem3A_307, %select_n3A_306 : i32
        %select_n3A_317 = arith.select %and3A_315, %add3A_316, %rem3A_307 : i32
        %mul3A_318 = arith.constant 16 : i32
        %mul3A_319 = arith.muli %select_n3A_317, %mul3A_318 : i32
        %get3A_320 = arith.constant 0 : i32
        %get3A_321 = arith.constant 0 : i32
        %get3A_322 = tpu.memref_slice %arg8[%scan3A_185, %get3A_320, %get3A_321] : memref<2x208x64xf32, #tpu.memory_space<vmem>> -> memref<1x208x64xf32, #tpu.memory_space<vmem>>
        %get3A_323 = tpu.memref_squeeze %get3A_322 : memref<1x208x64xf32, #tpu.memory_space<vmem>> -> memref<208x64xf32, #tpu.memory_space<vmem>>
        %get3A_324 = arith.index_cast %select_n3A_301 : i32 to index
        %get3A_325 = arith.index_cast %mul3A_319 : i32 to index
        %get3A_326 = tpu.vector_load %get3A_323[%get3A_324, %get3A_325] {strides = array<i32>} : memref<208x64xf32, #tpu.memory_space<vmem>>, vector<1x16xf32>,
        %get3A_327 = vector.shape_cast %get3A_326 : vector<1x16xf32> to vector<16xf32>
        %mul3A_328 = arith.constant 64 : i32
        %mul3A_329 = arith.muli %select_n3A_301, %mul3A_328 : i32
        %add3A_330 = arith.addi %mul3A_329, %mul3A_319 : i32
        %get3A_331 = arith.index_cast %add3A_330 : i32 to index
        %get3A_332 = tpu.vector_load %arg6[%get3A_331] {strides = array<i32>} : memref<12800xf32, #tpu.memory_space<vmem>>, vector<16xf32>,
        %get3A_333 = vector.shape_cast %get3A_332 : vector<16xf32> to vector<16xf32>
        %add3A_334 = arith.addf %get3A_327, %get3A_333 : vector<16xf32>
        %swap3A_335 = arith.constant 0 : i32
        %swap3A_336 = arith.constant 0 : i32
        %swap3A_337 = tpu.memref_slice %arg8[%scan3A_185, %swap3A_335, %swap3A_336] : memref<2x208x64xf32, #tpu.memory_space<vmem>> -> memref<1x208x64xf32, #tpu.memory_space<vmem>>
        %swap3A_338 = tpu.memref_squeeze %swap3A_337 : memref<1x208x64xf32, #tpu.memory_space<vmem>> -> memref<208x64xf32, #tpu.memory_space<vmem>>
        %swap3A_339 = arith.index_cast %select_n3A_301 : i32 to index
        %swap3A_340 = arith.index_cast %mul3A_319 : i32 to index
        %swap3A_341 = tpu.vector_load %swap3A_338[%swap3A_339, %swap3A_340] {strides = array<i32>} : memref<208x64xf32, #tpu.memory_space<vmem>>, vector<1x16xf32>,
        %swap3A_342 = vector.shape_cast %swap3A_341 : vector<1x16xf32> to vector<16xf32>
        %swap3A_343 = vector.shape_cast %add3A_334 : vector<16xf32> to vector<1x16xf32>
        tpu.vector_store %swap3A_338[%swap3A_339, %swap3A_340], %swap3A_343 {strides = array<i32>} : memref<208x64xf32, #tpu.memory_space<vmem>>, vector<1x16xf32>,
        %scan3A_344 = arith.constant 0 : i32
        %scan3A_345 = arith.constant 2 : i32
        %scan3A_346 = arith.addi %scan3A_217, %scan3A_345 : i32
        %jit3A_347 = arith.constant 4 : i32
        %div3A_348 = arith.divsi %scan3A_346, %jit3A_347 : i32
        %sign3A_349 = arith.constant 0 : i32
        %sign3A_350 = arith.cmpi sgt, %scan3A_346, %sign3A_349 : i32
        %sign3A_351 = arith.extui %sign3A_350 : i1 to i32
        %sign3A_352 = arith.constant 0 : i32
        %sign3A_353 = arith.cmpi slt, %scan3A_346, %sign3A_352 : i32
        %sign3A_354 = arith.extui %sign3A_353 : i1 to i32
        %sign3A_355 = arith.subi %sign3A_351, %sign3A_354 : i32
        %sign3A_356 = arith.constant 0 : i32
        %sign3A_357 = arith.cmpi sgt, %jit3A_347, %sign3A_356 : i32
        %sign3A_358 = arith.extui %sign3A_357 : i1 to i32
        %sign3A_359 = arith.constant 0 : i32
        %sign3A_360 = arith.cmpi slt, %jit3A_347, %sign3A_359 : i32
        %sign3A_361 = arith.extui %sign3A_360 : i1 to i32
        %sign3A_362 = arith.subi %sign3A_358, %sign3A_361 : i32
        %ne3A_363 = arith.cmpi ne, %sign3A_355, %sign3A_362 : i32
        %rem3A_364 = arith.remsi %scan3A_346, %jit3A_347 : i32
        %ne3A_365 = arith.constant 0 : i32
        %ne3A_366 = arith.cmpi ne, %rem3A_364, %ne3A_365 : i32
        %and3A_367 = arith.andi %ne3A_363, %ne3A_366 : i1
        %sub3A_368 = arith.constant 1 : i32
        %sub3A_369 = arith.subi %div3A_348, %sub3A_368 : i32
        %select_n3A_370 = arith.select %and3A_367, %sub3A_369, %div3A_348 : i32
        %jit3A_371 = arith.constant 4 : i32
        %eq3A_372 = arith.constant 0 : i32
        %eq3A_373 = arith.cmpi eq, %jit3A_371, %eq3A_372 : i32
        %jit3A_374 = arith.constant 1 : i32
        %select_n3A_375 = arith.select %eq3A_373, %jit3A_374, %jit3A_371 : i32
        %rem3A_376 = arith.remsi %scan3A_346, %select_n3A_375 : i32
        %ne3A_377 = arith.constant 0 : i32
        %ne3A_378 = arith.cmpi ne, %rem3A_376, %ne3A_377 : i32
        %lt3A_379 = arith.constant 0 : i32
        %lt3A_380 = arith.cmpi slt, %rem3A_376, %lt3A_379 : i32
        %lt3A_381 = arith.constant 0 : i32
        %lt3A_382 = arith.cmpi slt, %select_n3A_375, %lt3A_381 : i32
        %ne3A_383 = arith.xori %lt3A_380, %lt3A_382 : i1
        %and3A_384 = arith.andi %ne3A_383, %ne3A_378 : i1
        %add3A_385 = arith.addi %rem3A_376, %select_n3A_375 : i32
        %select_n3A_386 = arith.select %and3A_384, %add3A_385, %rem3A_376 : i32
        %mul3A_387 = arith.constant 16 : i32
        %mul3A_388 = arith.muli %select_n3A_386, %mul3A_387 : i32
        %get3A_389 = arith.constant 0 : i32
        %get3A_390 = arith.constant 0 : i32
        %get3A_391 = tpu.memref_slice %arg8[%scan3A_185, %get3A_389, %get3A_390] : memref<2x208x64xf32, #tpu.memory_space<vmem>> -> memref<1x208x64xf32, #tpu.memory_space<vmem>>
        %get3A_392 = tpu.memref_squeeze %get3A_391 : memref<1x208x64xf32, #tpu.memory_space<vmem>> -> memref<208x64xf32, #tpu.memory_space<vmem>>
        %get3A_393 = arith.index_cast %select_n3A_370 : i32 to index
        %get3A_394 = arith.index_cast %mul3A_388 : i32 to index
        %get3A_395 = tpu.vector_load %get3A_392[%get3A_393, %get3A_394] {strides = array<i32>} : memref<208x64xf32, #tpu.memory_space<vmem>>, vector<1x16xf32>,
        %get3A_396 = vector.shape_cast %get3A_395 : vector<1x16xf32> to vector<16xf32>
        %mul3A_397 = arith.constant 64 : i32
        %mul3A_398 = arith.muli %select_n3A_370, %mul3A_397 : i32
        %add3A_399 = arith.addi %mul3A_398, %mul3A_388 : i32
        %get3A_400 = arith.index_cast %add3A_399 : i32 to index
        %get3A_401 = tpu.vector_load %arg6[%get3A_400] {strides = array<i32>} : memref<12800xf32, #tpu.memory_space<vmem>>, vector<16xf32>,
        %get3A_402 = vector.shape_cast %get3A_401 : vector<16xf32> to vector<16xf32>
        %add3A_403 = arith.addf %get3A_396, %get3A_402 : vector<16xf32>
        %swap3A_404 = arith.constant 0 : i32
        %swap3A_405 = arith.constant 0 : i32
        %swap3A_406 = tpu.memref_slice %arg8[%scan3A_185, %swap3A_404, %swap3A_405] : memref<2x208x64xf32, #tpu.memory_space<vmem>> -> memref<1x208x64xf32, #tpu.memory_space<vmem>>
        %swap3A_407 = tpu.memref_squeeze %swap3A_406 : memref<1x208x64xf32, #tpu.memory_space<vmem>> -> memref<208x64xf32, #tpu.memory_space<vmem>>
        %swap3A_408 = arith.index_cast %select_n3A_370 : i32 to index
        %swap3A_409 = arith.index_cast %mul3A_388 : i32 to index
        %swap3A_410 = tpu.vector_load %swap3A_407[%swap3A_408, %swap3A_409] {strides = array<i32>} : memref<208x64xf32, #tpu.memory_space<vmem>>, vector<1x16xf32>,
        %swap3A_411 = vector.shape_cast %swap3A_410 : vector<1x16xf32> to vector<16xf32>
        %swap3A_412 = vector.shape_cast %add3A_403 : vector<16xf32> to vector<1x16xf32>
        tpu.vector_store %swap3A_407[%swap3A_408, %swap3A_409], %swap3A_412 {strides = array<i32>} : memref<208x64xf32, #tpu.memory_space<vmem>>, vector<1x16xf32>,
        %scan3A_413 = arith.constant 0 : i32
        %scan3A_414 = arith.constant 3 : i32
        %scan3A_415 = arith.addi %scan3A_217, %scan3A_414 : i32
        %jit3A_416 = arith.constant 4 : i32
        %div3A_417 = arith.divsi %scan3A_415, %jit3A_416 : i32
        %sign3A_418 = arith.constant 0 : i32
        %sign3A_419 = arith.cmpi sgt, %scan3A_415, %sign3A_418 : i32
        %sign3A_420 = arith.extui %sign3A_419 : i1 to i32
        %sign3A_421 = arith.constant 0 : i32
        %sign3A_422 = arith.cmpi slt, %scan3A_415, %sign3A_421 : i32
        %sign3A_423 = arith.extui %sign3A_422 : i1 to i32
        %sign3A_424 = arith.subi %sign3A_420, %sign3A_423 : i32
        %sign3A_425 = arith.constant 0 : i32
        %sign3A_426 = arith.cmpi sgt, %jit3A_416, %sign3A_425 : i32
        %sign3A_427 = arith.extui %sign3A_426 : i1 to i32
        %sign3A_428 = arith.constant 0 : i32
        %sign3A_429 = arith.cmpi slt, %jit3A_416, %sign3A_428 : i32
        %sign3A_430 = arith.extui %sign3A_429 : i1 to i32
        %sign3A_431 = arith.subi %sign3A_427, %sign3A_430 : i32
        %ne3A_432 = arith.cmpi ne, %sign3A_424, %sign3A_431 : i32
        %rem3A_433 = arith.remsi %scan3A_415, %jit3A_416 : i32
        %ne3A_434 = arith.constant 0 : i32
        %ne3A_435 = arith.cmpi ne, %rem3A_433, %ne3A_434 : i32
        %and3A_436 = arith.andi %ne3A_432, %ne3A_435 : i1
        %sub3A_437 = arith.constant 1 : i32
        %sub3A_438 = arith.subi %div3A_417, %sub3A_437 : i32
        %select_n3A_439 = arith.select %and3A_436, %sub3A_438, %div3A_417 : i32
        %jit3A_440 = arith.constant 4 : i32
        %eq3A_441 = arith.constant 0 : i32
        %eq3A_442 = arith.cmpi eq, %jit3A_440, %eq3A_441 : i32
        %jit3A_443 = arith.constant 1 : i32
        %select_n3A_444 = arith.select %eq3A_442, %jit3A_443, %jit3A_440 : i32
        %rem3A_445 = arith.remsi %scan3A_415, %select_n3A_444 : i32
        %ne3A_446 = arith.constant 0 : i32
        %ne3A_447 = arith.cmpi ne, %rem3A_445, %ne3A_446 : i32
        %lt3A_448 = arith.constant 0 : i32
        %lt3A_449 = arith.cmpi slt, %rem3A_445, %lt3A_448 : i32
        %lt3A_450 = arith.constant 0 : i32
        %lt3A_451 = arith.cmpi slt, %select_n3A_444, %lt3A_450 : i32
        %ne3A_452 = arith.xori %lt3A_449, %lt3A_451 : i1
        %and3A_453 = arith.andi %ne3A_452, %ne3A_447 : i1
        %add3A_454 = arith.addi %rem3A_445, %select_n3A_444 : i32
        %select_n3A_455 = arith.select %and3A_453, %add3A_454, %rem3A_445 : i32
        %mul3A_456 = arith.constant 16 : i32
        %mul3A_457 = arith.muli %select_n3A_455, %mul3A_456 : i32
        %get3A_458 = arith.constant 0 : i32
        %get3A_459 = arith.constant 0 : i32
        %get3A_460 = tpu.memref_slice %arg8[%scan3A_185, %get3A_458, %get3A_459] : memref<2x208x64xf32, #tpu.memory_space<vmem>> -> memref<1x208x64xf32, #tpu.memory_space<vmem>>
        %get3A_461 = tpu.memref_squeeze %get3A_460 : memref<1x208x64xf32, #tpu.memory_space<vmem>> -> memref<208x64xf32, #tpu.memory_space<vmem>>
        %get3A_462 = arith.index_cast %select_n3A_439 : i32 to index
        %get3A_463 = arith.index_cast %mul3A_457 : i32 to index
        %get3A_464 = tpu.vector_load %get3A_461[%get3A_462, %get3A_463] {strides = array<i32>} : memref<208x64xf32, #tpu.memory_space<vmem>>, vector<1x16xf32>,
        %get3A_465 = vector.shape_cast %get3A_464 : vector<1x16xf32> to vector<16xf32>
        %mul3A_466 = arith.constant 64 : i32
        %mul3A_467 = arith.muli %select_n3A_439, %mul3A_466 : i32
        %add3A_468 = arith.addi %mul3A_467, %mul3A_457 : i32
        %get3A_469 = arith.index_cast %add3A_468 : i32 to index
        %get3A_470 = tpu.vector_load %arg6[%get3A_469] {strides = array<i32>} : memref<12800xf32, #tpu.memory_space<vmem>>, vector<16xf32>,
        %get3A_471 = vector.shape_cast %get3A_470 : vector<16xf32> to vector<16xf32>
        %add3A_472 = arith.addf %get3A_465, %get3A_471 : vector<16xf32>
        %swap3A_473 = arith.constant 0 : i32
        %swap3A_474 = arith.constant 0 : i32
        %swap3A_475 = tpu.memref_slice %arg8[%scan3A_185, %swap3A_473, %swap3A_474] : memref<2x208x64xf32, #tpu.memory_space<vmem>> -> memref<1x208x64xf32, #tpu.memory_space<vmem>>
        %swap3A_476 = tpu.memref_squeeze %swap3A_475 : memref<1x208x64xf32, #tpu.memory_space<vmem>> -> memref<208x64xf32, #tpu.memory_space<vmem>>
        %swap3A_477 = arith.index_cast %select_n3A_439 : i32 to index
        %swap3A_478 = arith.index_cast %mul3A_457 : i32 to index
        %swap3A_479 = tpu.vector_load %swap3A_476[%swap3A_477, %swap3A_478] {strides = array<i32>} : memref<208x64xf32, #tpu.memory_space<vmem>>, vector<1x16xf32>,
        %swap3A_480 = vector.shape_cast %swap3A_479 : vector<1x16xf32> to vector<16xf32>
        %swap3A_481 = vector.shape_cast %add3A_472 : vector<16xf32> to vector<1x16xf32>
        tpu.vector_store %swap3A_476[%swap3A_477, %swap3A_478], %swap3A_481 {strides = array<i32>} : memref<208x64xf32, #tpu.memory_space<vmem>>, vector<1x16xf32>,
        %scan3A_482 = arith.constant 0 : i32
        %scan3A_483 = arith.constant 4 : i32
        %scan3A_484 = arith.addi %scan3A_217, %scan3A_483 : i32
        %jit3A_485 = arith.constant 4 : i32
        %div3A_486 = arith.divsi %scan3A_484, %jit3A_485 : i32
        %sign3A_487 = arith.constant 0 : i32
        %sign3A_488 = arith.cmpi sgt, %scan3A_484, %sign3A_487 : i32
        %sign3A_489 = arith.extui %sign3A_488 : i1 to i32
        %sign3A_490 = arith.constant 0 : i32
        %sign3A_491 = arith.cmpi slt, %scan3A_484, %sign3A_490 : i32
        %sign3A_492 = arith.extui %sign3A_491 : i1 to i32
        %sign3A_493 = arith.subi %sign3A_489, %sign3A_492 : i32
        %sign3A_494 = arith.constant 0 : i32
        %sign3A_495 = arith.cmpi sgt, %jit3A_485, %sign3A_494 : i32
        %sign3A_496 = arith.extui %sign3A_495 : i1 to i32
        %sign3A_497 = arith.constant 0 : i32
        %sign3A_498 = arith.cmpi slt, %jit3A_485, %sign3A_497 : i32
        %sign3A_499 = arith.extui %sign3A_498 : i1 to i32
        %sign3A_500 = arith.subi %sign3A_496, %sign3A_499 : i32
        %ne3A_501 = arith.cmpi ne, %sign3A_493, %sign3A_500 : i32
        %rem3A_502 = arith.remsi %scan3A_484, %jit3A_485 : i32
        %ne3A_503 = arith.constant 0 : i32
        %ne3A_504 = arith.cmpi ne, %rem3A_502, %ne3A_503 : i32
        %and3A_505 = arith.andi %ne3A_501, %ne3A_504 : i1
        %sub3A_506 = arith.constant 1 : i32
        %sub3A_507 = arith.subi %div3A_486, %sub3A_506 : i32
        %select_n3A_508 = arith.select %and3A_505, %sub3A_507, %div3A_486 : i32
        %jit3A_509 = arith.constant 4 : i32
        %eq3A_510 = arith.constant 0 : i32
        %eq3A_511 = arith.cmpi eq, %jit3A_509, %eq3A_510 : i32
        %jit3A_512 = arith.constant 1 : i32
        %select_n3A_513 = arith.select %eq3A_511, %jit3A_512, %jit3A_509 : i32
        %rem3A_514 = arith.remsi %scan3A_484, %select_n3A_513 : i32
        %ne3A_515 = arith.constant 0 : i32
        %ne3A_516 = arith.cmpi ne, %rem3A_514, %ne3A_515 : i32
        %lt3A_517 = arith.constant 0 : i32
        %lt3A_518 = arith.cmpi slt, %rem3A_514, %lt3A_517 : i32
        %lt3A_519 = arith.constant 0 : i32
        %lt3A_520 = arith.cmpi slt, %select_n3A_513, %lt3A_519 : i32
        %ne3A_521 = arith.xori %lt3A_518, %lt3A_520 : i1
        %and3A_522 = arith.andi %ne3A_521, %ne3A_516 : i1
        %add3A_523 = arith.addi %rem3A_514, %select_n3A_513 : i32
        %select_n3A_524 = arith.select %and3A_522, %add3A_523, %rem3A_514 : i32
        %mul3A_525 = arith.constant 16 : i32
        %mul3A_526 = arith.muli %select_n3A_524, %mul3A_525 : i32
        %get3A_527 = arith.constant 0 : i32
        %get3A_528 = arith.constant 0 : i32
        %get3A_529 = tpu.memref_slice %arg8[%scan3A_185, %get3A_527, %get3A_528] : memref<2x208x64xf32, #tpu.memory_space<vmem>> -> memref<1x208x64xf32, #tpu.memory_space<vmem>>
        %get3A_530 = tpu.memref_squeeze %get3A_529 : memref<1x208x64xf32, #tpu.memory_space<vmem>> -> memref<208x64xf32, #tpu.memory_space<vmem>>
        %get3A_531 = arith.index_cast %select_n3A_508 : i32 to index
        %get3A_532 = arith.index_cast %mul3A_526 : i32 to index
        %get3A_533 = tpu.vector_load %get3A_530[%get3A_531, %get3A_532] {strides = array<i32>} : memref<208x64xf32, #tpu.memory_space<vmem>>, vector<1x16xf32>,
        %get3A_534 = vector.shape_cast %get3A_533 : vector<1x16xf32> to vector<16xf32>
        %mul3A_535 = arith.constant 64 : i32
        %mul3A_536 = arith.muli %select_n3A_508, %mul3A_535 : i32
        %add3A_537 = arith.addi %mul3A_536, %mul3A_526 : i32
        %get3A_538 = arith.index_cast %add3A_537 : i32 to index
        %get3A_539 = tpu.vector_load %arg6[%get3A_538] {strides = array<i32>} : memref<12800xf32, #tpu.memory_space<vmem>>, vector<16xf32>,
        %get3A_540 = vector.shape_cast %get3A_539 : vector<16xf32> to vector<16xf32>
        %add3A_541 = arith.addf %get3A_534, %get3A_540 : vector<16xf32>
        %swap3A_542 = arith.constant 0 : i32
        %swap3A_543 = arith.constant 0 : i32
        %swap3A_544 = tpu.memref_slice %arg8[%scan3A_185, %swap3A_542, %swap3A_543] : memref<2x208x64xf32, #tpu.memory_space<vmem>> -> memref<1x208x64xf32, #tpu.memory_space<vmem>>
        %swap3A_545 = tpu.memref_squeeze %swap3A_544 : memref<1x208x64xf32, #tpu.memory_space<vmem>> -> memref<208x64xf32, #tpu.memory_space<vmem>>
        %swap3A_546 = arith.index_cast %select_n3A_508 : i32 to index
        %swap3A_547 = arith.index_cast %mul3A_526 : i32 to index
        %swap3A_548 = tpu.vector_load %swap3A_545[%swap3A_546, %swap3A_547] {strides = array<i32>} : memref<208x64xf32, #tpu.memory_space<vmem>>, vector<1x16xf32>,
        %swap3A_549 = vector.shape_cast %swap3A_548 : vector<1x16xf32> to vector<16xf32>
        %swap3A_550 = vector.shape_cast %add3A_541 : vector<16xf32> to vector<1x16xf32>
        tpu.vector_store %swap3A_545[%swap3A_546, %swap3A_547], %swap3A_550 {strides = array<i32>} : memref<208x64xf32, #tpu.memory_space<vmem>>, vector<1x16xf32>,
        %scan3A_551 = arith.constant 0 : i32
        %scan3A_552 = arith.constant 5 : i32
        %scan3A_553 = arith.addi %scan3A_217, %scan3A_552 : i32
        %jit3A_554 = arith.constant 4 : i32
        %div3A_555 = arith.divsi %scan3A_553, %jit3A_554 : i32
        %sign3A_556 = arith.constant 0 : i32
        %sign3A_557 = arith.cmpi sgt, %scan3A_553, %sign3A_556 : i32
        %sign3A_558 = arith.extui %sign3A_557 : i1 to i32
        %sign3A_559 = arith.constant 0 : i32
        %sign3A_560 = arith.cmpi slt, %scan3A_553, %sign3A_559 : i32
        %sign3A_561 = arith.extui %sign3A_560 : i1 to i32
        %sign3A_562 = arith.subi %sign3A_558, %sign3A_561 : i32
        %sign3A_563 = arith.constant 0 : i32
        %sign3A_564 = arith.cmpi sgt, %jit3A_554, %sign3A_563 : i32
        %sign3A_565 = arith.extui %sign3A_564 : i1 to i32
        %sign3A_566 = arith.constant 0 : i32
        %sign3A_567 = arith.cmpi slt, %jit3A_554, %sign3A_566 : i32
        %sign3A_568 = arith.extui %sign3A_567 : i1 to i32
        %sign3A_569 = arith.subi %sign3A_565, %sign3A_568 : i32
        %ne3A_570 = arith.cmpi ne, %sign3A_562, %sign3A_569 : i32
        %rem3A_571 = arith.remsi %scan3A_553, %jit3A_554 : i32
        %ne3A_572 = arith.constant 0 : i32
        %ne3A_573 = arith.cmpi ne, %rem3A_571, %ne3A_572 : i32
        %and3A_574 = arith.andi %ne3A_570, %ne3A_573 : i1
        %sub3A_575 = arith.constant 1 : i32
        %sub3A_576 = arith.subi %div3A_555, %sub3A_575 : i32
        %select_n3A_577 = arith.select %and3A_574, %sub3A_576, %div3A_555 : i32
        %jit3A_578 = arith.constant 4 : i32
        %eq3A_579 = arith.constant 0 : i32
        %eq3A_580 = arith.cmpi eq, %jit3A_578, %eq3A_579 : i32
        %jit3A_581 = arith.constant 1 : i32
        %select_n3A_582 = arith.select %eq3A_580, %jit3A_581, %jit3A_578 : i32
        %rem3A_583 = arith.remsi %scan3A_553, %select_n3A_582 : i32
        %ne3A_584 = arith.constant 0 : i32
        %ne3A_585 = arith.cmpi ne, %rem3A_583, %ne3A_584 : i32
        %lt3A_586 = arith.constant 0 : i32
        %lt3A_587 = arith.cmpi slt, %rem3A_583, %lt3A_586 : i32
        %lt3A_588 = arith.constant 0 : i32
        %lt3A_589 = arith.cmpi slt, %select_n3A_582, %lt3A_588 : i32
        %ne3A_590 = arith.xori %lt3A_587, %lt3A_589 : i1
        %and3A_591 = arith.andi %ne3A_590, %ne3A_585 : i1
        %add3A_592 = arith.addi %rem3A_583, %select_n3A_582 : i32
        %select_n3A_593 = arith.select %and3A_591, %add3A_592, %rem3A_583 : i32
        %mul3A_594 = arith.constant 16 : i32
        %mul3A_595 = arith.muli %select_n3A_593, %mul3A_594 : i32
        %get3A_596 = arith.constant 0 : i32
        %get3A_597 = arith.constant 0 : i32
        %get3A_598 = tpu.memref_slice %arg8[%scan3A_185, %get3A_596, %get3A_597] : memref<2x208x64xf32, #tpu.memory_space<vmem>> -> memref<1x208x64xf32, #tpu.memory_space<vmem>>
        %get3A_599 = tpu.memref_squeeze %get3A_598 : memref<1x208x64xf32, #tpu.memory_space<vmem>> -> memref<208x64xf32, #tpu.memory_space<vmem>>
        %get3A_600 = arith.index_cast %select_n3A_577 : i32 to index
        %get3A_601 = arith.index_cast %mul3A_595 : i32 to index
        %get3A_602 = tpu.vector_load %get3A_599[%get3A_600, %get3A_601] {strides = array<i32>} : memref<208x64xf32, #tpu.memory_space<vmem>>, vector<1x16xf32>,
        %get3A_603 = vector.shape_cast %get3A_602 : vector<1x16xf32> to vector<16xf32>
        %mul3A_604 = arith.constant 64 : i32
        %mul3A_605 = arith.muli %select_n3A_577, %mul3A_604 : i32
        %add3A_606 = arith.addi %mul3A_605, %mul3A_595 : i32
        %get3A_607 = arith.index_cast %add3A_606 : i32 to index
        %get3A_608 = tpu.vector_load %arg6[%get3A_607] {strides = array<i32>} : memref<12800xf32, #tpu.memory_space<vmem>>, vector<16xf32>,
        %get3A_609 = vector.shape_cast %get3A_608 : vector<16xf32> to vector<16xf32>
        %add3A_610 = arith.addf %get3A_603, %get3A_609 : vector<16xf32>
        %swap3A_611 = arith.constant 0 : i32
        %swap3A_612 = arith.constant 0 : i32
        %swap3A_613 = tpu.memref_slice %arg8[%scan3A_185, %swap3A_611, %swap3A_612] : memref<2x208x64xf32, #tpu.memory_space<vmem>> -> memref<1x208x64xf32, #tpu.memory_space<vmem>>
        %swap3A_614 = tpu.memref_squeeze %swap3A_613 : memref<1x208x64xf32, #tpu.memory_space<vmem>> -> memref<208x64xf32, #tpu.memory_space<vmem>>
        %swap3A_615 = arith.index_cast %select_n3A_577 : i32 to index
        %swap3A_616 = arith.index_cast %mul3A_595 : i32 to index
        %swap3A_617 = tpu.vector_load %swap3A_614[%swap3A_615, %swap3A_616] {strides = array<i32>} : memref<208x64xf32, #tpu.memory_space<vmem>>, vector<1x16xf32>,
        %swap3A_618 = vector.shape_cast %swap3A_617 : vector<1x16xf32> to vector<16xf32>
        %swap3A_619 = vector.shape_cast %add3A_610 : vector<16xf32> to vector<1x16xf32>
        tpu.vector_store %swap3A_614[%swap3A_615, %swap3A_616], %swap3A_619 {strides = array<i32>} : memref<208x64xf32, #tpu.memory_space<vmem>>, vector<1x16xf32>,
        %scan3A_620 = arith.constant 0 : i32
        %scan3A_621 = arith.constant 6 : i32
        %scan3A_622 = arith.addi %scan3A_217, %scan3A_621 : i32
        %jit3A_623 = arith.constant 4 : i32
        %div3A_624 = arith.divsi %scan3A_622, %jit3A_623 : i32
        %sign3A_625 = arith.constant 0 : i32
        %sign3A_626 = arith.cmpi sgt, %scan3A_622, %sign3A_625 : i32
        %sign3A_627 = arith.extui %sign3A_626 : i1 to i32
        %sign3A_628 = arith.constant 0 : i32
        %sign3A_629 = arith.cmpi slt, %scan3A_622, %sign3A_628 : i32
        %sign3A_630 = arith.extui %sign3A_629 : i1 to i32
        %sign3A_631 = arith.subi %sign3A_627, %sign3A_630 : i32
        %sign3A_632 = arith.constant 0 : i32
        %sign3A_633 = arith.cmpi sgt, %jit3A_623, %sign3A_632 : i32
        %sign3A_634 = arith.extui %sign3A_633 : i1 to i32
        %sign3A_635 = arith.constant 0 : i32
        %sign3A_636 = arith.cmpi slt, %jit3A_623, %sign3A_635 : i32
        %sign3A_637 = arith.extui %sign3A_636 : i1 to i32
        %sign3A_638 = arith.subi %sign3A_634, %sign3A_637 : i32
        %ne3A_639 = arith.cmpi ne, %sign3A_631, %sign3A_638 : i32
        %rem3A_640 = arith.remsi %scan3A_622, %jit3A_623 : i32
        %ne3A_641 = arith.constant 0 : i32
        %ne3A_642 = arith.cmpi ne, %rem3A_640, %ne3A_641 : i32
        %and3A_643 = arith.andi %ne3A_639, %ne3A_642 : i1
        %sub3A_644 = arith.constant 1 : i32
        %sub3A_645 = arith.subi %div3A_624, %sub3A_644 : i32
        %select_n3A_646 = arith.select %and3A_643, %sub3A_645, %div3A_624 : i32
        %jit3A_647 = arith.constant 4 : i32
        %eq3A_648 = arith.constant 0 : i32
        %eq3A_649 = arith.cmpi eq, %jit3A_647, %eq3A_648 : i32
        %jit3A_650 = arith.constant 1 : i32
        %select_n3A_651 = arith.select %eq3A_649, %jit3A_650, %jit3A_647 : i32
        %rem3A_652 = arith.remsi %scan3A_622, %select_n3A_651 : i32
        %ne3A_653 = arith.constant 0 : i32
        %ne3A_654 = arith.cmpi ne, %rem3A_652, %ne3A_653 : i32
        %lt3A_655 = arith.constant 0 : i32
        %lt3A_656 = arith.cmpi slt, %rem3A_652, %lt3A_655 : i32
        %lt3A_657 = arith.constant 0 : i32
        %lt3A_658 = arith.cmpi slt, %select_n3A_651, %lt3A_657 : i32
        %ne3A_659 = arith.xori %lt3A_656, %lt3A_658 : i1
        %and3A_660 = arith.andi %ne3A_659, %ne3A_654 : i1
        %add3A_661 = arith.addi %rem3A_652, %select_n3A_651 : i32
        %select_n3A_662 = arith.select %and3A_660, %add3A_661, %rem3A_652 : i32
        %mul3A_663 = arith.constant 16 : i32
        %mul3A_664 = arith.muli %select_n3A_662, %mul3A_663 : i32
        %get3A_665 = arith.constant 0 : i32
        %get3A_666 = arith.constant 0 : i32
        %get3A_667 = tpu.memref_slice %arg8[%scan3A_185, %get3A_665, %get3A_666] : memref<2x208x64xf32, #tpu.memory_space<vmem>> -> memref<1x208x64xf32, #tpu.memory_space<vmem>>
        %get3A_668 = tpu.memref_squeeze %get3A_667 : memref<1x208x64xf32, #tpu.memory_space<vmem>> -> memref<208x64xf32, #tpu.memory_space<vmem>>
        %get3A_669 = arith.index_cast %select_n3A_646 : i32 to index
        %get3A_670 = arith.index_cast %mul3A_664 : i32 to index
        %get3A_671 = tpu.vector_load %get3A_668[%get3A_669, %get3A_670] {strides = array<i32>} : memref<208x64xf32, #tpu.memory_space<vmem>>, vector<1x16xf32>,
        %get3A_672 = vector.shape_cast %get3A_671 : vector<1x16xf32> to vector<16xf32>
        %mul3A_673 = arith.constant 64 : i32
        %mul3A_674 = arith.muli %select_n3A_646, %mul3A_673 : i32
        %add3A_675 = arith.addi %mul3A_674, %mul3A_664 : i32
        %get3A_676 = arith.index_cast %add3A_675 : i32 to index
        %get3A_677 = tpu.vector_load %arg6[%get3A_676] {strides = array<i32>} : memref<12800xf32, #tpu.memory_space<vmem>>, vector<16xf32>,
        %get3A_678 = vector.shape_cast %get3A_677 : vector<16xf32> to vector<16xf32>
        %add3A_679 = arith.addf %get3A_672, %get3A_678 : vector<16xf32>
        %swap3A_680 = arith.constant 0 : i32
        %swap3A_681 = arith.constant 0 : i32
        %swap3A_682 = tpu.memref_slice %arg8[%scan3A_185, %swap3A_680, %swap3A_681] : memref<2x208x64xf32, #tpu.memory_space<vmem>> -> memref<1x208x64xf32, #tpu.memory_space<vmem>>
        %swap3A_683 = tpu.memref_squeeze %swap3A_682 : memref<1x208x64xf32, #tpu.memory_space<vmem>> -> memref<208x64xf32, #tpu.memory_space<vmem>>
        %swap3A_684 = arith.index_cast %select_n3A_646 : i32 to index
        %swap3A_685 = arith.index_cast %mul3A_664 : i32 to index
        %swap3A_686 = tpu.vector_load %swap3A_683[%swap3A_684, %swap3A_685] {strides = array<i32>} : memref<208x64xf32, #tpu.memory_space<vmem>>, vector<1x16xf32>,
        %swap3A_687 = vector.shape_cast %swap3A_686 : vector<1x16xf32> to vector<16xf32>
        %swap3A_688 = vector.shape_cast %add3A_679 : vector<16xf32> to vector<1x16xf32>
        tpu.vector_store %swap3A_683[%swap3A_684, %swap3A_685], %swap3A_688 {strides = array<i32>} : memref<208x64xf32, #tpu.memory_space<vmem>>, vector<1x16xf32>,
        %scan3A_689 = arith.constant 0 : i32
        %scan3A_690 = arith.constant 7 : i32
        %scan3A_691 = arith.addi %scan3A_217, %scan3A_690 : i32
        %jit3A_692 = arith.constant 4 : i32
        %div3A_693 = arith.divsi %scan3A_691, %jit3A_692 : i32
        %sign3A_694 = arith.constant 0 : i32
        %sign3A_695 = arith.cmpi sgt, %scan3A_691, %sign3A_694 : i32
        %sign3A_696 = arith.extui %sign3A_695 : i1 to i32
        %sign3A_697 = arith.constant 0 : i32
        %sign3A_698 = arith.cmpi slt, %scan3A_691, %sign3A_697 : i32
        %sign3A_699 = arith.extui %sign3A_698 : i1 to i32
        %sign3A_700 = arith.subi %sign3A_696, %sign3A_699 : i32
        %sign3A_701 = arith.constant 0 : i32
        %sign3A_702 = arith.cmpi sgt, %jit3A_692, %sign3A_701 : i32
        %sign3A_703 = arith.extui %sign3A_702 : i1 to i32
        %sign3A_704 = arith.constant 0 : i32
        %sign3A_705 = arith.cmpi slt, %jit3A_692, %sign3A_704 : i32
        %sign3A_706 = arith.extui %sign3A_705 : i1 to i32
        %sign3A_707 = arith.subi %sign3A_703, %sign3A_706 : i32
        %ne3A_708 = arith.cmpi ne, %sign3A_700, %sign3A_707 : i32
        %rem3A_709 = arith.remsi %scan3A_691, %jit3A_692 : i32
        %ne3A_710 = arith.constant 0 : i32
        %ne3A_711 = arith.cmpi ne, %rem3A_709, %ne3A_710 : i32
        %and3A_712 = arith.andi %ne3A_708, %ne3A_711 : i1
        %sub3A_713 = arith.constant 1 : i32
        %sub3A_714 = arith.subi %div3A_693, %sub3A_713 : i32
        %select_n3A_715 = arith.select %and3A_712, %sub3A_714, %div3A_693 : i32
        %jit3A_716 = arith.constant 4 : i32
        %eq3A_717 = arith.constant 0 : i32
        %eq3A_718 = arith.cmpi eq, %jit3A_716, %eq3A_717 : i32
        %jit3A_719 = arith.constant 1 : i32
        %select_n3A_720 = arith.select %eq3A_718, %jit3A_719, %jit3A_716 : i32
        %rem3A_721 = arith.remsi %scan3A_691, %select_n3A_720 : i32
        %ne3A_722 = arith.constant 0 : i32
        %ne3A_723 = arith.cmpi ne, %rem3A_721, %ne3A_722 : i32
        %lt3A_724 = arith.constant 0 : i32
        %lt3A_725 = arith.cmpi slt, %rem3A_721, %lt3A_724 : i32
        %lt3A_726 = arith.constant 0 : i32
        %lt3A_727 = arith.cmpi slt, %select_n3A_720, %lt3A_726 : i32
        %ne3A_728 = arith.xori %lt3A_725, %lt3A_727 : i1
        %and3A_729 = arith.andi %ne3A_728, %ne3A_723 : i1
        %add3A_730 = arith.addi %rem3A_721, %select_n3A_720 : i32
        %select_n3A_731 = arith.select %and3A_729, %add3A_730, %rem3A_721 : i32
        %mul3A_732 = arith.constant 16 : i32
        %mul3A_733 = arith.muli %select_n3A_731, %mul3A_732 : i32
        %get3A_734 = arith.constant 0 : i32
        %get3A_735 = arith.constant 0 : i32
        %get3A_736 = tpu.memref_slice %arg8[%scan3A_185, %get3A_734, %get3A_735] : memref<2x208x64xf32, #tpu.memory_space<vmem>> -> memref<1x208x64xf32, #tpu.memory_space<vmem>>
        %get3A_737 = tpu.memref_squeeze %get3A_736 : memref<1x208x64xf32, #tpu.memory_space<vmem>> -> memref<208x64xf32, #tpu.memory_space<vmem>>
        %get3A_738 = arith.index_cast %select_n3A_715 : i32 to index
        %get3A_739 = arith.index_cast %mul3A_733 : i32 to index
        %get3A_740 = tpu.vector_load %get3A_737[%get3A_738, %get3A_739] {strides = array<i32>} : memref<208x64xf32, #tpu.memory_space<vmem>>, vector<1x16xf32>,
        %get3A_741 = vector.shape_cast %get3A_740 : vector<1x16xf32> to vector<16xf32>
        %mul3A_742 = arith.constant 64 : i32
        %mul3A_743 = arith.muli %select_n3A_715, %mul3A_742 : i32
        %add3A_744 = arith.addi %mul3A_743, %mul3A_733 : i32
        %get3A_745 = arith.index_cast %add3A_744 : i32 to index
        %get3A_746 = tpu.vector_load %arg6[%get3A_745] {strides = array<i32>} : memref<12800xf32, #tpu.memory_space<vmem>>, vector<16xf32>,
        %get3A_747 = vector.shape_cast %get3A_746 : vector<16xf32> to vector<16xf32>
        %add3A_748 = arith.addf %get3A_741, %get3A_747 : vector<16xf32>
        %swap3A_749 = arith.constant 0 : i32
        %swap3A_750 = arith.constant 0 : i32
        %swap3A_751 = tpu.memref_slice %arg8[%scan3A_185, %swap3A_749, %swap3A_750] : memref<2x208x64xf32, #tpu.memory_space<vmem>> -> memref<1x208x64xf32, #tpu.memory_space<vmem>>
        %swap3A_752 = tpu.memref_squeeze %swap3A_751 : memref<1x208x64xf32, #tpu.memory_space<vmem>> -> memref<208x64xf32, #tpu.memory_space<vmem>>
        %swap3A_753 = arith.index_cast %select_n3A_715 : i32 to index
        %swap3A_754 = arith.index_cast %mul3A_733 : i32 to index
        %swap3A_755 = tpu.vector_load %swap3A_752[%swap3A_753, %swap3A_754] {strides = array<i32>} : memref<208x64xf32, #tpu.memory_space<vmem>>, vector<1x16xf32>,
        %swap3A_756 = vector.shape_cast %swap3A_755 : vector<1x16xf32> to vector<16xf32>
        %swap3A_757 = vector.shape_cast %add3A_748 : vector<16xf32> to vector<1x16xf32>
        tpu.vector_store %swap3A_752[%swap3A_753, %swap3A_754], %swap3A_757 {strides = array<i32>} : memref<208x64xf32, #tpu.memory_space<vmem>>, vector<1x16xf32>,
        %scan3A_758 = arith.constant 0 : i32
        scf.yield %scan3A_758 : i32
      }
      %scan3A_192 = arith.constant 800 : i32
      %dma_start3A_193 = arith.constant 0 : i32
      %dma_start3A_194 = arith.constant 0 : i32
      %dma_start3A_195 = arith.constant 0 : i32
      %dma_start3A_196 = tpu.memref_slice %arg8[%dma_start3A_193, %dma_start3A_194, %dma_start3A_195] : memref<2x208x64xf32, #tpu.memory_space<vmem>> -> memref<1x208x64xf32, #tpu.memory_space<vmem>>
      %dma_start3A_197 = tpu.memref_squeeze %dma_start3A_196 : memref<1x208x64xf32, #tpu.memory_space<vmem>> -> memref<208x64xf32, #tpu.memory_space<vmem>>
      %dma_start3A_198 = arith.constant 0 : i32
      %dma_start3A_199 = arith.constant 0 : i32
      %dma_start3A_200 = tpu.memref_slice %dma_start3A_197[%dma_start3A_198, %dma_start3A_199] : memref<208x64xf32, #tpu.memory_space<vmem>> -> memref<200x64xf32, #tpu.memory_space<vmem>>
      %dma_start3A_201 = arith.constant 0 : i32
      %dma_start3A_202 = arith.constant 0 : i32
      %dma_start3A_203 = tpu.memref_slice %arg5[%add3A_169, %dma_start3A_201, %dma_start3A_202] : memref<1024x200x64xf32, #tpu.memory_space<hbm>> -> memref<1x200x64xf32, #tpu.memory_space<hbm>>
      %dma_start3A_204 = tpu.memref_squeeze %dma_start3A_203 : memref<1x200x64xf32, #tpu.memory_space<hbm>> -> memref<200x64xf32, #tpu.memory_space<hbm>>
      %dma_start3A_205 = arith.constant 0 : i32
      %dma_start3A_206 = arith.constant 0 : i32
      %dma_start3A_207 = tpu.memref_slice %arg5[%add3A_169, %dma_start3A_205, %dma_start3A_206] : memref<1024x200x64xf32, #tpu.memory_space<hbm>> -> memref<1x200x64xf32, #tpu.memory_space<hbm>>
      %dma_start3A_208 = tpu.memref_squeeze %dma_start3A_207 : memref<1x200x64xf32, #tpu.memory_space<hbm>> -> memref<200x64xf32, #tpu.memory_space<hbm>>
      %dma_start3A_209 = arith.constant 0 : i32
      %dma_start3A_210 = arith.constant 0 : i32
      %dma_start3A_211 = tpu.memref_slice %arg8[%dma_start3A_193, %dma_start3A_209, %dma_start3A_210] : memref<2x208x64xf32, #tpu.memory_space<vmem>> -> memref<1x208x64xf32, #tpu.memory_space<vmem>>
      %dma_start3A_212 = tpu.memref_squeeze %dma_start3A_211 : memref<1x208x64xf32, #tpu.memory_space<vmem>> -> memref<208x64xf32, #tpu.memory_space<vmem>>
      %dma_start3A_213 = arith.constant 0 : i32
      %dma_start3A_214 = arith.constant 0 : i32
      %dma_start3A_215 = tpu.memref_slice %dma_start3A_212[%dma_start3A_213, %dma_start3A_214] : memref<208x64xf32, #tpu.memory_space<vmem>> -> memref<200x64xf32, #tpu.memory_space<vmem>>
      tpu.enqueue_dma source(%dma_start3A_215 : memref<200x64xf32, #tpu.memory_space<vmem>>) target(%dma_start3A_208 : memref<200x64xf32, #tpu.memory_space<hbm>>) target_semaphore(%arg12 : memref<!tpu.dma_semaphore, #tpu.memory_space<semaphore_mem>>)
      %scan3A_216 = arith.constant 0 : i32
      scf.yield %scan3A_216 : i32
    }
    %scan3A_29 = arith.constant 16 : i32
    %add3A_30 = arith.constant 32 : i32
    %add3A_31 = arith.addi %mul3A_2, %add3A_30 : i32
    %sub3A = arith.constant 1 : i32
    %sub3A_32 = arith.subi %add3A_31, %sub3A : i32
    %dma_wait3A_33 = arith.constant 1 : i32
    %dma_wait3A_34 = arith.constant 0 : i32
    %dma_wait3A_35 = arith.constant 0 : i32
    %dma_wait3A_36 = tpu.memref_slice %arg8[%dma_wait3A_33, %dma_wait3A_34, %dma_wait3A_35] : memref<2x208x64xf32, #tpu.memory_space<vmem>> -> memref<1x208x64xf32, #tpu.memory_space<vmem>>
    %dma_wait3A_37 = tpu.memref_squeeze %dma_wait3A_36 : memref<1x208x64xf32, #tpu.memory_space<vmem>> -> memref<208x64xf32, #tpu.memory_space<vmem>>
    %dma_wait3A_38 = arith.constant 0 : i32
    %dma_wait3A_39 = arith.constant 0 : i32
    %dma_wait3A_40 = tpu.memref_slice %arg3[%dma_wait3A_38, %dma_wait3A_39] : memref<1000000x64xf32, #tpu.memory_space<hbm>> -> memref<208x64xf32, #tpu.memory_space<hbm>>
    %dma_wait3A_41 = arith.constant 0 : i32
    %dma_wait3A_42 = arith.constant 0 : i32
    %dma_wait3A_43 = tpu.memref_slice %arg8[%dma_wait3A_33, %dma_wait3A_41, %dma_wait3A_42] : memref<2x208x64xf32, #tpu.memory_space<vmem>> -> memref<1x208x64xf32, #tpu.memory_space<vmem>>
    %dma_wait3A_44 = tpu.memref_squeeze %dma_wait3A_43 : memref<1x208x64xf32, #tpu.memory_space<vmem>> -> memref<208x64xf32, #tpu.memory_space<vmem>>
    %dma_wait3A_45 = arith.constant 0 : i32
    %dma_wait3A_46 = arith.constant 0 : i32
    %dma_wait3A_47 = tpu.memref_slice %arg3[%dma_wait3A_45, %dma_wait3A_46] : memref<1000000x64xf32, #tpu.memory_space<hbm>> -> memref<208x64xf32, #tpu.memory_space<hbm>>
    tpu.wait_dma2 semaphore(%arg11 : memref<!tpu.dma_semaphore, #tpu.memory_space<semaphore_mem>>) src(%dma_wait3A_47 : memref<208x64xf32, #tpu.memory_space<hbm>>) dst(%dma_wait3A_44 : memref<208x64xf32, #tpu.memory_space<vmem>>)
    %scan3A_48 = arith.constant 1 : i32
    %scan3A_49 = arith.constant 0 : i32
    %scan3A_50 = arith.constant 0 : i32
    %scan3A_51 = arith.constant 800 : i32
    %scan3A_52 = arith.addi %scan3A_50, %scan3A_51 : i32
    %scan3A_53 = arith.constant 8 : i32
    %scan3A_54 = scf.for %scan3A_127 = %scan3A_50 to %scan3A_52 step %scan3A_53 iter_args(%scan3A_128 = %scan3A_49) -> (i32)  : i32 {
      %jit3A = arith.constant 4 : i32
      %div3A = arith.divsi %scan3A_127, %jit3A : i32
      %sign3A = arith.constant 0 : i32
      %sign3A_129 = arith.cmpi sgt, %scan3A_127, %sign3A : i32
      %sign3A_130 = arith.extui %sign3A_129 : i1 to i32
      %sign3A_131 = arith.constant 0 : i32
      %sign3A_132 = arith.cmpi slt, %scan3A_127, %sign3A_131 : i32
      %sign3A_133 = arith.extui %sign3A_132 : i1 to i32
      %sign3A_134 = arith.subi %sign3A_130, %sign3A_133 : i32
      %sign3A_135 = arith.constant 0 : i32
      %sign3A_136 = arith.cmpi sgt, %jit3A, %sign3A_135 : i32
      %sign3A_137 = arith.extui %sign3A_136 : i1 to i32
      %sign3A_138 = arith.constant 0 : i32
      %sign3A_139 = arith.cmpi slt, %jit3A, %sign3A_138 : i32
      %sign3A_140 = arith.extui %sign3A_139 : i1 to i32
      %sign3A_141 = arith.subi %sign3A_137, %sign3A_140 : i32
      %ne3A = arith.cmpi ne, %sign3A_134, %sign3A_141 : i32
      %rem3A = arith.remsi %scan3A_127, %jit3A : i32
      %ne3A_142 = arith.constant 0 : i32
      %ne3A_143 = arith.cmpi ne, %rem3A, %ne3A_142 : i32
      %and3A = arith.andi %ne3A, %ne3A_143 : i1
      %sub3A_144 = arith.constant 1 : i32
      %sub3A_145 = arith.subi %div3A, %sub3A_144 : i32
      %select_n3A = arith.select %and3A, %sub3A_145, %div3A : i32
      %jit3A_146 = arith.constant 4 : i32
      %eq3A = arith.constant 0 : i32
      %eq3A_147 = arith.cmpi eq, %jit3A_146, %eq3A : i32
      %jit3A_148 = arith.constant 1 : i32
      %select_n3A_149 = arith.select %eq3A_147, %jit3A_148, %jit3A_146 : i32
      %rem3A_150 = arith.remsi %scan3A_127, %select_n3A_149 : i32
      %ne3A_151 = arith.constant 0 : i32
      %ne3A_152 = arith.cmpi ne, %rem3A_150, %ne3A_151 : i32
      %lt3A = arith.constant 0 : i32
      %lt3A_153 = arith.cmpi slt, %rem3A_150, %lt3A : i32
      %lt3A_154 = arith.constant 0 : i32
      %lt3A_155 = arith.cmpi slt, %select_n3A_149, %lt3A_154 : i32
      %ne3A_156 = arith.xori %lt3A_153, %lt3A_155 : i1
      %and3A_157 = arith.andi %ne3A_156, %ne3A_152 : i1
      %add3A_158 = arith.addi %rem3A_150, %select_n3A_149 : i32
      %select_n3A_159 = arith.select %and3A_157, %add3A_158, %rem3A_150 : i32
      %mul3A_160 = arith.constant 16 : i32
      %mul3A_161 = arith.muli %select_n3A_159, %mul3A_160 : i32
      %get3A = arith.constant 0 : i32
      %get3A_162 = arith.constant 0 : i32
      %get3A_163 = tpu.memref_slice %arg8[%scan3A_48, %get3A, %get3A_162] : memref<2x208x64xf32, #tpu.memory_space<vmem>> -> memref<1x208x64xf32, #tpu.memory_space<vmem>>
      %get3A_164 = tpu.memref_squeeze %get3A_163 : memref<1x208x64xf32, #tpu.memory_space<vmem>> -> memref<208x64xf32, #tpu.memory_space<vmem>>
      %get3A_165 = arith.index_cast %select_n3A : i32 to index
      %get3A_166 = arith.index_cast %mul3A_161 : i32 to index
      %get3A_167 = tpu.vector_load %get3A_164[%get3A_165, %get3A_166] {strides = array<i32>} : memref<208x64xf32, #tpu.memory_space<vmem>>, vector<1x16xf32>,
      %get3A_168 = vector.shape_cast %get3A_167 : vector<1x16xf32> to vector<16xf32>
      %mul3A_169 = arith.constant 64 : i32
      %mul3A_170 = arith.muli %select_n3A, %mul3A_169 : i32
      %add3A_171 = arith.addi %mul3A_170, %mul3A_161 : i32
      %get3A_172 = arith.index_cast %add3A_171 : i32 to index
      %get3A_173 = tpu.vector_load %arg6[%get3A_172] {strides = array<i32>} : memref<12800xf32, #tpu.memory_space<vmem>>, vector<16xf32>,
      %get3A_174 = vector.shape_cast %get3A_173 : vector<16xf32> to vector<16xf32>
      %add3A_175 = arith.addf %get3A_168, %get3A_174 : vector<16xf32>
      %swap3A_176 = arith.constant 0 : i32
      %swap3A_177 = arith.constant 0 : i32
      %swap3A_178 = tpu.memref_slice %arg8[%scan3A_48, %swap3A_176, %swap3A_177] : memref<2x208x64xf32, #tpu.memory_space<vmem>> -> memref<1x208x64xf32, #tpu.memory_space<vmem>>
      %swap3A_179 = tpu.memref_squeeze %swap3A_178 : memref<1x208x64xf32, #tpu.memory_space<vmem>> -> memref<208x64xf32, #tpu.memory_space<vmem>>
      %swap3A_180 = arith.index_cast %select_n3A : i32 to index
      %swap3A_181 = arith.index_cast %mul3A_161 : i32 to index
      %swap3A_182 = tpu.vector_load %swap3A_179[%swap3A_180, %swap3A_181] {strides = array<i32>} : memref<208x64xf32, #tpu.memory_space<vmem>>, vector<1x16xf32>,
      %swap3A_183 = vector.shape_cast %swap3A_182 : vector<1x16xf32> to vector<16xf32>
      %swap3A_184 = vector.shape_cast %add3A_175 : vector<16xf32> to vector<1x16xf32>
      tpu.vector_store %swap3A_179[%swap3A_180, %swap3A_181], %swap3A_184 {strides = array<i32>} : memref<208x64xf32, #tpu.memory_space<vmem>>, vector<1x16xf32>,
      %scan3A_185 = arith.constant 0 : i32
      %scan3A_186 = arith.constant 1 : i32
      %scan3A_187 = arith.addi %scan3A_127, %scan3A_186 : i32
      %jit3A_188 = arith.constant 4 : i32
      %div3A_189 = arith.divsi %scan3A_187, %jit3A_188 : i32
      %sign3A_190 = arith.constant 0 : i32
      %sign3A_191 = arith.cmpi sgt, %scan3A_187, %sign3A_190 : i32
      %sign3A_192 = arith.extui %sign3A_191 : i1 to i32
      %sign3A_193 = arith.constant 0 : i32
      %sign3A_194 = arith.cmpi slt, %scan3A_187, %sign3A_193 : i32
      %sign3A_195 = arith.extui %sign3A_194 : i1 to i32
      %sign3A_196 = arith.subi %sign3A_192, %sign3A_195 : i32
      %sign3A_197 = arith.constant 0 : i32
      %sign3A_198 = arith.cmpi sgt, %jit3A_188, %sign3A_197 : i32
      %sign3A_199 = arith.extui %sign3A_198 : i1 to i32
      %sign3A_200 = arith.constant 0 : i32
      %sign3A_201 = arith.cmpi slt, %jit3A_188, %sign3A_200 : i32
      %sign3A_202 = arith.extui %sign3A_201 : i1 to i32
      %sign3A_203 = arith.subi %sign3A_199, %sign3A_202 : i32
      %ne3A_204 = arith.cmpi ne, %sign3A_196, %sign3A_203 : i32
      %rem3A_205 = arith.remsi %scan3A_187, %jit3A_188 : i32
      %ne3A_206 = arith.constant 0 : i32
      %ne3A_207 = arith.cmpi ne, %rem3A_205, %ne3A_206 : i32
      %and3A_208 = arith.andi %ne3A_204, %ne3A_207 : i1
      %sub3A_209 = arith.constant 1 : i32
      %sub3A_210 = arith.subi %div3A_189, %sub3A_209 : i32
      %select_n3A_211 = arith.select %and3A_208, %sub3A_210, %div3A_189 : i32
      %jit3A_212 = arith.constant 4 : i32
      %eq3A_213 = arith.constant 0 : i32
      %eq3A_214 = arith.cmpi eq, %jit3A_212, %eq3A_213 : i32
      %jit3A_215 = arith.constant 1 : i32
      %select_n3A_216 = arith.select %eq3A_214, %jit3A_215, %jit3A_212 : i32
      %rem3A_217 = arith.remsi %scan3A_187, %select_n3A_216 : i32
      %ne3A_218 = arith.constant 0 : i32
      %ne3A_219 = arith.cmpi ne, %rem3A_217, %ne3A_218 : i32
      %lt3A_220 = arith.constant 0 : i32
      %lt3A_221 = arith.cmpi slt, %rem3A_217, %lt3A_220 : i32
      %lt3A_222 = arith.constant 0 : i32
      %lt3A_223 = arith.cmpi slt, %select_n3A_216, %lt3A_222 : i32
      %ne3A_224 = arith.xori %lt3A_221, %lt3A_223 : i1
      %and3A_225 = arith.andi %ne3A_224, %ne3A_219 : i1
      %add3A_226 = arith.addi %rem3A_217, %select_n3A_216 : i32
      %select_n3A_227 = arith.select %and3A_225, %add3A_226, %rem3A_217 : i32
      %mul3A_228 = arith.constant 16 : i32
      %mul3A_229 = arith.muli %select_n3A_227, %mul3A_228 : i32
      %get3A_230 = arith.constant 0 : i32
      %get3A_231 = arith.constant 0 : i32
      %get3A_232 = tpu.memref_slice %arg8[%scan3A_48, %get3A_230, %get3A_231] : memref<2x208x64xf32, #tpu.memory_space<vmem>> -> memref<1x208x64xf32, #tpu.memory_space<vmem>>
      %get3A_233 = tpu.memref_squeeze %get3A_232 : memref<1x208x64xf32, #tpu.memory_space<vmem>> -> memref<208x64xf32, #tpu.memory_space<vmem>>
      %get3A_234 = arith.index_cast %select_n3A_211 : i32 to index
      %get3A_235 = arith.index_cast %mul3A_229 : i32 to index
      %get3A_236 = tpu.vector_load %get3A_233[%get3A_234, %get3A_235] {strides = array<i32>} : memref<208x64xf32, #tpu.memory_space<vmem>>, vector<1x16xf32>,
      %get3A_237 = vector.shape_cast %get3A_236 : vector<1x16xf32> to vector<16xf32>
      %mul3A_238 = arith.constant 64 : i32
      %mul3A_239 = arith.muli %select_n3A_211, %mul3A_238 : i32
      %add3A_240 = arith.addi %mul3A_239, %mul3A_229 : i32
      %get3A_241 = arith.index_cast %add3A_240 : i32 to index
      %get3A_242 = tpu.vector_load %arg6[%get3A_241] {strides = array<i32>} : memref<12800xf32, #tpu.memory_space<vmem>>, vector<16xf32>,
      %get3A_243 = vector.shape_cast %get3A_242 : vector<16xf32> to vector<16xf32>
      %add3A_244 = arith.addf %get3A_237, %get3A_243 : vector<16xf32>
      %swap3A_245 = arith.constant 0 : i32
      %swap3A_246 = arith.constant 0 : i32
      %swap3A_247 = tpu.memref_slice %arg8[%scan3A_48, %swap3A_245, %swap3A_246] : memref<2x208x64xf32, #tpu.memory_space<vmem>> -> memref<1x208x64xf32, #tpu.memory_space<vmem>>
      %swap3A_248 = tpu.memref_squeeze %swap3A_247 : memref<1x208x64xf32, #tpu.memory_space<vmem>> -> memref<208x64xf32, #tpu.memory_space<vmem>>
      %swap3A_249 = arith.index_cast %select_n3A_211 : i32 to index
      %swap3A_250 = arith.index_cast %mul3A_229 : i32 to index
      %swap3A_251 = tpu.vector_load %swap3A_248[%swap3A_249, %swap3A_250] {strides = array<i32>} : memref<208x64xf32, #tpu.memory_space<vmem>>, vector<1x16xf32>,
      %swap3A_252 = vector.shape_cast %swap3A_251 : vector<1x16xf32> to vector<16xf32>
      %swap3A_253 = vector.shape_cast %add3A_244 : vector<16xf32> to vector<1x16xf32>
      tpu.vector_store %swap3A_248[%swap3A_249, %swap3A_250], %swap3A_253 {strides = array<i32>} : memref<208x64xf32, #tpu.memory_space<vmem>>, vector<1x16xf32>,
      %scan3A_254 = arith.constant 0 : i32
      %scan3A_255 = arith.constant 2 : i32
      %scan3A_256 = arith.addi %scan3A_127, %scan3A_255 : i32
      %jit3A_257 = arith.constant 4 : i32
      %div3A_258 = arith.divsi %scan3A_256, %jit3A_257 : i32
      %sign3A_259 = arith.constant 0 : i32
      %sign3A_260 = arith.cmpi sgt, %scan3A_256, %sign3A_259 : i32
      %sign3A_261 = arith.extui %sign3A_260 : i1 to i32
      %sign3A_262 = arith.constant 0 : i32
      %sign3A_263 = arith.cmpi slt, %scan3A_256, %sign3A_262 : i32
      %sign3A_264 = arith.extui %sign3A_263 : i1 to i32
      %sign3A_265 = arith.subi %sign3A_261, %sign3A_264 : i32
      %sign3A_266 = arith.constant 0 : i32
      %sign3A_267 = arith.cmpi sgt, %jit3A_257, %sign3A_266 : i32
      %sign3A_268 = arith.extui %sign3A_267 : i1 to i32
      %sign3A_269 = arith.constant 0 : i32
      %sign3A_270 = arith.cmpi slt, %jit3A_257, %sign3A_269 : i32
      %sign3A_271 = arith.extui %sign3A_270 : i1 to i32
      %sign3A_272 = arith.subi %sign3A_268, %sign3A_271 : i32
      %ne3A_273 = arith.cmpi ne, %sign3A_265, %sign3A_272 : i32
      %rem3A_274 = arith.remsi %scan3A_256, %jit3A_257 : i32
      %ne3A_275 = arith.constant 0 : i32
      %ne3A_276 = arith.cmpi ne, %rem3A_274, %ne3A_275 : i32
      %and3A_277 = arith.andi %ne3A_273, %ne3A_276 : i1
      %sub3A_278 = arith.constant 1 : i32
      %sub3A_279 = arith.subi %div3A_258, %sub3A_278 : i32
      %select_n3A_280 = arith.select %and3A_277, %sub3A_279, %div3A_258 : i32
      %jit3A_281 = arith.constant 4 : i32
      %eq3A_282 = arith.constant 0 : i32
      %eq3A_283 = arith.cmpi eq, %jit3A_281, %eq3A_282 : i32
      %jit3A_284 = arith.constant 1 : i32
      %select_n3A_285 = arith.select %eq3A_283, %jit3A_284, %jit3A_281 : i32
      %rem3A_286 = arith.remsi %scan3A_256, %select_n3A_285 : i32
      %ne3A_287 = arith.constant 0 : i32
      %ne3A_288 = arith.cmpi ne, %rem3A_286, %ne3A_287 : i32
      %lt3A_289 = arith.constant 0 : i32
      %lt3A_290 = arith.cmpi slt, %rem3A_286, %lt3A_289 : i32
      %lt3A_291 = arith.constant 0 : i32
      %lt3A_292 = arith.cmpi slt, %select_n3A_285, %lt3A_291 : i32
      %ne3A_293 = arith.xori %lt3A_290, %lt3A_292 : i1
      %and3A_294 = arith.andi %ne3A_293, %ne3A_288 : i1
      %add3A_295 = arith.addi %rem3A_286, %select_n3A_285 : i32
      %select_n3A_296 = arith.select %and3A_294, %add3A_295, %rem3A_286 : i32
      %mul3A_297 = arith.constant 16 : i32
      %mul3A_298 = arith.muli %select_n3A_296, %mul3A_297 : i32
      %get3A_299 = arith.constant 0 : i32
      %get3A_300 = arith.constant 0 : i32
      %get3A_301 = tpu.memref_slice %arg8[%scan3A_48, %get3A_299, %get3A_300] : memref<2x208x64xf32, #tpu.memory_space<vmem>> -> memref<1x208x64xf32, #tpu.memory_space<vmem>>
      %get3A_302 = tpu.memref_squeeze %get3A_301 : memref<1x208x64xf32, #tpu.memory_space<vmem>> -> memref<208x64xf32, #tpu.memory_space<vmem>>
      %get3A_303 = arith.index_cast %select_n3A_280 : i32 to index
      %get3A_304 = arith.index_cast %mul3A_298 : i32 to index
      %get3A_305 = tpu.vector_load %get3A_302[%get3A_303, %get3A_304] {strides = array<i32>} : memref<208x64xf32, #tpu.memory_space<vmem>>, vector<1x16xf32>,
      %get3A_306 = vector.shape_cast %get3A_305 : vector<1x16xf32> to vector<16xf32>
      %mul3A_307 = arith.constant 64 : i32
      %mul3A_308 = arith.muli %select_n3A_280, %mul3A_307 : i32
      %add3A_309 = arith.addi %mul3A_308, %mul3A_298 : i32
      %get3A_310 = arith.index_cast %add3A_309 : i32 to index
      %get3A_311 = tpu.vector_load %arg6[%get3A_310] {strides = array<i32>} : memref<12800xf32, #tpu.memory_space<vmem>>, vector<16xf32>,
      %get3A_312 = vector.shape_cast %get3A_311 : vector<16xf32> to vector<16xf32>
      %add3A_313 = arith.addf %get3A_306, %get3A_312 : vector<16xf32>
      %swap3A_314 = arith.constant 0 : i32
      %swap3A_315 = arith.constant 0 : i32
      %swap3A_316 = tpu.memref_slice %arg8[%scan3A_48, %swap3A_314, %swap3A_315] : memref<2x208x64xf32, #tpu.memory_space<vmem>> -> memref<1x208x64xf32, #tpu.memory_space<vmem>>
      %swap3A_317 = tpu.memref_squeeze %swap3A_316 : memref<1x208x64xf32, #tpu.memory_space<vmem>> -> memref<208x64xf32, #tpu.memory_space<vmem>>
      %swap3A_318 = arith.index_cast %select_n3A_280 : i32 to index
      %swap3A_319 = arith.index_cast %mul3A_298 : i32 to index
      %swap3A_320 = tpu.vector_load %swap3A_317[%swap3A_318, %swap3A_319] {strides = array<i32>} : memref<208x64xf32, #tpu.memory_space<vmem>>, vector<1x16xf32>,
      %swap3A_321 = vector.shape_cast %swap3A_320 : vector<1x16xf32> to vector<16xf32>
      %swap3A_322 = vector.shape_cast %add3A_313 : vector<16xf32> to vector<1x16xf32>
      tpu.vector_store %swap3A_317[%swap3A_318, %swap3A_319], %swap3A_322 {strides = array<i32>} : memref<208x64xf32, #tpu.memory_space<vmem>>, vector<1x16xf32>,
      %scan3A_323 = arith.constant 0 : i32
      %scan3A_324 = arith.constant 3 : i32
      %scan3A_325 = arith.addi %scan3A_127, %scan3A_324 : i32
      %jit3A_326 = arith.constant 4 : i32
      %div3A_327 = arith.divsi %scan3A_325, %jit3A_326 : i32
      %sign3A_328 = arith.constant 0 : i32
      %sign3A_329 = arith.cmpi sgt, %scan3A_325, %sign3A_328 : i32
      %sign3A_330 = arith.extui %sign3A_329 : i1 to i32
      %sign3A_331 = arith.constant 0 : i32
      %sign3A_332 = arith.cmpi slt, %scan3A_325, %sign3A_331 : i32
      %sign3A_333 = arith.extui %sign3A_332 : i1 to i32
      %sign3A_334 = arith.subi %sign3A_330, %sign3A_333 : i32
      %sign3A_335 = arith.constant 0 : i32
      %sign3A_336 = arith.cmpi sgt, %jit3A_326, %sign3A_335 : i32
      %sign3A_337 = arith.extui %sign3A_336 : i1 to i32
      %sign3A_338 = arith.constant 0 : i32
      %sign3A_339 = arith.cmpi slt, %jit3A_326, %sign3A_338 : i32
      %sign3A_340 = arith.extui %sign3A_339 : i1 to i32
      %sign3A_341 = arith.subi %sign3A_337, %sign3A_340 : i32
      %ne3A_342 = arith.cmpi ne, %sign3A_334, %sign3A_341 : i32
      %rem3A_343 = arith.remsi %scan3A_325, %jit3A_326 : i32
      %ne3A_344 = arith.constant 0 : i32
      %ne3A_345 = arith.cmpi ne, %rem3A_343, %ne3A_344 : i32
      %and3A_346 = arith.andi %ne3A_342, %ne3A_345 : i1
      %sub3A_347 = arith.constant 1 : i32
      %sub3A_348 = arith.subi %div3A_327, %sub3A_347 : i32
      %select_n3A_349 = arith.select %and3A_346, %sub3A_348, %div3A_327 : i32
      %jit3A_350 = arith.constant 4 : i32
      %eq3A_351 = arith.constant 0 : i32
      %eq3A_352 = arith.cmpi eq, %jit3A_350, %eq3A_351 : i32
      %jit3A_353 = arith.constant 1 : i32
      %select_n3A_354 = arith.select %eq3A_352, %jit3A_353, %jit3A_350 : i32
      %rem3A_355 = arith.remsi %scan3A_325, %select_n3A_354 : i32
      %ne3A_356 = arith.constant 0 : i32
      %ne3A_357 = arith.cmpi ne, %rem3A_355, %ne3A_356 : i32
      %lt3A_358 = arith.constant 0 : i32
      %lt3A_359 = arith.cmpi slt, %rem3A_355, %lt3A_358 : i32
      %lt3A_360 = arith.constant 0 : i32
      %lt3A_361 = arith.cmpi slt, %select_n3A_354, %lt3A_360 : i32
      %ne3A_362 = arith.xori %lt3A_359, %lt3A_361 : i1
      %and3A_363 = arith.andi %ne3A_362, %ne3A_357 : i1
      %add3A_364 = arith.addi %rem3A_355, %select_n3A_354 : i32
      %select_n3A_365 = arith.select %and3A_363, %add3A_364, %rem3A_355 : i32
      %mul3A_366 = arith.constant 16 : i32
      %mul3A_367 = arith.muli %select_n3A_365, %mul3A_366 : i32
      %get3A_368 = arith.constant 0 : i32
      %get3A_369 = arith.constant 0 : i32
      %get3A_370 = tpu.memref_slice %arg8[%scan3A_48, %get3A_368, %get3A_369] : memref<2x208x64xf32, #tpu.memory_space<vmem>> -> memref<1x208x64xf32, #tpu.memory_space<vmem>>
      %get3A_371 = tpu.memref_squeeze %get3A_370 : memref<1x208x64xf32, #tpu.memory_space<vmem>> -> memref<208x64xf32, #tpu.memory_space<vmem>>
      %get3A_372 = arith.index_cast %select_n3A_349 : i32 to index
      %get3A_373 = arith.index_cast %mul3A_367 : i32 to index
      %get3A_374 = tpu.vector_load %get3A_371[%get3A_372, %get3A_373] {strides = array<i32>} : memref<208x64xf32, #tpu.memory_space<vmem>>, vector<1x16xf32>,
      %get3A_375 = vector.shape_cast %get3A_374 : vector<1x16xf32> to vector<16xf32>
      %mul3A_376 = arith.constant 64 : i32
      %mul3A_377 = arith.muli %select_n3A_349, %mul3A_376 : i32
      %add3A_378 = arith.addi %mul3A_377, %mul3A_367 : i32
      %get3A_379 = arith.index_cast %add3A_378 : i32 to index
      %get3A_380 = tpu.vector_load %arg6[%get3A_379] {strides = array<i32>} : memref<12800xf32, #tpu.memory_space<vmem>>, vector<16xf32>,
      %get3A_381 = vector.shape_cast %get3A_380 : vector<16xf32> to vector<16xf32>
      %add3A_382 = arith.addf %get3A_375, %get3A_381 : vector<16xf32>
      %swap3A_383 = arith.constant 0 : i32
      %swap3A_384 = arith.constant 0 : i32
      %swap3A_385 = tpu.memref_slice %arg8[%scan3A_48, %swap3A_383, %swap3A_384] : memref<2x208x64xf32, #tpu.memory_space<vmem>> -> memref<1x208x64xf32, #tpu.memory_space<vmem>>
      %swap3A_386 = tpu.memref_squeeze %swap3A_385 : memref<1x208x64xf32, #tpu.memory_space<vmem>> -> memref<208x64xf32, #tpu.memory_space<vmem>>
      %swap3A_387 = arith.index_cast %select_n3A_349 : i32 to index
      %swap3A_388 = arith.index_cast %mul3A_367 : i32 to index
      %swap3A_389 = tpu.vector_load %swap3A_386[%swap3A_387, %swap3A_388] {strides = array<i32>} : memref<208x64xf32, #tpu.memory_space<vmem>>, vector<1x16xf32>,
      %swap3A_390 = vector.shape_cast %swap3A_389 : vector<1x16xf32> to vector<16xf32>
      %swap3A_391 = vector.shape_cast %add3A_382 : vector<16xf32> to vector<1x16xf32>
      tpu.vector_store %swap3A_386[%swap3A_387, %swap3A_388], %swap3A_391 {strides = array<i32>} : memref<208x64xf32, #tpu.memory_space<vmem>>, vector<1x16xf32>,
      %scan3A_392 = arith.constant 0 : i32
      %scan3A_393 = arith.constant 4 : i32
      %scan3A_394 = arith.addi %scan3A_127, %scan3A_393 : i32
      %jit3A_395 = arith.constant 4 : i32
      %div3A_396 = arith.divsi %scan3A_394, %jit3A_395 : i32
      %sign3A_397 = arith.constant 0 : i32
      %sign3A_398 = arith.cmpi sgt, %scan3A_394, %sign3A_397 : i32
      %sign3A_399 = arith.extui %sign3A_398 : i1 to i32
      %sign3A_400 = arith.constant 0 : i32
      %sign3A_401 = arith.cmpi slt, %scan3A_394, %sign3A_400 : i32
      %sign3A_402 = arith.extui %sign3A_401 : i1 to i32
      %sign3A_403 = arith.subi %sign3A_399, %sign3A_402 : i32
      %sign3A_404 = arith.constant 0 : i32
      %sign3A_405 = arith.cmpi sgt, %jit3A_395, %sign3A_404 : i32
      %sign3A_406 = arith.extui %sign3A_405 : i1 to i32
      %sign3A_407 = arith.constant 0 : i32
      %sign3A_408 = arith.cmpi slt, %jit3A_395, %sign3A_407 : i32
      %sign3A_409 = arith.extui %sign3A_408 : i1 to i32
      %sign3A_410 = arith.subi %sign3A_406, %sign3A_409 : i32
      %ne3A_411 = arith.cmpi ne, %sign3A_403, %sign3A_410 : i32
      %rem3A_412 = arith.remsi %scan3A_394, %jit3A_395 : i32
      %ne3A_413 = arith.constant 0 : i32
      %ne3A_414 = arith.cmpi ne, %rem3A_412, %ne3A_413 : i32
      %and3A_415 = arith.andi %ne3A_411, %ne3A_414 : i1
      %sub3A_416 = arith.constant 1 : i32
      %sub3A_417 = arith.subi %div3A_396, %sub3A_416 : i32
      %select_n3A_418 = arith.select %and3A_415, %sub3A_417, %div3A_396 : i32
      %jit3A_419 = arith.constant 4 : i32
      %eq3A_420 = arith.constant 0 : i32
      %eq3A_421 = arith.cmpi eq, %jit3A_419, %eq3A_420 : i32
      %jit3A_422 = arith.constant 1 : i32
      %select_n3A_423 = arith.select %eq3A_421, %jit3A_422, %jit3A_419 : i32
      %rem3A_424 = arith.remsi %scan3A_394, %select_n3A_423 : i32
      %ne3A_425 = arith.constant 0 : i32
      %ne3A_426 = arith.cmpi ne, %rem3A_424, %ne3A_425 : i32
      %lt3A_427 = arith.constant 0 : i32
      %lt3A_428 = arith.cmpi slt, %rem3A_424, %lt3A_427 : i32
      %lt3A_429 = arith.constant 0 : i32
      %lt3A_430 = arith.cmpi slt, %select_n3A_423, %lt3A_429 : i32
      %ne3A_431 = arith.xori %lt3A_428, %lt3A_430 : i1
      %and3A_432 = arith.andi %ne3A_431, %ne3A_426 : i1
      %add3A_433 = arith.addi %rem3A_424, %select_n3A_423 : i32
      %select_n3A_434 = arith.select %and3A_432, %add3A_433, %rem3A_424 : i32
      %mul3A_435 = arith.constant 16 : i32
      %mul3A_436 = arith.muli %select_n3A_434, %mul3A_435 : i32
      %get3A_437 = arith.constant 0 : i32
      %get3A_438 = arith.constant 0 : i32
      %get3A_439 = tpu.memref_slice %arg8[%scan3A_48, %get3A_437, %get3A_438] : memref<2x208x64xf32, #tpu.memory_space<vmem>> -> memref<1x208x64xf32, #tpu.memory_space<vmem>>
      %get3A_440 = tpu.memref_squeeze %get3A_439 : memref<1x208x64xf32, #tpu.memory_space<vmem>> -> memref<208x64xf32, #tpu.memory_space<vmem>>
      %get3A_441 = arith.index_cast %select_n3A_418 : i32 to index
      %get3A_442 = arith.index_cast %mul3A_436 : i32 to index
      %get3A_443 = tpu.vector_load %get3A_440[%get3A_441, %get3A_442] {strides = array<i32>} : memref<208x64xf32, #tpu.memory_space<vmem>>, vector<1x16xf32>,
      %get3A_444 = vector.shape_cast %get3A_443 : vector<1x16xf32> to vector<16xf32>
      %mul3A_445 = arith.constant 64 : i32
      %mul3A_446 = arith.muli %select_n3A_418, %mul3A_445 : i32
      %add3A_447 = arith.addi %mul3A_446, %mul3A_436 : i32
      %get3A_448 = arith.index_cast %add3A_447 : i32 to index
      %get3A_449 = tpu.vector_load %arg6[%get3A_448] {strides = array<i32>} : memref<12800xf32, #tpu.memory_space<vmem>>, vector<16xf32>,
      %get3A_450 = vector.shape_cast %get3A_449 : vector<16xf32> to vector<16xf32>
      %add3A_451 = arith.addf %get3A_444, %get3A_450 : vector<16xf32>
      %swap3A_452 = arith.constant 0 : i32
      %swap3A_453 = arith.constant 0 : i32
      %swap3A_454 = tpu.memref_slice %arg8[%scan3A_48, %swap3A_452, %swap3A_453] : memref<2x208x64xf32, #tpu.memory_space<vmem>> -> memref<1x208x64xf32, #tpu.memory_space<vmem>>
      %swap3A_455 = tpu.memref_squeeze %swap3A_454 : memref<1x208x64xf32, #tpu.memory_space<vmem>> -> memref<208x64xf32, #tpu.memory_space<vmem>>
      %swap3A_456 = arith.index_cast %select_n3A_418 : i32 to index
      %swap3A_457 = arith.index_cast %mul3A_436 : i32 to index
      %swap3A_458 = tpu.vector_load %swap3A_455[%swap3A_456, %swap3A_457] {strides = array<i32>} : memref<208x64xf32, #tpu.memory_space<vmem>>, vector<1x16xf32>,
      %swap3A_459 = vector.shape_cast %swap3A_458 : vector<1x16xf32> to vector<16xf32>
      %swap3A_460 = vector.shape_cast %add3A_451 : vector<16xf32> to vector<1x16xf32>
      tpu.vector_store %swap3A_455[%swap3A_456, %swap3A_457], %swap3A_460 {strides = array<i32>} : memref<208x64xf32, #tpu.memory_space<vmem>>, vector<1x16xf32>,
      %scan3A_461 = arith.constant 0 : i32
      %scan3A_462 = arith.constant 5 : i32
      %scan3A_463 = arith.addi %scan3A_127, %scan3A_462 : i32
      %jit3A_464 = arith.constant 4 : i32
      %div3A_465 = arith.divsi %scan3A_463, %jit3A_464 : i32
      %sign3A_466 = arith.constant 0 : i32
      %sign3A_467 = arith.cmpi sgt, %scan3A_463, %sign3A_466 : i32
      %sign3A_468 = arith.extui %sign3A_467 : i1 to i32
      %sign3A_469 = arith.constant 0 : i32
      %sign3A_470 = arith.cmpi slt, %scan3A_463, %sign3A_469 : i32
      %sign3A_471 = arith.extui %sign3A_470 : i1 to i32
      %sign3A_472 = arith.subi %sign3A_468, %sign3A_471 : i32
      %sign3A_473 = arith.constant 0 : i32
      %sign3A_474 = arith.cmpi sgt, %jit3A_464, %sign3A_473 : i32
      %sign3A_475 = arith.extui %sign3A_474 : i1 to i32
      %sign3A_476 = arith.constant 0 : i32
      %sign3A_477 = arith.cmpi slt, %jit3A_464, %sign3A_476 : i32
      %sign3A_478 = arith.extui %sign3A_477 : i1 to i32
      %sign3A_479 = arith.subi %sign3A_475, %sign3A_478 : i32
      %ne3A_480 = arith.cmpi ne, %sign3A_472, %sign3A_479 : i32
      %rem3A_481 = arith.remsi %scan3A_463, %jit3A_464 : i32
      %ne3A_482 = arith.constant 0 : i32
      %ne3A_483 = arith.cmpi ne, %rem3A_481, %ne3A_482 : i32
      %and3A_484 = arith.andi %ne3A_480, %ne3A_483 : i1
      %sub3A_485 = arith.constant 1 : i32
      %sub3A_486 = arith.subi %div3A_465, %sub3A_485 : i32
      %select_n3A_487 = arith.select %and3A_484, %sub3A_486, %div3A_465 : i32
      %jit3A_488 = arith.constant 4 : i32
      %eq3A_489 = arith.constant 0 : i32
      %eq3A_490 = arith.cmpi eq, %jit3A_488, %eq3A_489 : i32
      %jit3A_491 = arith.constant 1 : i32
      %select_n3A_492 = arith.select %eq3A_490, %jit3A_491, %jit3A_488 : i32
      %rem3A_493 = arith.remsi %scan3A_463, %select_n3A_492 : i32
      %ne3A_494 = arith.constant 0 : i32
      %ne3A_495 = arith.cmpi ne, %rem3A_493, %ne3A_494 : i32
      %lt3A_496 = arith.constant 0 : i32
      %lt3A_497 = arith.cmpi slt, %rem3A_493, %lt3A_496 : i32
      %lt3A_498 = arith.constant 0 : i32
      %lt3A_499 = arith.cmpi slt, %select_n3A_492, %lt3A_498 : i32
      %ne3A_500 = arith.xori %lt3A_497, %lt3A_499 : i1
      %and3A_501 = arith.andi %ne3A_500, %ne3A_495 : i1
      %add3A_502 = arith.addi %rem3A_493, %select_n3A_492 : i32
      %select_n3A_503 = arith.select %and3A_501, %add3A_502, %rem3A_493 : i32
      %mul3A_504 = arith.constant 16 : i32
      %mul3A_505 = arith.muli %select_n3A_503, %mul3A_504 : i32
      %get3A_506 = arith.constant 0 : i32
      %get3A_507 = arith.constant 0 : i32
      %get3A_508 = tpu.memref_slice %arg8[%scan3A_48, %get3A_506, %get3A_507] : memref<2x208x64xf32, #tpu.memory_space<vmem>> -> memref<1x208x64xf32, #tpu.memory_space<vmem>>
      %get3A_509 = tpu.memref_squeeze %get3A_508 : memref<1x208x64xf32, #tpu.memory_space<vmem>> -> memref<208x64xf32, #tpu.memory_space<vmem>>
      %get3A_510 = arith.index_cast %select_n3A_487 : i32 to index
      %get3A_511 = arith.index_cast %mul3A_505 : i32 to index
      %get3A_512 = tpu.vector_load %get3A_509[%get3A_510, %get3A_511] {strides = array<i32>} : memref<208x64xf32, #tpu.memory_space<vmem>>, vector<1x16xf32>,
      %get3A_513 = vector.shape_cast %get3A_512 : vector<1x16xf32> to vector<16xf32>
      %mul3A_514 = arith.constant 64 : i32
      %mul3A_515 = arith.muli %select_n3A_487, %mul3A_514 : i32
      %add3A_516 = arith.addi %mul3A_515, %mul3A_505 : i32
      %get3A_517 = arith.index_cast %add3A_516 : i32 to index
      %get3A_518 = tpu.vector_load %arg6[%get3A_517] {strides = array<i32>} : memref<12800xf32, #tpu.memory_space<vmem>>, vector<16xf32>,
      %get3A_519 = vector.shape_cast %get3A_518 : vector<16xf32> to vector<16xf32>
      %add3A_520 = arith.addf %get3A_513, %get3A_519 : vector<16xf32>
      %swap3A_521 = arith.constant 0 : i32
      %swap3A_522 = arith.constant 0 : i32
      %swap3A_523 = tpu.memref_slice %arg8[%scan3A_48, %swap3A_521, %swap3A_522] : memref<2x208x64xf32, #tpu.memory_space<vmem>> -> memref<1x208x64xf32, #tpu.memory_space<vmem>>
      %swap3A_524 = tpu.memref_squeeze %swap3A_523 : memref<1x208x64xf32, #tpu.memory_space<vmem>> -> memref<208x64xf32, #tpu.memory_space<vmem>>
      %swap3A_525 = arith.index_cast %select_n3A_487 : i32 to index
      %swap3A_526 = arith.index_cast %mul3A_505 : i32 to index
      %swap3A_527 = tpu.vector_load %swap3A_524[%swap3A_525, %swap3A_526] {strides = array<i32>} : memref<208x64xf32, #tpu.memory_space<vmem>>, vector<1x16xf32>,
      %swap3A_528 = vector.shape_cast %swap3A_527 : vector<1x16xf32> to vector<16xf32>
      %swap3A_529 = vector.shape_cast %add3A_520 : vector<16xf32> to vector<1x16xf32>
      tpu.vector_store %swap3A_524[%swap3A_525, %swap3A_526], %swap3A_529 {strides = array<i32>} : memref<208x64xf32, #tpu.memory_space<vmem>>, vector<1x16xf32>,
      %scan3A_530 = arith.constant 0 : i32
      %scan3A_531 = arith.constant 6 : i32
      %scan3A_532 = arith.addi %scan3A_127, %scan3A_531 : i32
      %jit3A_533 = arith.constant 4 : i32
      %div3A_534 = arith.divsi %scan3A_532, %jit3A_533 : i32
      %sign3A_535 = arith.constant 0 : i32
      %sign3A_536 = arith.cmpi sgt, %scan3A_532, %sign3A_535 : i32
      %sign3A_537 = arith.extui %sign3A_536 : i1 to i32
      %sign3A_538 = arith.constant 0 : i32
      %sign3A_539 = arith.cmpi slt, %scan3A_532, %sign3A_538 : i32
      %sign3A_540 = arith.extui %sign3A_539 : i1 to i32
      %sign3A_541 = arith.subi %sign3A_537, %sign3A_540 : i32
      %sign3A_542 = arith.constant 0 : i32
      %sign3A_543 = arith.cmpi sgt, %jit3A_533, %sign3A_542 : i32
      %sign3A_544 = arith.extui %sign3A_543 : i1 to i32
      %sign3A_545 = arith.constant 0 : i32
      %sign3A_546 = arith.cmpi slt, %jit3A_533, %sign3A_545 : i32
      %sign3A_547 = arith.extui %sign3A_546 : i1 to i32
      %sign3A_548 = arith.subi %sign3A_544, %sign3A_547 : i32
      %ne3A_549 = arith.cmpi ne, %sign3A_541, %sign3A_548 : i32
      %rem3A_550 = arith.remsi %scan3A_532, %jit3A_533 : i32
      %ne3A_551 = arith.constant 0 : i32
      %ne3A_552 = arith.cmpi ne, %rem3A_550, %ne3A_551 : i32
      %and3A_553 = arith.andi %ne3A_549, %ne3A_552 : i1
      %sub3A_554 = arith.constant 1 : i32
      %sub3A_555 = arith.subi %div3A_534, %sub3A_554 : i32
      %select_n3A_556 = arith.select %and3A_553, %sub3A_555, %div3A_534 : i32
      %jit3A_557 = arith.constant 4 : i32
      %eq3A_558 = arith.constant 0 : i32
      %eq3A_559 = arith.cmpi eq, %jit3A_557, %eq3A_558 : i32
      %jit3A_560 = arith.constant 1 : i32
      %select_n3A_561 = arith.select %eq3A_559, %jit3A_560, %jit3A_557 : i32
      %rem3A_562 = arith.remsi %scan3A_532, %select_n3A_561 : i32
      %ne3A_563 = arith.constant 0 : i32
      %ne3A_564 = arith.cmpi ne, %rem3A_562, %ne3A_563 : i32
      %lt3A_565 = arith.constant 0 : i32
      %lt3A_566 = arith.cmpi slt, %rem3A_562, %lt3A_565 : i32
      %lt3A_567 = arith.constant 0 : i32
      %lt3A_568 = arith.cmpi slt, %select_n3A_561, %lt3A_567 : i32
      %ne3A_569 = arith.xori %lt3A_566, %lt3A_568 : i1
      %and3A_570 = arith.andi %ne3A_569, %ne3A_564 : i1
      %add3A_571 = arith.addi %rem3A_562, %select_n3A_561 : i32
      %select_n3A_572 = arith.select %and3A_570, %add3A_571, %rem3A_562 : i32
      %mul3A_573 = arith.constant 16 : i32
      %mul3A_574 = arith.muli %select_n3A_572, %mul3A_573 : i32
      %get3A_575 = arith.constant 0 : i32
      %get3A_576 = arith.constant 0 : i32
      %get3A_577 = tpu.memref_slice %arg8[%scan3A_48, %get3A_575, %get3A_576] : memref<2x208x64xf32, #tpu.memory_space<vmem>> -> memref<1x208x64xf32, #tpu.memory_space<vmem>>
      %get3A_578 = tpu.memref_squeeze %get3A_577 : memref<1x208x64xf32, #tpu.memory_space<vmem>> -> memref<208x64xf32, #tpu.memory_space<vmem>>
      %get3A_579 = arith.index_cast %select_n3A_556 : i32 to index
      %get3A_580 = arith.index_cast %mul3A_574 : i32 to index
      %get3A_581 = tpu.vector_load %get3A_578[%get3A_579, %get3A_580] {strides = array<i32>} : memref<208x64xf32, #tpu.memory_space<vmem>>, vector<1x16xf32>,
      %get3A_582 = vector.shape_cast %get3A_581 : vector<1x16xf32> to vector<16xf32>
      %mul3A_583 = arith.constant 64 : i32
      %mul3A_584 = arith.muli %select_n3A_556, %mul3A_583 : i32
      %add3A_585 = arith.addi %mul3A_584, %mul3A_574 : i32
      %get3A_586 = arith.index_cast %add3A_585 : i32 to index
      %get3A_587 = tpu.vector_load %arg6[%get3A_586] {strides = array<i32>} : memref<12800xf32, #tpu.memory_space<vmem>>, vector<16xf32>,
      %get3A_588 = vector.shape_cast %get3A_587 : vector<16xf32> to vector<16xf32>
      %add3A_589 = arith.addf %get3A_582, %get3A_588 : vector<16xf32>
      %swap3A_590 = arith.constant 0 : i32
      %swap3A_591 = arith.constant 0 : i32
      %swap3A_592 = tpu.memref_slice %arg8[%scan3A_48, %swap3A_590, %swap3A_591] : memref<2x208x64xf32, #tpu.memory_space<vmem>> -> memref<1x208x64xf32, #tpu.memory_space<vmem>>
      %swap3A_593 = tpu.memref_squeeze %swap3A_592 : memref<1x208x64xf32, #tpu.memory_space<vmem>> -> memref<208x64xf32, #tpu.memory_space<vmem>>
      %swap3A_594 = arith.index_cast %select_n3A_556 : i32 to index
      %swap3A_595 = arith.index_cast %mul3A_574 : i32 to index
      %swap3A_596 = tpu.vector_load %swap3A_593[%swap3A_594, %swap3A_595] {strides = array<i32>} : memref<208x64xf32, #tpu.memory_space<vmem>>, vector<1x16xf32>,
      %swap3A_597 = vector.shape_cast %swap3A_596 : vector<1x16xf32> to vector<16xf32>
      %swap3A_598 = vector.shape_cast %add3A_589 : vector<16xf32> to vector<1x16xf32>
      tpu.vector_store %swap3A_593[%swap3A_594, %swap3A_595], %swap3A_598 {strides = array<i32>} : memref<208x64xf32, #tpu.memory_space<vmem>>, vector<1x16xf32>,
      %scan3A_599 = arith.constant 0 : i32
      %scan3A_600 = arith.constant 7 : i32
      %scan3A_601 = arith.addi %scan3A_127, %scan3A_600 : i32
      %jit3A_602 = arith.constant 4 : i32
      %div3A_603 = arith.divsi %scan3A_601, %jit3A_602 : i32
      %sign3A_604 = arith.constant 0 : i32
      %sign3A_605 = arith.cmpi sgt, %scan3A_601, %sign3A_604 : i32
      %sign3A_606 = arith.extui %sign3A_605 : i1 to i32
      %sign3A_607 = arith.constant 0 : i32
      %sign3A_608 = arith.cmpi slt, %scan3A_601, %sign3A_607 : i32
      %sign3A_609 = arith.extui %sign3A_608 : i1 to i32
      %sign3A_610 = arith.subi %sign3A_606, %sign3A_609 : i32
      %sign3A_611 = arith.constant 0 : i32
      %sign3A_612 = arith.cmpi sgt, %jit3A_602, %sign3A_611 : i32
      %sign3A_613 = arith.extui %sign3A_612 : i1 to i32
      %sign3A_614 = arith.constant 0 : i32
      %sign3A_615 = arith.cmpi slt, %jit3A_602, %sign3A_614 : i32
      %sign3A_616 = arith.extui %sign3A_615 : i1 to i32
      %sign3A_617 = arith.subi %sign3A_613, %sign3A_616 : i32
      %ne3A_618 = arith.cmpi ne, %sign3A_610, %sign3A_617 : i32
      %rem3A_619 = arith.remsi %scan3A_601, %jit3A_602 : i32
      %ne3A_620 = arith.constant 0 : i32
      %ne3A_621 = arith.cmpi ne, %rem3A_619, %ne3A_620 : i32
      %and3A_622 = arith.andi %ne3A_618, %ne3A_621 : i1
      %sub3A_623 = arith.constant 1 : i32
      %sub3A_624 = arith.subi %div3A_603, %sub3A_623 : i32
      %select_n3A_625 = arith.select %and3A_622, %sub3A_624, %div3A_603 : i32
      %jit3A_626 = arith.constant 4 : i32
      %eq3A_627 = arith.constant 0 : i32
      %eq3A_628 = arith.cmpi eq, %jit3A_626, %eq3A_627 : i32
      %jit3A_629 = arith.constant 1 : i32
      %select_n3A_630 = arith.select %eq3A_628, %jit3A_629, %jit3A_626 : i32
      %rem3A_631 = arith.remsi %scan3A_601, %select_n3A_630 : i32
      %ne3A_632 = arith.constant 0 : i32
      %ne3A_633 = arith.cmpi ne, %rem3A_631, %ne3A_632 : i32
      %lt3A_634 = arith.constant 0 : i32
      %lt3A_635 = arith.cmpi slt, %rem3A_631, %lt3A_634 : i32
      %lt3A_636 = arith.constant 0 : i32
      %lt3A_637 = arith.cmpi slt, %select_n3A_630, %lt3A_636 : i32
      %ne3A_638 = arith.xori %lt3A_635, %lt3A_637 : i1
      %and3A_639 = arith.andi %ne3A_638, %ne3A_633 : i1
      %add3A_640 = arith.addi %rem3A_631, %select_n3A_630 : i32
      %select_n3A_641 = arith.select %and3A_639, %add3A_640, %rem3A_631 : i32
      %mul3A_642 = arith.constant 16 : i32
      %mul3A_643 = arith.muli %select_n3A_641, %mul3A_642 : i32
      %get3A_644 = arith.constant 0 : i32
      %get3A_645 = arith.constant 0 : i32
      %get3A_646 = tpu.memref_slice %arg8[%scan3A_48, %get3A_644, %get3A_645] : memref<2x208x64xf32, #tpu.memory_space<vmem>> -> memref<1x208x64xf32, #tpu.memory_space<vmem>>
      %get3A_647 = tpu.memref_squeeze %get3A_646 : memref<1x208x64xf32, #tpu.memory_space<vmem>> -> memref<208x64xf32, #tpu.memory_space<vmem>>
      %get3A_648 = arith.index_cast %select_n3A_625 : i32 to index
      %get3A_649 = arith.index_cast %mul3A_643 : i32 to index
      %get3A_650 = tpu.vector_load %get3A_647[%get3A_648, %get3A_649] {strides = array<i32>} : memref<208x64xf32, #tpu.memory_space<vmem>>, vector<1x16xf32>,
      %get3A_651 = vector.shape_cast %get3A_650 : vector<1x16xf32> to vector<16xf32>
      %mul3A_652 = arith.constant 64 : i32
      %mul3A_653 = arith.muli %select_n3A_625, %mul3A_652 : i32
      %add3A_654 = arith.addi %mul3A_653, %mul3A_643 : i32
      %get3A_655 = arith.index_cast %add3A_654 : i32 to index
      %get3A_656 = tpu.vector_load %arg6[%get3A_655] {strides = array<i32>} : memref<12800xf32, #tpu.memory_space<vmem>>, vector<16xf32>,
      %get3A_657 = vector.shape_cast %get3A_656 : vector<16xf32> to vector<16xf32>
      %add3A_658 = arith.addf %get3A_651, %get3A_657 : vector<16xf32>
      %swap3A_659 = arith.constant 0 : i32
      %swap3A_660 = arith.constant 0 : i32
      %swap3A_661 = tpu.memref_slice %arg8[%scan3A_48, %swap3A_659, %swap3A_660] : memref<2x208x64xf32, #tpu.memory_space<vmem>> -> memref<1x208x64xf32, #tpu.memory_space<vmem>>
      %swap3A_662 = tpu.memref_squeeze %swap3A_661 : memref<1x208x64xf32, #tpu.memory_space<vmem>> -> memref<208x64xf32, #tpu.memory_space<vmem>>
      %swap3A_663 = arith.index_cast %select_n3A_625 : i32 to index
      %swap3A_664 = arith.index_cast %mul3A_643 : i32 to index
      %swap3A_665 = tpu.vector_load %swap3A_662[%swap3A_663, %swap3A_664] {strides = array<i32>} : memref<208x64xf32, #tpu.memory_space<vmem>>, vector<1x16xf32>,
      %swap3A_666 = vector.shape_cast %swap3A_665 : vector<1x16xf32> to vector<16xf32>
      %swap3A_667 = vector.shape_cast %add3A_658 : vector<16xf32> to vector<1x16xf32>
      tpu.vector_store %swap3A_662[%swap3A_663, %swap3A_664], %swap3A_667 {strides = array<i32>} : memref<208x64xf32, #tpu.memory_space<vmem>>, vector<1x16xf32>,
      %scan3A_668 = arith.constant 0 : i32
      scf.yield %scan3A_668 : i32
    }
    %scan3A_55 = arith.constant 800 : i32
    %dma_start3A_56 = arith.constant 1 : i32
    %dma_start3A_57 = arith.constant 0 : i32
    %dma_start3A_58 = arith.constant 0 : i32
    %dma_start3A_59 = tpu.memref_slice %arg8[%dma_start3A_56, %dma_start3A_57, %dma_start3A_58] : memref<2x208x64xf32, #tpu.memory_space<vmem>> -> memref<1x208x64xf32, #tpu.memory_space<vmem>>
    %dma_start3A_60 = tpu.memref_squeeze %dma_start3A_59 : memref<1x208x64xf32, #tpu.memory_space<vmem>> -> memref<208x64xf32, #tpu.memory_space<vmem>>
    %dma_start3A_61 = arith.constant 0 : i32
    %dma_start3A_62 = arith.constant 0 : i32
    %dma_start3A_63 = tpu.memref_slice %dma_start3A_60[%dma_start3A_61, %dma_start3A_62] : memref<208x64xf32, #tpu.memory_space<vmem>> -> memref<200x64xf32, #tpu.memory_space<vmem>>
    %dma_start3A_64 = arith.constant 0 : i32
    %dma_start3A_65 = arith.constant 0 : i32
    %dma_start3A_66 = tpu.memref_slice %arg5[%sub3A_32, %dma_start3A_64, %dma_start3A_65] : memref<1024x200x64xf32, #tpu.memory_space<hbm>> -> memref<1x200x64xf32, #tpu.memory_space<hbm>>
    %dma_start3A_67 = tpu.memref_squeeze %dma_start3A_66 : memref<1x200x64xf32, #tpu.memory_space<hbm>> -> memref<200x64xf32, #tpu.memory_space<hbm>>
    %dma_start3A_68 = arith.constant 0 : i32
    %dma_start3A_69 = arith.constant 0 : i32
    %dma_start3A_70 = tpu.memref_slice %arg5[%sub3A_32, %dma_start3A_68, %dma_start3A_69] : memref<1024x200x64xf32, #tpu.memory_space<hbm>> -> memref<1x200x64xf32, #tpu.memory_space<hbm>>
    %dma_start3A_71 = tpu.memref_squeeze %dma_start3A_70 : memref<1x200x64xf32, #tpu.memory_space<hbm>> -> memref<200x64xf32, #tpu.memory_space<hbm>>
    %dma_start3A_72 = arith.constant 0 : i32
    %dma_start3A_73 = arith.constant 0 : i32
    %dma_start3A_74 = tpu.memref_slice %arg8[%dma_start3A_56, %dma_start3A_72, %dma_start3A_73] : memref<2x208x64xf32, #tpu.memory_space<vmem>> -> memref<1x208x64xf32, #tpu.memory_space<vmem>>
    %dma_start3A_75 = tpu.memref_squeeze %dma_start3A_74 : memref<1x208x64xf32, #tpu.memory_space<vmem>> -> memref<208x64xf32, #tpu.memory_space<vmem>>
    %dma_start3A_76 = arith.constant 0 : i32
    %dma_start3A_77 = arith.constant 0 : i32
    %dma_start3A_78 = tpu.memref_slice %dma_start3A_75[%dma_start3A_76, %dma_start3A_77] : memref<208x64xf32, #tpu.memory_space<vmem>> -> memref<200x64xf32, #tpu.memory_space<vmem>>
    tpu.enqueue_dma source(%dma_start3A_78 : memref<200x64xf32, #tpu.memory_space<vmem>>) target(%dma_start3A_71 : memref<200x64xf32, #tpu.memory_space<hbm>>) target_semaphore(%arg13 : memref<!tpu.dma_semaphore, #tpu.memory_space<semaphore_mem>>)
    %sub3A_79 = arith.constant 1 : i32
    %sub3A_80 = arith.subi %sub3A_32, %sub3A_79 : i32
    %dma_wait3A_81 = arith.constant 0 : i32
    %dma_wait3A_82 = arith.constant 0 : i32
    %dma_wait3A_83 = arith.constant 0 : i32
    %dma_wait3A_84 = tpu.memref_slice %arg8[%dma_wait3A_81, %dma_wait3A_82, %dma_wait3A_83] : memref<2x208x64xf32, #tpu.memory_space<vmem>> -> memref<1x208x64xf32, #tpu.memory_space<vmem>>
    %dma_wait3A_85 = tpu.memref_squeeze %dma_wait3A_84 : memref<1x208x64xf32, #tpu.memory_space<vmem>> -> memref<208x64xf32, #tpu.memory_space<vmem>>
    %dma_wait3A_86 = arith.constant 0 : i32
    %dma_wait3A_87 = arith.constant 0 : i32
    %dma_wait3A_88 = tpu.memref_slice %dma_wait3A_85[%dma_wait3A_86, %dma_wait3A_87] : memref<208x64xf32, #tpu.memory_space<vmem>> -> memref<200x64xf32, #tpu.memory_space<vmem>>
    %dma_wait3A_89 = arith.constant 0 : i32
    %dma_wait3A_90 = arith.constant 0 : i32
    %dma_wait3A_91 = tpu.memref_slice %arg5[%sub3A_80, %dma_wait3A_89, %dma_wait3A_90] : memref<1024x200x64xf32, #tpu.memory_space<hbm>> -> memref<1x200x64xf32, #tpu.memory_space<hbm>>
    %dma_wait3A_92 = tpu.memref_squeeze %dma_wait3A_91 : memref<1x200x64xf32, #tpu.memory_space<hbm>> -> memref<200x64xf32, #tpu.memory_space<hbm>>
    %dma_wait3A_93 = arith.constant 0 : i32
    %dma_wait3A_94 = arith.constant 0 : i32
    %dma_wait3A_95 = tpu.memref_slice %arg5[%sub3A_80, %dma_wait3A_93, %dma_wait3A_94] : memref<1024x200x64xf32, #tpu.memory_space<hbm>> -> memref<1x200x64xf32, #tpu.memory_space<hbm>>
    %dma_wait3A_96 = tpu.memref_squeeze %dma_wait3A_95 : memref<1x200x64xf32, #tpu.memory_space<hbm>> -> memref<200x64xf32, #tpu.memory_space<hbm>>
    %dma_wait3A_97 = arith.constant 0 : i32
    %dma_wait3A_98 = arith.constant 0 : i32
    %dma_wait3A_99 = tpu.memref_slice %arg8[%dma_wait3A_81, %dma_wait3A_97, %dma_wait3A_98] : memref<2x208x64xf32, #tpu.memory_space<vmem>> -> memref<1x208x64xf32, #tpu.memory_space<vmem>>
    %dma_wait3A_100 = tpu.memref_squeeze %dma_wait3A_99 : memref<1x208x64xf32, #tpu.memory_space<vmem>> -> memref<208x64xf32, #tpu.memory_space<vmem>>
    %dma_wait3A_101 = arith.constant 0 : i32
    %dma_wait3A_102 = arith.constant 0 : i32
    %dma_wait3A_103 = tpu.memref_slice %dma_wait3A_100[%dma_wait3A_101, %dma_wait3A_102] : memref<208x64xf32, #tpu.memory_space<vmem>> -> memref<200x64xf32, #tpu.memory_space<vmem>>
    tpu.wait_dma2 semaphore(%arg12 : memref<!tpu.dma_semaphore, #tpu.memory_space<semaphore_mem>>) src(%dma_wait3A_103 : memref<200x64xf32, #tpu.memory_space<vmem>>) dst(%dma_wait3A_96 : memref<200x64xf32, #tpu.memory_space<hbm>>)
    %dma_wait3A_104 = arith.constant 1 : i32
    %dma_wait3A_105 = arith.constant 0 : i32
    %dma_wait3A_106 = arith.constant 0 : i32
    %dma_wait3A_107 = tpu.memref_slice %arg8[%dma_wait3A_104, %dma_wait3A_105, %dma_wait3A_106] : memref<2x208x64xf32, #tpu.memory_space<vmem>> -> memref<1x208x64xf32, #tpu.memory_space<vmem>>
    %dma_wait3A_108 = tpu.memref_squeeze %dma_wait3A_107 : memref<1x208x64xf32, #tpu.memory_space<vmem>> -> memref<208x64xf32, #tpu.memory_space<vmem>>
    %dma_wait3A_109 = arith.constant 0 : i32
    %dma_wait3A_110 = arith.constant 0 : i32
    %dma_wait3A_111 = tpu.memref_slice %dma_wait3A_108[%dma_wait3A_109, %dma_wait3A_110] : memref<208x64xf32, #tpu.memory_space<vmem>> -> memref<200x64xf32, #tpu.memory_space<vmem>>
    %dma_wait3A_112 = arith.constant 0 : i32
    %dma_wait3A_113 = arith.constant 0 : i32
    %dma_wait3A_114 = tpu.memref_slice %arg5[%sub3A_32, %dma_wait3A_112, %dma_wait3A_113] : memref<1024x200x64xf32, #tpu.memory_space<hbm>> -> memref<1x200x64xf32, #tpu.memory_space<hbm>>
    %dma_wait3A_115 = tpu.memref_squeeze %dma_wait3A_114 : memref<1x200x64xf32, #tpu.memory_space<hbm>> -> memref<200x64xf32, #tpu.memory_space<hbm>>
    %dma_wait3A_116 = arith.constant 0 : i32
    %dma_wait3A_117 = arith.constant 0 : i32
    %dma_wait3A_118 = tpu.memref_slice %arg5[%sub3A_32, %dma_wait3A_116, %dma_wait3A_117] : memref<1024x200x64xf32, #tpu.memory_space<hbm>> -> memref<1x200x64xf32, #tpu.memory_space<hbm>>
    %dma_wait3A_119 = tpu.memref_squeeze %dma_wait3A_118 : memref<1x200x64xf32, #tpu.memory_space<hbm>> -> memref<200x64xf32, #tpu.memory_space<hbm>>
    %dma_wait3A_120 = arith.constant 0 : i32
    %dma_wait3A_121 = arith.constant 0 : i32
    %dma_wait3A_122 = tpu.memref_slice %arg8[%dma_wait3A_104, %dma_wait3A_120, %dma_wait3A_121] : memref<2x208x64xf32, #tpu.memory_space<vmem>> -> memref<1x208x64xf32, #tpu.memory_space<vmem>>
    %dma_wait3A_123 = tpu.memref_squeeze %dma_wait3A_122 : memref<1x208x64xf32, #tpu.memory_space<vmem>> -> memref<208x64xf32, #tpu.memory_space<vmem>>
    %dma_wait3A_124 = arith.constant 0 : i32
    %dma_wait3A_125 = arith.constant 0 : i32
    %dma_wait3A_126 = tpu.memref_slice %dma_wait3A_123[%dma_wait3A_124, %dma_wait3A_125] : memref<208x64xf32, #tpu.memory_space<vmem>> -> memref<200x64xf32, #tpu.memory_space<vmem>>
    tpu.wait_dma2 semaphore(%arg13 : memref<!tpu.dma_semaphore, #tpu.memory_space<semaphore_mem>>) src(%dma_wait3A_126 : memref<200x64xf32, #tpu.memory_space<vmem>>) dst(%dma_wait3A_119 : memref<200x64xf32, #tpu.memory_space<hbm>>)
    return
  }
}

</mosaic_0001>

<sc_bundles>
// kernel: kernel.3.cloned.1.call-start
scs
__scs_entry_jumppad:
0x0: {  	(pc) =	sbr.rel $0x88, $3  }
0x1: {  	(tag) =	ssettag $0x0;
	lr =	simm.s32 $0x1  }
0x2: {  	[smem:$0x3F9E] =	sst lr;
	_ =	strace $0xD0000000  }
0x3: {  	_ = 	snop  }
0x4: {  	_ = 	snop  }
0x5: {  	_ = 	snop  }
0x6: {  	_ = 	snop  }
0x7: {  	_ = 	snop  }
__scs_overlays_trampoline_lowered:
0x8: {  	[smem:$0x3FAD] =	sst s0  }
0x9: {  	[smem:$0x3FAE] =	sst s1  }
0xa: {  	[smem:$0x3FAF] =	sst s2  }
0xb: {  	[smem:$0x3FB0] =	sst s3  }
0xc: {  	[smem:$0x3FB1] =	sst s4  }
0xd: {  	[smem:$0x3FB2] =	sst s5  }
0xe: {  	[smem:$0x3FB3] =	sst s6  }
0xf: {  	[smem:$0x3FB4] =	sst s7  }
0x10: {  	[smem:$0x3FB5] =	sst s8  }
0x11: {  	[smem:$0x3FB6] =	sst s9;
	s0 =	simm.s32 @!p0 $0x0  }
0x12: {  	s1 =	sld [smem:$0x3F9C];
	s0 =	simm.s32 @p0 $0x1  }
0x13: {  	[smem:$0x3FB7] =	sst s0;
	s0 =	simm.s32 @!p1 $0x0  }
0x14: {  	s2 =	sld [smem:$0x3F9B];
	s0 =	simm.s32 @p1 $0x1  }
0x15: {  	[smem:$0x3FB8] =	sst s0;
	s0 =	simm.s32 @!p2 $0x0  }
0x16: {  	s3 =	sld [smem:$0x3FDB];
	s0 =	simm.s32 @p2 $0x1  }
0x17: {  	s4 =	simm.s32 $0x1BF5;
	[smem:$0x3FBA] =	sst s0  }
0x18: {  	s0 =	sld [smem:$0x3F9D];
	_ =	swait.ge [sflag:s4], $0x0  }
0x19: {  	s7 =	sld [smem:$0x3F9E]  }
0x1a: {  	s8 =	sadd.s32 $0xFFFFE003, lr  }
0x1b: {  	s9 =	sadd.s32 $0xFFFFFEF7, lr;
	s5 =	simm.s32 $0xFFFFFFFF;
	p2 =	slt.u32 s8, $0xFFFFF086  }
0x1c: {  	p1 =	slt.u32 s9, $0xF7A;
	s5 =	simm.s32 @!p2 $0x0  }
0x1d: {  	s5 =	simm.s32 @p1 $0x1;
	p0 =	seq.s32 s7, s2  }
0x1e: {  	s7 =	smul.u32 @!p0 $0xF7A, s2;
	p2 =	seq.s32 @!p0 s5, $0x0  }
0x1f: {  	s9 =	smul.u32 $0xF7A, s1;
	s8 =	simm.s32 @!p0 $0x1BF5;
	p2 =	por !p2, p0  }
0x20: {  	[sflag:s8] =	ssyncset.s32 @!p0 $0xFFFFF086;
	s6 =	sadd.s32 @!p0 s3, s7;
	s7 =	simm.s32 @!p0 $0x108  }
0x21: {  	s3 =	sadd.s32 s3, s9;
	s6 =	sadd.s32 @!p0 $0x88, s6;
	s7 =	simm.s32 @p2 $0x1082  }
0x22: {  	[simem:s7], [sflag:s8] =	dma.local @!p0 [hbm:s6], $0xF7A  }
0x23: {  	s9 =	sor.u32 $0xD0000000, s2;
	s6 =	simm.s32 $0x108;
	_ =	swait.ge @!p0 [sflag:s8], $0x0  }
0x24: {  	s3 =	sadd.s32 $0x88, s3;
	s6 =	simm.s32 @!p1 $0x1082;
	[sflag:s4] =	ssyncset.s32 $0xFFFFF086  }
0x25: {  	[simem:s6], [sflag:s4] =	dma.local [hbm:s3], $0xF7A  }
0x26: {  	[smem:$0x3F9E] =	sst s1;
	(tag) =	ssettag s2;
	_ =	strace s9  }
0x27: {  	s1 =	sld [smem:$0x3FAE]  }
0x28: {  	s2 =	sld [smem:$0x3FAF]  }
0x29: {  	s4 =	sld [smem:$0x3FB1]  }
0x2a: {  	p0 =	seq.s32 s5, $0x0;
	s5 =	sld [smem:$0x3FB2]  }
0x2b: {  	s6 =	sld [smem:$0x3FB3]  }
0x2c: {  	s7 =	sld [smem:$0x3FB4]  }
0x2d: {  	s3 =	simm.s32 $0x108;
	s8 =	sld [smem:$0x3FB5]  }
0x2e: {  	s3 =	simm.s32 @!p0 $0x1082;
	s9 =	sld [smem:$0x3FB6]  }
0x2f: {  	lr =	sadd.s32 s0, s3;
	s0 =	sld [smem:$0x3FAD]  }
0x30: {  	s3 =	sld [smem:$0x3FB0]  }
0x31: {  	[smem:$0x3FB9] =	sst s10  }
0x32: {  	s10 =	sld [smem:$0x3FB7];
	_ =	sdelay $0x3  }
0x33: {  	p0 =	seq.s32 s10, $0x1;
	s10 =	sld [smem:$0x3FB9];
	_ =	sdelay $0x3  }
0x34: {  	[smem:$0x3FB9] =	sst s10  }
0x35: {  	s10 =	sld [smem:$0x3FB8];
	_ =	sdelay $0x3  }
0x36: {  	p1 =	seq.s32 s10, $0x1;
	s10 =	sld [smem:$0x3FB9];
	_ =	sdelay $0x3  }
0x37: {  	[smem:$0x3FB9] =	sst s10  }
0x38: {  	s10 =	sld [smem:$0x3FBA]  }
0x39: {  	_ = 	snop;
	(pc) =	sbr.ind lr, $3  }
0x3a: {  	_ = 	snop  }
0x3b: {  	_ = 	snop  }
0x3c: {  	p2 =	seq.s32 s10, $0x1;
	s10 =	sld [smem:$0x3FB9]  }
0x3d: {  	_ =	shalt  }
0x3e: {  	_ =	shalt  }
0x3f: {  	_ =	shalt  }
0x40: {  	_ =	shalt  }
0x41: {  	_ =	shalt  }
0x42: {  	_ =	shalt  }
0x43: {  	_ =	shalt  }
0x44: {  	_ =	shalt  }
0x45: {  	_ =	shalt  }
0x46: {  	_ =	shalt  }
0x47: {  	_ =	shalt  }
0x48: {  	_ =	shalt  }
0x49: {  	_ =	shalt  }
0x4a: {  	_ =	shalt  }
0x4b: {  	_ =	shalt  }
0x4c: {  	_ =	shalt  }
0x4d: {  	_ =	shalt  }
0x4e: {  	_ =	shalt  }
0x4f: {  	_ =	shalt  }
0x50: {  	_ =	shalt  }
0x51: {  	_ =	shalt  }
0x52: {  	_ =	shalt  }
0x53: {  	_ =	shalt  }
0x54: {  	_ =	shalt  }
0x55: {  	_ =	shalt  }
0x56: {  	_ =	shalt  }
0x57: {  	_ =	shalt  }
0x58: {  	_ =	shalt  }
0x59: {  	_ =	shalt  }
0x5a: {  	_ =	shalt  }
0x5b: {  	_ =	shalt  }
0x5c: {  	_ =	shalt  }
0x5d: {  	_ =	shalt  }
0x5e: {  	_ =	shalt  }
0x5f: {  	_ =	shalt  }
0x60: {  	_ =	shalt  }
0x61: {  	_ =	shalt  }
0x62: {  	_ =	shalt  }
0x63: {  	_ =	shalt  }
0x64: {  	_ =	shalt  }
0x65: {  	_ =	shalt  }
0x66: {  	_ =	shalt  }
0x67: {  	_ =	shalt  }
0x68: {  	_ =	shalt  }
0x69: {  	_ =	shalt  }
0x6a: {  	_ =	shalt  }
0x6b: {  	_ =	shalt  }
0x6c: {  	_ =	shalt  }
0x6d: {  	_ =	shalt  }
0x6e: {  	_ =	shalt  }
0x6f: {  	_ =	shalt  }
0x70: {  	_ =	shalt  }
0x71: {  	_ =	shalt  }
0x72: {  	_ =	shalt  }
0x73: {  	_ =	shalt  }
0x74: {  	_ =	shalt  }
0x75: {  	_ =	shalt  }
0x76: {  	_ =	shalt  }
0x77: {  	_ =	shalt  }
0x78: {  	_ =	shalt  }
0x79: {  	_ =	shalt  }
0x7a: {  	_ =	shalt  }
0x7b: {  	_ =	shalt  }
0x7c: {  	_ =	shalt  }
0x7d: {  	_ =	shalt  }
0x7e: {  	_ =	shalt  }
0x7f: {  	_ =	shalt  }
0x80: {  	_ =	shalt  }
0x81: {  	_ =	shalt  }
0x82: {  	_ =	shalt  }
0x83: {  	_ =	shalt  }
0x84: {  	_ =	shalt  }
0x85: {  	_ =	shalt  }
0x86: {  	_ =	shalt  }
0x87: {  	_ =	shalt  }
.Lfunc_end0:
.L_simem_size_0:
called_computation_lowered:
.L_overlay_start_0:
0x88: {  	s2 =	sld [smem:$0x3FD9]  }
0x89: {  	s3 =	sld [smem:$0x3FFE];
	_ =	sdelay $0x1  }
0x8a: {  	s1 =	srdreg.scid  }
0x8b: {  	s0 =	sand.u32 $0x1, s1  }
0x8c: {  	s17 =	sshll.u32 s0, $0xA;
	s2 =	sadd.s32 s3, s2  }
0x8d: {  	s2 =	sadd.s32 s2, s17  }
0x8e: {  	[smem:$0x3FC5] =	sst s2  }
0x8f: {  	_ = 	snop  }
0x90: {  	s2 =	sld [smem:$0x3FD0];
	(tm) =	ssettm $0x1  }
0x91: {  	s18 =	sld [smem:$0x3FFB];
	_ =	sdelay $0x3  }
0x92: {  	_ =	strace s18  }
0x93: {  	s3 =	sld [smem:$0x3FFC];
	_ =	sdelay $0x3  }
0x94: {  	_ =	strace s3  }
0x95: {  	s3 =	sld [smem:$0x3FFD];
	_ =	sdelay $0x3  }
0x96: {  	_ =	strace s3  }
0x97: {  	_ =	strace $0x8FFFFFFF  }
0x98: {  	s19 =	sld [smem:$0x3FDB];
	_ =	sdelay $0x1  }
0x99: {  	s4 =	simm.s32 $_scs_section_size  }
0x9a: {  	s5 =	simm.s32 $_size__tile_overlayer_lowered;
	s6 =	simm.s32 $_tile_overlayer_lowered  }
0x9b: {  	s22 =	simm.s32 $0x1BFF;
	s21 =	sshll.u32 s6, $0x1;
	s3 =	sadd.s32 s4, s19  }
0x9c: {  	s7 =	simm.s32 $0x0;
	s20 =	sshll.u32 s5, $0x1;
	s5 =	sadd.s32 s21, s3  }
0x9d: {  	[timem:s7], [sflag:s22] =	dma.local [hbm:s5], s20  }
0x9e: {  	_ =	swait.ge [sflag:s22], s20  }
0x9f: {  	s4 =	ssub.s32 $0x0, s20;
	[sflag:s22] =	ssyncset.done $0x0  }
0xa0: {  	[sflag:s22] =	ssyncadd.s32 s4;
	_ =	sdelay $0x1  }
0xa1: {  	s23 =	simm.s32 $0x1B8B  }
0xa2: {  	_ =	swait.ge [sflag:s23], $0x1  }
0xa3: {  	[sflag:s23] =	ssyncset.done $0x0  }
0xa4: {  	s25 =	simm.s32 $0x1B8E;
	s24 =	sld [smem:$0x3FFE];
	[sflag:s23] =	ssyncadd.s32 $0xFFFFFFFF  }
0xa5: {  	s26 =	simm.s32 $execute0_lowered;
	[smem:$0x3FD2] =	sst s25  }
0xa6: {  	s5 =	sshll.u32 s26, $0x1;
	_ =	strace $0x80000046;
	[dreg:$0x1] =	wrdreg $0xFFFFFFFF  }
0xa7: {  	s28 =	simm.s32 $_size_execute0_lowered;
	s3 =	sadd.s32 s3, s5;
	[dreg:$0x0] =	wrdreg $0x0  }
0xa8: {  	s5 =	sshll.u32 s28, $0x1;
	[dreg:$0x2] =	wrdreg s3  }
0xa9: {  	[dreg:$0x3] =	wrdreg s5  }
0xaa: {  	[dreg:$0x4] =	wrdreg $0xC0  }
0xab: {  	_ =	task [dreg:s7], $0x5FFFF  }
0xac: {  	[dreg:$0x1] =	wrdreg $0xFFFFFFFF  }
0xad: {  	[dreg:$0x0] =	wrdreg $0x60  }
0xae: {  	[dreg:$0x2] =	wrdreg s2  }
0xaf: {  	[dreg:$0x3] =	wrdreg s24  }
0xb0: {  	[dreg:$0x4] =	wrdreg $0x9  }
0xb1: {  	_ =	task.clear_ibuf [dreg:s7], $0x5FFFF;
	_ =	strace $0x90000046  }
0xb2: {  	s29 =	simm.s32 $0x9;
	_ =	strace $0x80000048  }
0xb3: {  	_ =	swait.ge [sflag:s29], $0x1  }
0xb4: {  	[sflag:s29] =	ssyncadd.s32 $0xFFFFFFFF  }
0xb5: {  	_ =	strace $0x90000048  }
0xb6: {  	_ =	sfence  }
0xb7: {  	s30 =	sld [smem:$0x0];
	_ =	sdelay $0x2  }
0xb8: {  	s31 =	sshll.u32 s1, $0xD;
	s1 =	sshrl.u32 s1, $0x2  }
0xb9: {  	s3 =	sand.u32 $0x4000, s31;
	s1 =	sadd.s32 s1, s30  }
0xba: {  	s0 =	sor.u32 s3, s0;
	s1 =	sshll.u32 s1, $0x11  }
0xbb: {  	s0 =	sor.u32 s1, s0  }
0xbc: {  	s0 =	sadd.s32 $0x8F2B, s0  }
0xbd: {  	[sflag:s0] =	ssyncadd.remote.s32 $0x1  }
0xbe: {  	_ =	sfence.sel $0xFFFF  }
0xbf: {  	[dreg:$0x0] =	wrdreg $0xFFFFFFFF;
	(pc) =	sbr.abs _section_cstart, $3  }
0xc0: {  	[dreg:$0x1] =	wrdreg $0xFFFFFFFF  }
0xc1: {  	_ =	task.clear_ibuf [dreg:s7], $0x2FFFF;
	_ =	strace $0x9FFFFFFF  }
0xc2: {  	(tm) =	ssettm $0x7FFFFFFF  }
0xc3: {  	_ =	shalt  }
tec
execute0_lowered:
.L_overlay_start_1:
0x0: {  	(tag) =	ssettag $0x1  }
0x1: {  	s0 =	rddreg [dreg:$0x0]  }
0x2: {  	s1 =	rddreg [dreg:$0x1];
	s2 =	simm.s32 $0x0;
	s3 =	srdreg.scid  }
0x3: {  	s5 =	stileid.u32;
	s12 =	simm.s32 $0x2;
	s13 =	simm.s32 $0x4B80  }
0x4: {  	s14 =	simm.s32 $0x3;
	s4 =	sand.u32 $0x1, s3;
	s24 =	sshll.u32 s5, $0x1  }
0x5: {  	s17 =	simm.s32 $0x5;
	[smem:$0x7FF] =	sst s2;
	s8 =	sor.u32 s4, s24  }
0x6: {  	s3 =	sadd.s32 $0xC00, s1;
	s25 =	sadd.s32 $0x400, s1;
	s6 =	smul.u32 $0xC8000, s8  }
0x7: {  	s5 =	sadd.s32 $0xF43000, s1;
	s4 =	ssub.s32 $0x2, s4;
	s9 =	smul.u32 $0x320, s8  }
0x8: {  	_ =	strace $0x80000047;
	[dreg:$0x3] =	wrdreg s25;
	s7 =	sshrl.u32 s4, $0x1  }
0x9: {  	s26 =	ssub.s32 s4, s7;
	s28 =	sshrl.u32 s6, $0x3;
	s0 =	sadd.s32 s0, s9  }
0xa: {  	s31 =	smax.u32 s26, $0x1;
	[dreg:$0x4] =	wrdreg s0;
	s29 =	sadd.s32 s5, s28  }
0xb: {  	v0 =	vlaneseq.u32;
	s30 =	sshll.u32 s8, $0x4;
	[dreg:$0x6] =	wrdreg s31;
	s0 =	sadd.s32 $0x18380, s29  }
0xc: {  	s1 =	simm.s32 $0x0;
	v0 =	vor.u32 s30, v0;
	s6 =	sshll.u32 s8, $0x5;
	[dreg:$0x5] =	wrdreg s0  }
.LBB2_1:
0xd: {  	[dreg:$0x7] =	wrdreg s1  }
0xe: {  	s19 =	simm.s32 $0x3200;
	s0 =	rddreg [dreg:$0x4]  }
0xf: {  	[tilespmem:s19], [sflag:$0x1] =	stream.linear.gather [hbm4b:s0+s2], $0x1900, $0x38;
	[tilespmem:$0x11B80] =	vst v63  }
0x10: {  	s29 =	rddreg [dreg:$0x3];
	s30 =	simm.s32 $0x6  }
0x11: {  	[tilespmem:s2], [sflag:$0x6] =	stream.linear.gather [hbm4b:s29+s2], $0x3200, $0x38;
	[tilespmem:$0x11B80] =	vst v63  }
0x12: {  	_ =	swait.ge [sflag:s30], $0x3200  }
0x13: {  	[sflag:s30] =	ssyncset.done $0x0  }
0x14: {  	[sflag:s30] =	ssyncadd.s32 $0xFFFFCE00  }
0x15: {  	s31 =	simm.s32 $0x1;
	[tilespmem:$0x4B00] =	vst v0  }
0x16: {  	_ =	swait.ge [sflag:s31], $0x1900  }
0x17: {  	[sflag:s31] =	ssyncset.done $0x0  }
0x18: {  	s20 =	simm.s32 $0x32C8;
	s21 =	simm.s32 $0x0;
	[sflag:s31] =	ssyncadd.s32 $0xFFFFE700  }
.LBB2_2:
0x19: {  	p0 =	seq.s32 s21, $0x0  }
0x1a: {  	s0 =	simm.s32 @!p0 $0x4  }
0x1b: {  	_ =	swait.ge @!p0 [sflag:s0], $0x6400  }
0x1c: {  	[sflag:s0] =	ssyncset.done @!p0 $0x0  }
0x1d: {  	[sflag:s0] =	ssyncadd.s32 @!p0 $0xFFFF9C00  }
0x1e: {  	v1 =	vld [tilespmem:s19+$0x0];
	_ =	sdelay $0x4  }
0x1f: {  	v1 =	vshll.u32 v1, $0x4  }
0x20: {  	(v2sf) =	vpush v1, $0x0  }
0x21: {  	(v2sf) =	vpush v1, $0x1  }
0x22: {  	(v2sf) =	vpush v1, $0x2;
	_ =	sdelay $0x1  }
0x23: {  	(v2sf) =	vpush v1, $0x4;
	_ =	sdelay $0x1  }
0x24: {  	(v2sf) =	vpush v1, $0x3  }
0x25: {  	(v2sf) =	vpush v1, $0x5  }
0x26: {  	s23 =	simm.s32 $0x2000;
	s22 =	simm.s32 $0x0;
	s24 =	smov.u32 s19;
	(v2sf) =	vpush v1, $0x6  }
.LBB2_3:
0x27: {  	p1 =	sne.s32 s23, $0x18000  }
0x28: {  	s7 =	sadd.s32 $0x4C00, s22;
	s29 =	sadd.s32 $0x5100, s22;
	s25 =	smov.u32 s23  }
0x29: {  	s23 =	sadd.s32 $0x2000, s23;
	s0 =	sadd.s32 $0x4F00, s22;
	s26 =	sadd.s32 $0x5180, s22;
	(v2sf) =	vpush v1, $0x7  }
0x2a: {  	s4 =	sadd.s32 $0x4E00, s22;
	s31 =	sadd.s32 $0x4F80, s22;
	s28 =	sadd.s32 $0x5200, s22  }
0x2b: {  	s8 =	sadd.s32 $0x4B80, s22;
	s9 =	sadd.s32 $0x4D80, s22;
	(v2sf) =	vpush v1, $0x8  }
0x2c: {  	s10 =	sadd.s32 $0x4E80, s22;
	s24 =	sadd.s32 $0x10, s24  }
0x2d: {  	s11 =	sadd.s32 $0x4C80, s22;
	s30 =	sadd.s32 $0x5080, s22;
	s1 =	spop (v2sf);
	(v2sf) =	vpush v1, $0x9  }
0x2e: {  	s16 =	sand.u32 $0x1FFFFFF0, s1;
	s1 =	sadd.s32 $0x5000, s22;
	s18 =	spop (v2sf)  }
0x2f: {  	s16 =	sadd.s32 s3, s16;
	s18 =	sand.u32 $0x1FFFFFF0, s18;
	s15 =	spop (v2sf);
	(v2sf) =	vpush v1, $0xA  }
0x30: {  	[tilespmem:s8], [sflag:$0x2] =	stream.linear.gather [hbm4b:s16+s2], $0x80, $0x38;
	[tilespmem:$0x11B80] =	vst v63  }
0x31: {  	s8 =	sadd.s32 s3, s18;
	s16 =	sadd.s32 $0x4D00, s22;
	s18 =	spop (v2sf);
	(v2sf) =	vpush v1, $0xB  }
0x32: {  	[tilespmem:s7], [sflag:$0x2] =	stream.linear.gather [hbm4b:s8+s2], $0x80, $0x38;
	[tilespmem:$0x11B80] =	vst v63  }
0x33: {  	s7 =	sand.u32 $0x1FFFFFF0, s15;
	s8 =	sand.u32 $0x1FFFFFF0, s18;
	s15 =	spop (v2sf);
	(v2sf) =	vpush v1, $0xC  }
0x34: {  	s7 =	sadd.s32 s3, s7;
	s15 =	sand.u32 $0x1FFFFFF0, s15;
	s18 =	spop (v2sf)  }
0x35: {  	[tilespmem:s11], [sflag:$0x2] =	stream.linear.gather [hbm4b:s7+s2], $0x80, $0x38;
	(v2sf) =	vpush v1, $0xD;
	[tilespmem:$0x11B80] =	vst v63  }
0x36: {  	s7 =	sadd.s32 s3, s15;
	s11 =	sand.u32 $0x1FFFFFF0, s18;
	s15 =	spop (v2sf)  }
0x37: {  	[tilespmem:s16], [sflag:$0x2] =	stream.linear.gather [hbm4b:s7+s2], $0x80, $0x38;
	(v2sf) =	vpush v1, $0xE;
	[tilespmem:$0x11B80] =	vst v63  }
0x38: {  	s7 =	sadd.s32 s3, s8;
	s8 =	sand.u32 $0x1FFFFFF0, s15;
	s15 =	spop (v2sf)  }
0x39: {  	[tilespmem:s9], [sflag:$0x2] =	stream.linear.gather [hbm4b:s7+s2], $0x80, $0x38;
	(v2sf) =	vpush v1, $0xF;
	[tilespmem:$0x11B80] =	vst v63  }
0x3a: {  	s7 =	sadd.s32 s3, s11;
	s9 =	sand.u32 $0x1FFFFFF0, s15;
	s11 =	spop (v2sf)  }
0x3b: {  	[tilespmem:s4], [sflag:$0x2] =	stream.linear.gather [hbm4b:s7+s2], $0x80, $0x38;
	[tilespmem:$0x11B80] =	vst v63  }
0x3c: {  	s4 =	sadd.s32 s3, s8;
	s7 =	sand.u32 $0x1FFFFFF0, s11;
	s8 =	spop (v2sf)  }
0x3d: {  	[tilespmem:s10], [sflag:$0x2] =	stream.linear.gather [hbm4b:s4+s2], $0x80, $0x38;
	[tilespmem:$0x11B80] =	vst v63  }
0x3e: {  	s4 =	sadd.s32 s3, s9;
	s8 =	sand.u32 $0x1FFFFFF0, s8;
	s9 =	spop (v2sf)  }
0x3f: {  	[tilespmem:s0], [sflag:$0x2] =	stream.linear.gather [hbm4b:s4+s2], $0x80, $0x38;
	[tilespmem:$0x11B80] =	vst v63  }
0x40: {  	s0 =	sadd.s32 s3, s7;
	s4 =	sand.u32 $0x1FFFFFF0, s9;
	s7 =	spop (v2sf)  }
0x41: {  	[tilespmem:s31], [sflag:$0x2] =	stream.linear.gather [hbm4b:s0+s2], $0x80, $0x38;
	[tilespmem:$0x11B80] =	vst v63  }
0x42: {  	s0 =	sadd.s32 s3, s8;
	s7 =	sand.u32 $0x1FFFFFF0, s7;
	s8 =	spop (v2sf)  }
0x43: {  	[tilespmem:s1], [sflag:$0x2] =	stream.linear.gather [hbm4b:s0+s2], $0x80, $0x38;
	[tilespmem:$0x11B80] =	vst v63  }
0x44: {  	s0 =	sadd.s32 s3, s4;
	s1 =	sand.u32 $0x1FFFFFF0, s8;
	s4 =	spop (v2sf)  }
0x45: {  	[tilespmem:s30], [sflag:$0x2] =	stream.linear.gather [hbm4b:s0+s2], $0x80, $0x38;
	[tilespmem:$0x11B80] =	vst v63  }
0x46: {  	s0 =	sadd.s32 s3, s7;
	s4 =	sand.u32 $0x1FFFFFF0, s4;
	s7 =	spop (v2sf)  }
0x47: {  	[tilespmem:s29], [sflag:$0x2] =	stream.linear.gather [hbm4b:s0+s2], $0x80, $0x38;
	[tilespmem:$0x11B80] =	vst v63  }
0x48: {  	s0 =	sadd.s32 s3, s1;
	s1 =	sand.u32 $0x1FFFFFF0, s7;
	s7 =	spop (v2sf)  }
0x49: {  	[tilespmem:s26], [sflag:$0x2] =	stream.linear.gather [hbm4b:s0+s2], $0x80, $0x38;
	[tilespmem:$0x11B80] =	vst v63  }
0x4a: {  	s0 =	sadd.s32 s3, s4;
	s4 =	sand.u32 $0x1FFFFFF0, s7  }
0x4b: {  	[tilespmem:s28], [sflag:$0x2] =	stream.linear.gather [hbm4b:s0+s2], $0x80, $0x38;
	[tilespmem:$0x11B80] =	vst v63  }
0x4c: {  	s1 =	sadd.s32 s3, s1;
	s0 =	sadd.s32 $0x5280, s22  }
0x4d: {  	[tilespmem:s0], [sflag:$0x2] =	stream.linear.gather [hbm4b:s1+s2], $0x80, $0x38;
	[tilespmem:$0x11B80] =	vst v63  }
0x4e: {  	s0 =	sadd.s32 $0x5300, s22;
	s1 =	sadd.s32 s3, s4  }
0x4f: {  	[tilespmem:s0], [sflag:$0x2] =	stream.linear.gather [hbm4b:s1+s2], $0x80, $0x38;
	[tilespmem:$0x11B80] =	vst v63  }
0x50: {  	v1 =	vld [tilespmem:s24+$0x0];
	_ =	sdelay $0x4  }
0x51: {  	v1 =	vshll.u32 v1, $0x4  }
0x52: {  	(v2sf) =	vpush v1, $0x0  }
0x53: {  	(v2sf) =	vpush v1, $0x1  }
0x54: {  	(v2sf) =	vpush v1, $0x2;
	_ =	sdelay $0x1  }
0x55: {  	(v2sf) =	vpush v1, $0x4  }
.Ltmp0:
0x56: {  	(pc) =	sbr.rel @p1 .LBB2_3-.Ltmp0, $3  }
0x57: {  	(v2sf) =	vpush v1, $0x3  }
0x58: {  	(v2sf) =	vpush v1, $0x5;
	_ =	sdelay $0x1  }
0x59: {  	s22 =	sshra.s32 s25, $0x2;
	(v2sf) =	vpush v1, $0x6  }
0x5a: {  	_ =	sdelay $0x2  }
0x5b: {  	s1 =	sadd.s32 $0x4C00, s22;
	s24 =	sadd.s32 $0x5100, s22;
	s4 =	sadd.s32 $0x4F00, s22;
	(v2sf) =	vpush v1, $0x7  }
0x5c: {  	s7 =	sadd.s32 $0x4E00, s22;
	s8 =	sadd.s32 $0x4F80, s22;
	s9 =	sadd.s32 $0x4B80, s22  }
0x5d: {  	s10 =	sadd.s32 $0x4D80, s22;
	s11 =	sadd.s32 $0x4E80, s22;
	(v2sf) =	vpush v1, $0x8;
	s15 =	spop (v2sf)  }
0x5e: {  	s16 =	sadd.s32 $0x4C80, s22;
	s15 =	sand.u32 $0x1FFFFFF0, s15;
	s18 =	spop (v2sf)  }
0x5f: {  	(v2sf) =	vpush v1, $0x9;
	s15 =	sadd.s32 s3, s15;
	s18 =	sand.u32 $0x1FFFFFF0, s18;
	s25 =	spop (v2sf)  }
0x60: {  	[tilespmem:s9], [sflag:$0x2] =	stream.linear.gather [hbm4b:s15+s2], $0x80, $0x38;
	[tilespmem:$0x11B80] =	vst v63  }
0x61: {  	(v2sf) =	vpush v1, $0xA;
	s26 =	sadd.s32 s3, s18;
	s29 =	sand.u32 $0x1FFFFFF0, s25;
	s28 =	spop (v2sf)  }
0x62: {  	[tilespmem:s1], [sflag:$0x2] =	stream.linear.gather [hbm4b:s26+s2], $0x80, $0x38;
	[tilespmem:$0x11B80] =	vst v63  }
0x63: {  	s9 =	sadd.s32 $0x5080, s22;
	(v2sf) =	vpush v1, $0xB;
	s15 =	sadd.s32 s3, s29;
	s30 =	spop (v2sf)  }
0x64: {  	s1 =	sadd.s32 $0x5000, s22;
	s26 =	sadd.s32 $0x4D00, s22;
	s25 =	sand.u32 $0x1FFFFFF0, s30  }
0x65: {  	(v2sf) =	vpush v1, $0xC;
	[tilespmem:s16], [sflag:$0x2] =	stream.linear.gather [hbm4b:s15+s2], $0x80, $0x38;
	[tilespmem:$0x11B80] =	vst v63  }
0x66: {  	s31 =	sand.u32 $0x1FFFFFF0, s28;
	s28 =	spop (v2sf);
	s29 =	sadd.s32 s3, s25  }
0x67: {  	(v2sf) =	vpush v1, $0xD;
	[tilespmem:s26], [sflag:$0x2] =	stream.linear.gather [hbm4b:s29+s2], $0x80, $0x38;
	[tilespmem:$0x11B80] =	vst v63  }
0x68: {  	s15 =	sadd.s32 s3, s31;
	s16 =	sand.u32 $0x1FFFFFF0, s28;
	s30 =	spop (v2sf)  }
0x69: {  	[tilespmem:s10], [sflag:$0x2] =	stream.linear.gather [hbm4b:s15+s2], $0x80, $0x38;
	[tilespmem:$0x11B80] =	vst v63  }
0x6a: {  	s16 =	sadd.s32 s3, s16;
	s31 =	sand.u32 $0x1FFFFFF0, s30;
	s18 =	spop (v2sf)  }
0x6b: {  	(v2sf) =	vpush v1, $0xE;
	[tilespmem:s7], [sflag:$0x2] =	stream.linear.gather [hbm4b:s16+s2], $0x80, $0x38;
	[tilespmem:$0x11B80] =	vst v63  }
0x6c: {  	s25 =	sand.u32 $0x1FFFFFF0, s18;
	s26 =	spop (v2sf);
	s10 =	sadd.s32 s3, s31  }
0x6d: {  	(v2sf) =	vpush v1, $0xF;
	[tilespmem:s11], [sflag:$0x2] =	stream.linear.gather [hbm4b:s10+s2], $0x80, $0x38;
	[tilespmem:$0x11B80] =	vst v63  }
0x6e: {  	s28 =	sand.u32 $0x1FFFFFF0, s26;
	s7 =	sadd.s32 s3, s25;
	s29 =	spop (v2sf)  }
0x6f: {  	[tilespmem:s4], [sflag:$0x2] =	stream.linear.gather [hbm4b:s7+s2], $0x80, $0x38;
	[tilespmem:$0x11B80] =	vst v63  }
0x70: {  	s10 =	sadd.s32 s3, s28;
	s30 =	sand.u32 $0x1FFFFFF0, s29;
	s31 =	spop (v2sf)  }
0x71: {  	[tilespmem:s8], [sflag:$0x2] =	stream.linear.gather [hbm4b:s10+s2], $0x80, $0x38;
	[tilespmem:$0x11B80] =	vst v63  }
0x72: {  	s7 =	sand.u32 $0x1FFFFFF0, s31;
	s4 =	sadd.s32 s3, s30;
	s11 =	spop (v2sf)  }
0x73: {  	[tilespmem:s1], [sflag:$0x2] =	stream.linear.gather [hbm4b:s4+s2], $0x80, $0x38;
	[tilespmem:$0x11B80] =	vst v63  }
0x74: {  	s7 =	sadd.s32 s3, s7;
	s15 =	sand.u32 $0x1FFFFFF0, s11;
	s16 =	spop (v2sf)  }
0x75: {  	[tilespmem:s9], [sflag:$0x2] =	stream.linear.gather [hbm4b:s7+s2], $0x80, $0x38;
	[tilespmem:$0x11B80] =	vst v63  }
0x76: {  	s1 =	sadd.s32 s3, s15;
	s4 =	sand.u32 $0x1FFFFFF0, s16;
	s18 =	spop (v2sf)  }
0x77: {  	[tilespmem:s24], [sflag:$0x2] =	stream.linear.gather [hbm4b:s1+s2], $0x80, $0x38;
	[tilespmem:$0x11B80] =	vst v63  }
0x78: {  	s0 =	sadd.s32 $0x5180, s22;
	s4 =	sadd.s32 s3, s4;
	s24 =	sand.u32 $0x1FFFFFF0, s18  }
0x79: {  	[tilespmem:s0], [sflag:$0x2] =	stream.linear.gather [hbm4b:s4+s2], $0x80, $0x38;
	[tilespmem:$0x11B80] =	vst v63  }
0x7a: {  	s23 =	sadd.s32 $0x5200, s22;
	s25 =	spop (v2sf);
	s1 =	sadd.s32 s3, s24  }
0x7b: {  	[tilespmem:s23], [sflag:$0x2] =	stream.linear.gather [hbm4b:s1+s2], $0x80, $0x38;
	[tilespmem:$0x11B80] =	vst v63  }
.Ltmp1:
0x7c: {  	s26 =	sand.u32 $0x1FFFFFF0, s25;
	s28 =	spop (v2sf);
	(pc) =	sbr.rel @p0 .LBB2_8-.Ltmp1, $4  }
0x7d: {  	s30 =	sadd.s32 $0x5280, s22;
	s29 =	sand.u32 $0x1FFFFFF0, s28;
	s0 =	sadd.s32 s3, s26  }
0x7e: {  	[tilespmem:s30], [sflag:$0x2] =	stream.linear.gather [hbm4b:s0+s2], $0x80, $0x38;
	[tilespmem:$0x11B80] =	vst v63  }
0x7f: {  	s31 =	sadd.s32 $0x5300, s22;
	s1 =	sadd.s32 s3, s29  }
0x80: {  	[tilespmem:s31], [sflag:$0x2] =	stream.linear.gather [hbm4b:s1+s2], $0x80, $0x38;
	[tilespmem:$0x11B80] =	vst v63  }
0x81: {  	_ =	swait.ge [sflag:s14], $0x6800  }
0x82: {  	[sflag:s14] =	ssyncset.done $0x0  }
0x83: {  	s22 =	simm.s32 $0xB380;
	[sflag:s14] =	ssyncadd.s32 $0xFFFF9800  }
0x84: {  	s23 =	simm.s32 $0x40;
	v1 =	vld [tilespmem:s22+$0x0]  }
0x85: {  	v2 =	vld [tilespmem:s23+$0xFFFFFFC0];
	_ =	sdelay $0x4  }
0x86: {  	v1 =	vadd.f32 v2, v1;
	_ =	sdelay $0x1  }
0x87: {  	[tilespmem:s22+$0x0] =	vst v1;
	v1 =	vld [tilespmem:s22+$0x10]  }
0x88: {  	v2 =	vld [tilespmem:s23+$0xFFFFFFD0];
	_ =	sdelay $0x4  }
0x89: {  	v1 =	vadd.f32 v2, v1;
	_ =	sdelay $0x1  }
0x8a: {  	[tilespmem:s22+$0x10] =	vst v1;
	v1 =	vld [tilespmem:s22+$0x20]  }
0x8b: {  	v2 =	vld [tilespmem:s23+$0xFFFFFFE0];
	_ =	sdelay $0x4  }
0x8c: {  	v1 =	vadd.f32 v2, v1;
	_ =	sdelay $0x1  }
0x8d: {  	[tilespmem:s22+$0x20] =	vst v1;
	v1 =	vld [tilespmem:s22+$0x30]  }
0x8e: {  	v2 =	vld [tilespmem:s23+$0xFFFFFFF0];
	_ =	sdelay $0x4  }
0x8f: {  	v1 =	vadd.f32 v2, v1;
	_ =	sdelay $0x1  }
0x90: {  	[tilespmem:s22+$0x30] =	vst v1;
	v1 =	vld [tilespmem:s22+$0x80]  }
0x91: {  	v2 =	vld [tilespmem:s23+$0x0];
	_ =	sdelay $0x4  }
0x92: {  	v1 =	vadd.f32 v2, v1;
	_ =	sdelay $0x1  }
0x93: {  	[tilespmem:s22+$0x80] =	vst v1;
	v1 =	vld [tilespmem:s22+$0x90]  }
0x94: {  	v2 =	vld [tilespmem:s23+$0x10];
	_ =	sdelay $0x4  }
0x95: {  	v1 =	vadd.f32 v2, v1;
	_ =	sdelay $0x1  }
0x96: {  	[tilespmem:s22+$0x90] =	vst v1;
	v1 =	vld [tilespmem:s22+$0xA0]  }
0x97: {  	v2 =	vld [tilespmem:s23+$0x20];
	_ =	sdelay $0x4  }
0x98: {  	v1 =	vadd.f32 v2, v1;
	_ =	sdelay $0x1  }
0x99: {  	[tilespmem:s22+$0xA0] =	vst v1;
	v1 =	vld [tilespmem:s22+$0xB0]  }
0x9a: {  	v2 =	vld [tilespmem:s23+$0x30];
	_ =	sdelay $0x4  }
0x9b: {  	v1 =	vadd.f32 v2, v1  }
0x9c: {  	s24 =	simm.s32 $0x0;
	s25 =	simm.s32 $0xB480  }
.LBB2_6:
0x9d: {  	v2 =	vld [tilespmem:s25+$0x0];
	[tilespmem:s22+$0xB0] =	vst v1;
	s23 =	sadd.s32 $0x80, s23;
	s22 =	smov.u32 s25  }
0x9e: {  	s24 =	sadd.s32 $0x8, s24;
	v1 =	vld [tilespmem:s23+$0xFFFFFFC0]  }
0x9f: {  	p0 =	slt.u32 s24, $0x318;
	_ =	sdelay $0x3  }
0xa0: {  	v1 =	vadd.f32 v1, v2;
	_ =	sdelay $0x1  }
0xa1: {  	[tilespmem:s25+$0x0] =	vst v1;
	v1 =	vld [tilespmem:s25+$0x10]  }
0xa2: {  	v2 =	vld [tilespmem:s23+$0xFFFFFFD0];
	_ =	sdelay $0x4  }
0xa3: {  	v1 =	vadd.f32 v2, v1;
	_ =	sdelay $0x1  }
0xa4: {  	[tilespmem:s25+$0x10] =	vst v1;
	v1 =	vld [tilespmem:s25+$0x20]  }
0xa5: {  	v2 =	vld [tilespmem:s23+$0xFFFFFFE0];
	_ =	sdelay $0x4  }
0xa6: {  	v1 =	vadd.f32 v2, v1;
	_ =	sdelay $0x1  }
0xa7: {  	[tilespmem:s25+$0x20] =	vst v1;
	v1 =	vld [tilespmem:s25+$0x30]  }
0xa8: {  	v2 =	vld [tilespmem:s23+$0xFFFFFFF0];
	_ =	sdelay $0x4  }
0xa9: {  	v1 =	vadd.f32 v2, v1;
	_ =	sdelay $0x1  }
0xaa: {  	[tilespmem:s25+$0x30] =	vst v1;
	v1 =	vld [tilespmem:s25+$0x80]  }
0xab: {  	v2 =	vld [tilespmem:s23+$0x0];
	_ =	sdelay $0x4  }
0xac: {  	v1 =	vadd.f32 v2, v1;
	_ =	sdelay $0x1  }
0xad: {  	[tilespmem:s25+$0x80] =	vst v1;
	v1 =	vld [tilespmem:s25+$0x90]  }
0xae: {  	v2 =	vld [tilespmem:s23+$0x10];
	_ =	sdelay $0x4  }
0xaf: {  	v1 =	vadd.f32 v2, v1;
	_ =	sdelay $0x1  }
0xb0: {  	[tilespmem:s25+$0x90] =	vst v1;
	v1 =	vld [tilespmem:s25+$0xA0]  }
0xb1: {  	v2 =	vld [tilespmem:s23+$0x20];
	_ =	sdelay $0x4  }
0xb2: {  	v1 =	vadd.f32 v2, v1;
	_ =	sdelay $0x1  }
0xb3: {  	[tilespmem:s25+$0xA0] =	vst v1;
	v1 =	vld [tilespmem:s25+$0xB0]  }
0xb4: {  	v2 =	vld [tilespmem:s23+$0x30];
	_ =	sdelay $0x1  }
.Ltmp2:
0xb5: {  	(pc) =	sbr.rel @p0 .LBB2_6-.Ltmp2, $3  }
0xb6: {  	_ =	sdelay $0x1  }
0xb7: {  	v1 =	vadd.f32 v2, v1  }
0xb8: {  	s25 =	sadd.s32 $0x100, s25  }
0xb9: {  	s0 =	sshll.u32 s21, $0x1  }
0xba: {  	s0 =	sadd.s32 s6, s0  }
0xbb: {  	s0 =	smul.u32 $0x6400, s0;
	_ =	sdelay $0x1  }
0xbc: {  	s0 =	sadd.s32 $0xFFFF9C00, s0  }
0xbd: {  	s0 =	sshrl.u32 s0, $0x3  }
0xbe: {  	[tilespmem:s22+$0xB0] =	vst v1;
	s1 =	simm.s32 $0xB380;
	s0 =	sadd.s32 s5, s0  }
0xbf: {  	[hbm4b:s0+s2] =	stream.linear.scatter [tilespmem:s1], [sflag:$0x5], $0x6400, $0x38;
	[tilespmem:$0x11B80] =	vst v63  }
0xc0: {  	_ =	swait.ge [sflag:s17], $0x6400  }
0xc1: {  	[sflag:s17] =	ssyncset.done $0x0  }
0xc2: {  	[sflag:s17] =	ssyncadd.s32 $0xFFFF9C00  }
.LBB2_8:
0xc3: {  	v1 =	vld [tilespmem:s20+$0x0];
	_ =	sdelay $0x4  }
0xc4: {  	v1 =	vshll.u32 v1, $0x4  }
0xc5: {  	(v2sf) =	vpush v1, $0x0  }
0xc6: {  	(v2sf) =	vpush v1, $0x1  }
0xc7: {  	(v2sf) =	vpush v1, $0x2;
	_ =	sdelay $0x1  }
0xc8: {  	(v2sf) =	vpush v1, $0x4;
	_ =	sdelay $0x1  }
0xc9: {  	(v2sf) =	vpush v1, $0x3  }
0xca: {  	(v2sf) =	vpush v1, $0x5  }
0xcb: {  	s23 =	simm.s32 $0x2000;
	s22 =	simm.s32 $0x0;
	s24 =	smov.u32 s20;
	(v2sf) =	vpush v1, $0x6  }
.LBB2_9:
0xcc: {  	p0 =	sne.s32 s23, $0x18000  }
0xcd: {  	s7 =	sadd.s32 $0xB400, s22;
	s29 =	sadd.s32 $0xB900, s22;
	s25 =	smov.u32 s23  }
0xce: {  	s23 =	sadd.s32 $0x2000, s23;
	s0 =	sadd.s32 $0xB700, s22;
	s26 =	sadd.s32 $0xB980, s22;
	(v2sf) =	vpush v1, $0x7  }
0xcf: {  	s4 =	sadd.s32 $0xB600, s22;
	s31 =	sadd.s32 $0xB780, s22;
	s28 =	sadd.s32 $0xBA00, s22  }
0xd0: {  	s8 =	sadd.s32 $0xB380, s22;
	s9 =	sadd.s32 $0xB580, s22;
	(v2sf) =	vpush v1, $0x8  }
0xd1: {  	s10 =	sadd.s32 $0xB680, s22;
	s24 =	sadd.s32 $0x10, s24  }
0xd2: {  	s11 =	sadd.s32 $0xB480, s22;
	s30 =	sadd.s32 $0xB880, s22;
	s1 =	spop (v2sf);
	(v2sf) =	vpush v1, $0x9  }
0xd3: {  	s15 =	sand.u32 $0x1FFFFFF0, s1;
	s1 =	sadd.s32 $0xB800, s22;
	s16 =	spop (v2sf)  }
0xd4: {  	s15 =	sadd.s32 s3, s15;
	s16 =	sand.u32 $0x1FFFFFF0, s16;
	s18 =	spop (v2sf);
	(v2sf) =	vpush v1, $0xA  }
0xd5: {  	[tilespmem:s8], [sflag:$0x3] =	stream.linear.gather [hbm4b:s15+s2], $0x80, $0x38;
	[tilespmem:$0x11B80] =	vst v63  }
0xd6: {  	s8 =	sadd.s32 s3, s16;
	s15 =	sadd.s32 $0xB500, s22;
	s16 =	spop (v2sf);
	(v2sf) =	vpush v1, $0xB  }
0xd7: {  	[tilespmem:s7], [sflag:$0x3] =	stream.linear.gather [hbm4b:s8+s2], $0x80, $0x38;
	[tilespmem:$0x11B80] =	vst v63  }
0xd8: {  	s7 =	sand.u32 $0x1FFFFFF0, s18;
	s8 =	sand.u32 $0x1FFFFFF0, s16;
	s16 =	spop (v2sf);
	(v2sf) =	vpush v1, $0xC  }
0xd9: {  	s7 =	sadd.s32 s3, s7;
	s16 =	sand.u32 $0x1FFFFFF0, s16;
	s18 =	spop (v2sf)  }
0xda: {  	[tilespmem:s11], [sflag:$0x3] =	stream.linear.gather [hbm4b:s7+s2], $0x80, $0x38;
	(v2sf) =	vpush v1, $0xD;
	[tilespmem:$0x11B80] =	vst v63  }
0xdb: {  	s7 =	sadd.s32 s3, s16;
	s11 =	sand.u32 $0x1FFFFFF0, s18;
	s16 =	spop (v2sf)  }
0xdc: {  	[tilespmem:s15], [sflag:$0x3] =	stream.linear.gather [hbm4b:s7+s2], $0x80, $0x38;
	(v2sf) =	vpush v1, $0xE;
	[tilespmem:$0x11B80] =	vst v63  }
0xdd: {  	s7 =	sadd.s32 s3, s8;
	s8 =	sand.u32 $0x1FFFFFF0, s16;
	s15 =	spop (v2sf)  }
0xde: {  	[tilespmem:s9], [sflag:$0x3] =	stream.linear.gather [hbm4b:s7+s2], $0x80, $0x38;
	(v2sf) =	vpush v1, $0xF;
	[tilespmem:$0x11B80] =	vst v63  }
0xdf: {  	s7 =	sadd.s32 s3, s11;
	s9 =	sand.u32 $0x1FFFFFF0, s15;
	s11 =	spop (v2sf)  }
0xe0: {  	[tilespmem:s4], [sflag:$0x3] =	stream.linear.gather [hbm4b:s7+s2], $0x80, $0x38;
	[tilespmem:$0x11B80] =	vst v63  }
0xe1: {  	s4 =	sadd.s32 s3, s8;
	s7 =	sand.u32 $0x1FFFFFF0, s11;
	s8 =	spop (v2sf)  }
0xe2: {  	[tilespmem:s10], [sflag:$0x3] =	stream.linear.gather [hbm4b:s4+s2], $0x80, $0x38;
	[tilespmem:$0x11B80] =	vst v63  }
0xe3: {  	s4 =	sadd.s32 s3, s9;
	s8 =	sand.u32 $0x1FFFFFF0, s8;
	s9 =	spop (v2sf)  }
0xe4: {  	[tilespmem:s0], [sflag:$0x3] =	stream.linear.gather [hbm4b:s4+s2], $0x80, $0x38;
	[tilespmem:$0x11B80] =	vst v63  }
0xe5: {  	s0 =	sadd.s32 s3, s7;
	s4 =	sand.u32 $0x1FFFFFF0, s9;
	s7 =	spop (v2sf)  }
0xe6: {  	[tilespmem:s31], [sflag:$0x3] =	stream.linear.gather [hbm4b:s0+s2], $0x80, $0x38;
	[tilespmem:$0x11B80] =	vst v63  }
0xe7: {  	s0 =	sadd.s32 s3, s8;
	s7 =	sand.u32 $0x1FFFFFF0, s7;
	s8 =	spop (v2sf)  }
0xe8: {  	[tilespmem:s1], [sflag:$0x3] =	stream.linear.gather [hbm4b:s0+s2], $0x80, $0x38;
	[tilespmem:$0x11B80] =	vst v63  }
0xe9: {  	s0 =	sadd.s32 s3, s4;
	s1 =	sand.u32 $0x1FFFFFF0, s8;
	s4 =	spop (v2sf)  }
0xea: {  	[tilespmem:s30], [sflag:$0x3] =	stream.linear.gather [hbm4b:s0+s2], $0x80, $0x38;
	[tilespmem:$0x11B80] =	vst v63  }
0xeb: {  	s0 =	sadd.s32 s3, s7;
	s4 =	sand.u32 $0x1FFFFFF0, s4;
	s7 =	spop (v2sf)  }
0xec: {  	[tilespmem:s29], [sflag:$0x3] =	stream.linear.gather [hbm4b:s0+s2], $0x80, $0x38;
	[tilespmem:$0x11B80] =	vst v63  }
0xed: {  	s0 =	sadd.s32 s3, s1;
	s1 =	sand.u32 $0x1FFFFFF0, s7;
	s7 =	spop (v2sf)  }
0xee: {  	[tilespmem:s26], [sflag:$0x3] =	stream.linear.gather [hbm4b:s0+s2], $0x80, $0x38;
	[tilespmem:$0x11B80] =	vst v63  }
0xef: {  	s0 =	sadd.s32 s3, s4;
	s4 =	sand.u32 $0x1FFFFFF0, s7  }
0xf0: {  	[tilespmem:s28], [sflag:$0x3] =	stream.linear.gather [hbm4b:s0+s2], $0x80, $0x38;
	[tilespmem:$0x11B80] =	vst v63  }
0xf1: {  	s1 =	sadd.s32 s3, s1;
	s0 =	sadd.s32 $0xBA80, s22  }
0xf2: {  	[tilespmem:s0], [sflag:$0x3] =	stream.linear.gather [hbm4b:s1+s2], $0x80, $0x38;
	[tilespmem:$0x11B80] =	vst v63  }
0xf3: {  	s0 =	sadd.s32 $0xBB00, s22;
	s1 =	sadd.s32 s3, s4  }
0xf4: {  	[tilespmem:s0], [sflag:$0x3] =	stream.linear.gather [hbm4b:s1+s2], $0x80, $0x38;
	[tilespmem:$0x11B80] =	vst v63  }
0xf5: {  	v1 =	vld [tilespmem:s24+$0x0];
	_ =	sdelay $0x4  }
0xf6: {  	v1 =	vshll.u32 v1, $0x4  }
0xf7: {  	(v2sf) =	vpush v1, $0x0  }
0xf8: {  	(v2sf) =	vpush v1, $0x1  }
0xf9: {  	(v2sf) =	vpush v1, $0x2;
	_ =	sdelay $0x1  }
0xfa: {  	(v2sf) =	vpush v1, $0x4  }
.Ltmp3:
0xfb: {  	(pc) =	sbr.rel @p0 .LBB2_9-.Ltmp3, $3  }
0xfc: {  	(v2sf) =	vpush v1, $0x3  }
0xfd: {  	(v2sf) =	vpush v1, $0x5;
	_ =	sdelay $0x1  }
0xfe: {  	s22 =	sshra.s32 s25, $0x2;
	(v2sf) =	vpush v1, $0x6  }
0xff: {  	_ =	sdelay $0x1  }
0x100: {  	s1 =	sadd.s32 $0xB400, s22;
	s24 =	sadd.s32 $0xB900, s22  }
0x101: {  	s4 =	sadd.s32 $0xB700, s22;
	s0 =	sadd.s32 $0xB980, s22;
	(v2sf) =	vpush v1, $0x7;
	s7 =	sadd.s32 $0xB600, s22  }
0x102: {  	s8 =	sadd.s32 $0xB780, s22;
	s23 =	sadd.s32 $0xBA00, s22;
	s9 =	sadd.s32 $0xB380, s22  }
0x103: {  	s10 =	sadd.s32 $0xB580, s22;
	s11 =	sadd.s32 $0xB680, s22;
	(v2sf) =	vpush v1, $0x8;
	s15 =	spop (v2sf)  }
0x104: {  	s16 =	sadd.s32 $0xB480, s22;
	s15 =	sand.u32 $0x1FFFFFF0, s15;
	s18 =	spop (v2sf)  }
0x105: {  	(v2sf) =	vpush v1, $0x9;
	s15 =	sadd.s32 s3, s15;
	s18 =	sand.u32 $0x1FFFFFF0, s18;
	s25 =	spop (v2sf)  }
0x106: {  	[tilespmem:s9], [sflag:$0x3] =	stream.linear.gather [hbm4b:s15+s2], $0x80, $0x38;
	[tilespmem:$0x11B80] =	vst v63  }
0x107: {  	(v2sf) =	vpush v1, $0xA;
	s26 =	sadd.s32 s3, s18;
	s29 =	sand.u32 $0x1FFFFFF0, s25;
	s28 =	spop (v2sf)  }
0x108: {  	[tilespmem:s1], [sflag:$0x3] =	stream.linear.gather [hbm4b:s26+s2], $0x80, $0x38;
	[tilespmem:$0x11B80] =	vst v63  }
0x109: {  	s9 =	sadd.s32 $0xB880, s22;
	(v2sf) =	vpush v1, $0xB;
	s15 =	sadd.s32 s3, s29;
	s30 =	spop (v2sf)  }
0x10a: {  	s1 =	sadd.s32 $0xB800, s22;
	s26 =	sadd.s32 $0xB500, s22;
	s25 =	sand.u32 $0x1FFFFFF0, s30  }
0x10b: {  	(v2sf) =	vpush v1, $0xC;
	[tilespmem:s16], [sflag:$0x3] =	stream.linear.gather [hbm4b:s15+s2], $0x80, $0x38;
	[tilespmem:$0x11B80] =	vst v63  }
0x10c: {  	s31 =	sand.u32 $0x1FFFFFF0, s28;
	s28 =	spop (v2sf);
	s29 =	sadd.s32 s3, s25  }
0x10d: {  	(v2sf) =	vpush v1, $0xD;
	[tilespmem:s26], [sflag:$0x3] =	stream.linear.gather [hbm4b:s29+s2], $0x80, $0x38;
	[tilespmem:$0x11B80] =	vst v63  }
0x10e: {  	s15 =	sadd.s32 s3, s31;
	s16 =	sand.u32 $0x1FFFFFF0, s28;
	s30 =	spop (v2sf)  }
0x10f: {  	(v2sf) =	vpush v1, $0xE;
	[tilespmem:s10], [sflag:$0x3] =	stream.linear.gather [hbm4b:s15+s2], $0x80, $0x38;
	[tilespmem:$0x11B80] =	vst v63  }
0x110: {  	s16 =	sadd.s32 s3, s16;
	s31 =	sand.u32 $0x1FFFFFF0, s30;
	s18 =	spop (v2sf)  }
0x111: {  	(v2sf) =	vpush v1, $0xF;
	[tilespmem:s7], [sflag:$0x3] =	stream.linear.gather [hbm4b:s16+s2], $0x80, $0x38;
	[tilespmem:$0x11B80] =	vst v63  }
0x112: {  	s25 =	sand.u32 $0x1FFFFFF0, s18;
	s26 =	spop (v2sf);
	s10 =	sadd.s32 s3, s31  }
0x113: {  	[tilespmem:s11], [sflag:$0x3] =	stream.linear.gather [hbm4b:s10+s2], $0x80, $0x38;
	[tilespmem:$0x11B80] =	vst v63  }
0x114: {  	s28 =	sand.u32 $0x1FFFFFF0, s26;
	s7 =	sadd.s32 s3, s25;
	s29 =	spop (v2sf)  }
0x115: {  	[tilespmem:s4], [sflag:$0x3] =	stream.linear.gather [hbm4b:s7+s2], $0x80, $0x38;
	[tilespmem:$0x11B80] =	vst v63  }
0x116: {  	s10 =	sadd.s32 s3, s28;
	s30 =	sand.u32 $0x1FFFFFF0, s29;
	s31 =	spop (v2sf)  }
0x117: {  	[tilespmem:s8], [sflag:$0x3] =	stream.linear.gather [hbm4b:s10+s2], $0x80, $0x38;
	[tilespmem:$0x11B80] =	vst v63  }
0x118: {  	s7 =	sand.u32 $0x1FFFFFF0, s31;
	s4 =	sadd.s32 s3, s30;
	s11 =	spop (v2sf)  }
0x119: {  	[tilespmem:s1], [sflag:$0x3] =	stream.linear.gather [hbm4b:s4+s2], $0x80, $0x38;
	[tilespmem:$0x11B80] =	vst v63  }
0x11a: {  	s7 =	sadd.s32 s3, s7;
	s15 =	sand.u32 $0x1FFFFFF0, s11;
	s16 =	spop (v2sf)  }
0x11b: {  	[tilespmem:s9], [sflag:$0x3] =	stream.linear.gather [hbm4b:s7+s2], $0x80, $0x38;
	[tilespmem:$0x11B80] =	vst v63  }
0x11c: {  	s1 =	sadd.s32 s3, s15;
	s4 =	sand.u32 $0x1FFFFFF0, s16;
	s18 =	spop (v2sf)  }
0x11d: {  	[tilespmem:s24], [sflag:$0x3] =	stream.linear.gather [hbm4b:s1+s2], $0x80, $0x38;
	[tilespmem:$0x11B80] =	vst v63  }
0x11e: {  	s4 =	sadd.s32 s3, s4;
	s25 =	spop (v2sf);
	s24 =	sand.u32 $0x1FFFFFF0, s18  }
0x11f: {  	[tilespmem:s0], [sflag:$0x3] =	stream.linear.gather [hbm4b:s4+s2], $0x80, $0x38;
	[tilespmem:$0x11B80] =	vst v63  }
0x120: {  	s26 =	sand.u32 $0x1FFFFFF0, s25;
	s28 =	spop (v2sf);
	s1 =	sadd.s32 s3, s24  }
0x121: {  	[tilespmem:s23], [sflag:$0x3] =	stream.linear.gather [hbm4b:s1+s2], $0x80, $0x38;
	[tilespmem:$0x11B80] =	vst v63  }
0x122: {  	s30 =	sadd.s32 $0xBA80, s22;
	s29 =	sand.u32 $0x1FFFFFF0, s28;
	s0 =	sadd.s32 s3, s26  }
0x123: {  	[tilespmem:s30], [sflag:$0x3] =	stream.linear.gather [hbm4b:s0+s2], $0x80, $0x38;
	[tilespmem:$0x11B80] =	vst v63  }
0x124: {  	s31 =	sadd.s32 $0xBB00, s22;
	s1 =	sadd.s32 s3, s29  }
0x125: {  	[tilespmem:s31], [sflag:$0x3] =	stream.linear.gather [hbm4b:s1+s2], $0x80, $0x38;
	[tilespmem:$0x11B80] =	vst v63  }
0x126: {  	_ =	swait.ge [sflag:s12], $0x6800  }
0x127: {  	[sflag:s12] =	ssyncset.done $0x0  }
0x128: {  	s22 =	simm.s32 $0x4C00;
	[sflag:s12] =	ssyncadd.s32 $0xFFFF9800  }
0x129: {  	s23 =	simm.s32 $0x40;
	v1 =	vld [tilespmem:s22+$0xFFFFFF80]  }
0x12a: {  	v2 =	vld [tilespmem:s23+$0xFFFFFFC0];
	_ =	sdelay $0x4  }
0x12b: {  	v1 =	vadd.f32 v2, v1;
	_ =	sdelay $0x1  }
0x12c: {  	[tilespmem:s22+$0xFFFFFF80] =	vst v1;
	v1 =	vld [tilespmem:s22+$0xFFFFFF90]  }
0x12d: {  	v2 =	vld [tilespmem:s23+$0xFFFFFFD0];
	_ =	sdelay $0x4  }
0x12e: {  	v1 =	vadd.f32 v2, v1;
	_ =	sdelay $0x1  }
0x12f: {  	[tilespmem:s22+$0xFFFFFF90] =	vst v1;
	v1 =	vld [tilespmem:s22+$0xFFFFFFA0]  }
0x130: {  	v2 =	vld [tilespmem:s23+$0xFFFFFFE0];
	_ =	sdelay $0x4  }
0x131: {  	v1 =	vadd.f32 v2, v1;
	_ =	sdelay $0x1  }
0x132: {  	[tilespmem:s22+$0xFFFFFFA0] =	vst v1;
	v1 =	vld [tilespmem:s22+$0xFFFFFFB0]  }
0x133: {  	v2 =	vld [tilespmem:s23+$0xFFFFFFF0];
	_ =	sdelay $0x4  }
0x134: {  	v1 =	vadd.f32 v2, v1;
	_ =	sdelay $0x1  }
0x135: {  	[tilespmem:s22+$0xFFFFFFB0] =	vst v1;
	v1 =	vld [tilespmem:s22+$0x0]  }
0x136: {  	v2 =	vld [tilespmem:s23+$0x0];
	_ =	sdelay $0x4  }
0x137: {  	v1 =	vadd.f32 v2, v1;
	_ =	sdelay $0x1  }
0x138: {  	[tilespmem:s22+$0x0] =	vst v1;
	v1 =	vld [tilespmem:s22+$0x10]  }
0x139: {  	v2 =	vld [tilespmem:s23+$0x10];
	_ =	sdelay $0x4  }
0x13a: {  	v1 =	vadd.f32 v2, v1;
	_ =	sdelay $0x1  }
0x13b: {  	[tilespmem:s22+$0x10] =	vst v1;
	v1 =	vld [tilespmem:s22+$0x20]  }
0x13c: {  	v2 =	vld [tilespmem:s23+$0x20];
	_ =	sdelay $0x4  }
0x13d: {  	v1 =	vadd.f32 v2, v1;
	_ =	sdelay $0x1  }
0x13e: {  	[tilespmem:s22+$0x20] =	vst v1;
	v1 =	vld [tilespmem:s22+$0x30]  }
0x13f: {  	v2 =	vld [tilespmem:s23+$0x30];
	_ =	sdelay $0x4  }
0x140: {  	v1 =	vadd.f32 v2, v1  }
0x141: {  	s25 =	simm.s32 $0x4D00;
	s24 =	simm.s32 $0x0  }
.LBB2_11:
0x142: {  	v2 =	vld [tilespmem:s25+$0xFFFFFF80];
	[tilespmem:s22+$0x30] =	vst v1;
	s23 =	sadd.s32 $0x80, s23;
	s22 =	smov.u32 s25  }
0x143: {  	s24 =	sadd.s32 $0x8, s24;
	v1 =	vld [tilespmem:s23+$0xFFFFFFC0]  }
0x144: {  	p0 =	slt.u32 s24, $0x318;
	_ =	sdelay $0x3  }
0x145: {  	v1 =	vadd.f32 v1, v2;
	_ =	sdelay $0x1  }
0x146: {  	[tilespmem:s25+$0xFFFFFF80] =	vst v1;
	v1 =	vld [tilespmem:s25+$0xFFFFFF90]  }
0x147: {  	v2 =	vld [tilespmem:s23+$0xFFFFFFD0];
	_ =	sdelay $0x4  }
0x148: {  	v1 =	vadd.f32 v2, v1;
	_ =	sdelay $0x1  }
0x149: {  	[tilespmem:s25+$0xFFFFFF90] =	vst v1;
	v1 =	vld [tilespmem:s25+$0xFFFFFFA0]  }
0x14a: {  	v2 =	vld [tilespmem:s23+$0xFFFFFFE0];
	_ =	sdelay $0x4  }
0x14b: {  	v1 =	vadd.f32 v2, v1;
	_ =	sdelay $0x1  }
0x14c: {  	[tilespmem:s25+$0xFFFFFFA0] =	vst v1;
	v1 =	vld [tilespmem:s25+$0xFFFFFFB0]  }
0x14d: {  	v2 =	vld [tilespmem:s23+$0xFFFFFFF0];
	_ =	sdelay $0x4  }
0x14e: {  	v1 =	vadd.f32 v2, v1;
	_ =	sdelay $0x1  }
0x14f: {  	[tilespmem:s25+$0xFFFFFFB0] =	vst v1;
	v1 =	vld [tilespmem:s25+$0x0]  }
0x150: {  	v2 =	vld [tilespmem:s23+$0x0];
	_ =	sdelay $0x4  }
0x151: {  	v1 =	vadd.f32 v2, v1;
	_ =	sdelay $0x1  }
0x152: {  	[tilespmem:s25+$0x0] =	vst v1;
	v1 =	vld [tilespmem:s25+$0x10]  }
0x153: {  	v2 =	vld [tilespmem:s23+$0x10];
	_ =	sdelay $0x4  }
0x154: {  	v1 =	vadd.f32 v2, v1;
	_ =	sdelay $0x1  }
0x155: {  	[tilespmem:s25+$0x10] =	vst v1;
	v1 =	vld [tilespmem:s25+$0x20]  }
0x156: {  	v2 =	vld [tilespmem:s23+$0x20];
	_ =	sdelay $0x4  }
0x157: {  	v1 =	vadd.f32 v2, v1;
	_ =	sdelay $0x1  }
0x158: {  	[tilespmem:s25+$0x20] =	vst v1;
	v1 =	vld [tilespmem:s25+$0x30]  }
0x159: {  	v2 =	vld [tilespmem:s23+$0x30];
	_ =	sdelay $0x1  }
.Ltmp4:
0x15a: {  	(pc) =	sbr.rel @p0 .LBB2_11-.Ltmp4, $3  }
0x15b: {  	_ =	sdelay $0x1  }
0x15c: {  	v1 =	vadd.f32 v2, v1  }
0x15d: {  	s25 =	sadd.s32 $0x100, s25  }
0x15e: {  	s0 =	sshll.u32 s21, $0x1;
	s21 =	sadd.s32 $0x1, s21  }
0x15f: {  	p0 =	sne.s32 s21, $0x10  }
.Ltmp5:
0x160: {  	s0 =	sadd.s32 s6, s0;
	(pc) =	sbr.rel @p0 .LBB2_2-.Ltmp5, $3  }
0x161: {  	s0 =	smul.u32 $0xC80, s0;
	_ =	sdelay $0x1  }
0x162: {  	[tilespmem:s22+$0x30] =	vst v1;
	s19 =	sadd.s32 $0x190, s19;
	s20 =	sadd.s32 $0x190, s20;
	s0 =	sadd.s32 s5, s0  }
0x163: {  	[hbm4b:s0+s2] =	stream.linear.scatter [tilespmem:s13], [sflag:$0x4], $0x6400, $0x38;
	[tilespmem:$0x11B80] =	vst v63  }
0x164: {  	_ =	swait.ge [sflag:s14], $0x6800  }
0x165: {  	[sflag:s14] =	ssyncset.done $0x0  }
0x166: {  	s19 =	simm.s32 $0xB380;
	[sflag:s14] =	ssyncadd.s32 $0xFFFF9800  }
0x167: {  	s20 =	simm.s32 $0x40;
	v1 =	vld [tilespmem:s19+$0x0]  }
0x168: {  	v2 =	vld [tilespmem:s20+$0xFFFFFFC0];
	_ =	sdelay $0x4  }
0x169: {  	v1 =	vadd.f32 v2, v1;
	_ =	sdelay $0x1  }
0x16a: {  	[tilespmem:s19+$0x0] =	vst v1;
	v1 =	vld [tilespmem:s19+$0x10]  }
0x16b: {  	v2 =	vld [tilespmem:s20+$0xFFFFFFD0];
	_ =	sdelay $0x4  }
0x16c: {  	v1 =	vadd.f32 v2, v1;
	_ =	sdelay $0x1  }
0x16d: {  	[tilespmem:s19+$0x10] =	vst v1;
	v1 =	vld [tilespmem:s19+$0x20]  }
0x16e: {  	v2 =	vld [tilespmem:s20+$0xFFFFFFE0];
	_ =	sdelay $0x4  }
0x16f: {  	v1 =	vadd.f32 v2, v1;
	_ =	sdelay $0x1  }
0x170: {  	[tilespmem:s19+$0x20] =	vst v1;
	v1 =	vld [tilespmem:s19+$0x30]  }
0x171: {  	v2 =	vld [tilespmem:s20+$0xFFFFFFF0];
	_ =	sdelay $0x4  }
0x172: {  	v1 =	vadd.f32 v2, v1;
	_ =	sdelay $0x1  }
0x173: {  	[tilespmem:s19+$0x30] =	vst v1;
	v1 =	vld [tilespmem:s19+$0x80]  }
0x174: {  	v2 =	vld [tilespmem:s20+$0x0];
	_ =	sdelay $0x4  }
0x175: {  	v1 =	vadd.f32 v2, v1;
	_ =	sdelay $0x1  }
0x176: {  	[tilespmem:s19+$0x80] =	vst v1;
	v1 =	vld [tilespmem:s19+$0x90]  }
0x177: {  	v2 =	vld [tilespmem:s20+$0x10];
	_ =	sdelay $0x4  }
0x178: {  	v1 =	vadd.f32 v2, v1;
	_ =	sdelay $0x1  }
0x179: {  	[tilespmem:s19+$0x90] =	vst v1;
	v1 =	vld [tilespmem:s19+$0xA0]  }
0x17a: {  	v2 =	vld [tilespmem:s20+$0x20];
	_ =	sdelay $0x4  }
0x17b: {  	v1 =	vadd.f32 v2, v1;
	_ =	sdelay $0x1  }
0x17c: {  	[tilespmem:s19+$0xA0] =	vst v1;
	v1 =	vld [tilespmem:s19+$0xB0]  }
0x17d: {  	v2 =	vld [tilespmem:s20+$0x30];
	_ =	sdelay $0x4  }
0x17e: {  	v1 =	vadd.f32 v2, v1  }
0x17f: {  	s21 =	simm.s32 $0x0;
	s22 =	simm.s32 $0xB480  }
.LBB2_14:
0x180: {  	v2 =	vld [tilespmem:s22+$0x0];
	[tilespmem:s19+$0xB0] =	vst v1;
	s20 =	sadd.s32 $0x80, s20;
	s19 =	smov.u32 s22  }
0x181: {  	s21 =	sadd.s32 $0x8, s21;
	v1 =	vld [tilespmem:s20+$0xFFFFFFC0]  }
0x182: {  	p0 =	slt.u32 s21, $0x318;
	_ =	sdelay $0x3  }
0x183: {  	v1 =	vadd.f32 v1, v2;
	_ =	sdelay $0x1  }
0x184: {  	[tilespmem:s22+$0x0] =	vst v1;
	v1 =	vld [tilespmem:s22+$0x10]  }
0x185: {  	v2 =	vld [tilespmem:s20+$0xFFFFFFD0];
	_ =	sdelay $0x4  }
0x186: {  	v1 =	vadd.f32 v2, v1;
	_ =	sdelay $0x1  }
0x187: {  	[tilespmem:s22+$0x10] =	vst v1;
	v1 =	vld [tilespmem:s22+$0x20]  }
0x188: {  	v2 =	vld [tilespmem:s20+$0xFFFFFFE0];
	_ =	sdelay $0x4  }
0x189: {  	v1 =	vadd.f32 v2, v1;
	_ =	sdelay $0x1  }
0x18a: {  	[tilespmem:s22+$0x20] =	vst v1;
	v1 =	vld [tilespmem:s22+$0x30]  }
0x18b: {  	v2 =	vld [tilespmem:s20+$0xFFFFFFF0];
	_ =	sdelay $0x4  }
0x18c: {  	v1 =	vadd.f32 v2, v1;
	_ =	sdelay $0x1  }
0x18d: {  	[tilespmem:s22+$0x30] =	vst v1;
	v1 =	vld [tilespmem:s22+$0x80]  }
0x18e: {  	v2 =	vld [tilespmem:s20+$0x0];
	_ =	sdelay $0x4  }
0x18f: {  	v1 =	vadd.f32 v2, v1;
	_ =	sdelay $0x1  }
0x190: {  	[tilespmem:s22+$0x80] =	vst v1;
	v1 =	vld [tilespmem:s22+$0x90]  }
0x191: {  	v2 =	vld [tilespmem:s20+$0x10];
	_ =	sdelay $0x4  }
0x192: {  	v1 =	vadd.f32 v2, v1;
	_ =	sdelay $0x1  }
0x193: {  	[tilespmem:s22+$0x90] =	vst v1;
	v1 =	vld [tilespmem:s22+$0xA0]  }
0x194: {  	v2 =	vld [tilespmem:s20+$0x20];
	_ =	sdelay $0x4  }
0x195: {  	v1 =	vadd.f32 v2, v1;
	_ =	sdelay $0x1  }
0x196: {  	[tilespmem:s22+$0xA0] =	vst v1;
	v1 =	vld [tilespmem:s22+$0xB0]  }
0x197: {  	v2 =	vld [tilespmem:s20+$0x30];
	_ =	sdelay $0x1  }
.Ltmp6:
0x198: {  	(pc) =	sbr.rel @p0 .LBB2_14-.Ltmp6, $3  }
0x199: {  	_ =	sdelay $0x1  }
0x19a: {  	v1 =	vadd.f32 v2, v1  }
0x19b: {  	s22 =	sadd.s32 $0x100, s22  }
0x19c: {  	[tilespmem:s19+$0xB0] =	vst v1;
	s0 =	rddreg [dreg:$0x5];
	s1 =	simm.s32 $0xB380;
	s29 =	simm.s32 $0x4  }
0x19d: {  	[hbm4b:s0+s2] =	stream.linear.scatter [tilespmem:s1], [sflag:$0x5], $0x6400, $0x38;
	[tilespmem:$0x11B80] =	vst v63  }
0x19e: {  	_ =	swait.ge [sflag:s29], $0x6400  }
0x19f: {  	[sflag:s29] =	ssyncset.done $0x0  }
0x1a0: {  	[sflag:s29] =	ssyncadd.s32 $0xFFFF9C00  }
0x1a1: {  	_ =	swait.ge [sflag:s17], $0x6400  }
0x1a2: {  	s30 =	rddreg [dreg:$0x7]  }
0x1a3: {  	s31 =	rddreg [dreg:$0x6];
	s1 =	sadd.s32 $0x1, s30  }
0x1a4: {  	p0 =	sne.s32 s1, s31  }
.Ltmp7:
0x1a5: {  	_ = 	snop;
	(pc) =	sbr.rel @p0 .LBB2_1-.Ltmp7, $3  }
0x1a6: {  	_ =	sdelay $0x1  }
0x1a7: {  	[sflag:s17] =	ssyncset.done $0x0  }
0x1a8: {  	[sflag:s17] =	ssyncadd.s32 $0xFFFF9C00  }
0x1a9: {  	_ =	sfence.sel $0x180000  }
0x1aa: {  	[bflag:$0x0] =	sbarrier.arrive $0xFFFF  }
0x1ab: {  	_ =	strace $0x90000047  }
0x1ac: {  	s0 =	stileid.u32;
	[bflag:$0x2] =	sbarrier.arrive $0xFFFF  }
0x1ad: {  	p0 =	sne.s32 s0, $0x0;
	s0 =	rddreg [dreg:$0x2]  }
0x1ae: {  	s0 =	sadd.s32 @!p0 $0x100000, s0  }
0x1af: {  	[sflag:s0] =	ssyncadd.tile.s32 @!p0 $0x1;
	_ =	shalt  }
.Lfunc_end2:
_tile_overlayer_lowered:
.L_overlay_start_2:
0x1b0: {  	(tag) =	ssettag $0x2  }
0x1b1: {  	s0 =	rddreg [dreg:$0x0];
	s2 =	stileid.u32  }
0x1b2: {  	s1 =	rddreg [dreg:$0x1];
	p0 =	sne.s32 s2, $0x0  }
0x1b3: {  	s3 =	rddreg [dreg:$0x2];
	[bflag:$0x3] =	sbarrier.arrive $0xFFFF;
	s2 =	simm.s32 @!p0 $0x1C06  }
0x1b4: {  	[timem:s3], [sflag:s2] =	dma.local @!p0 [hbm:s0], s1  }
0x1b5: {  	s0 =	simm.s32 @!p0 $0x6  }
0x1b6: {  	_ =	swait.ge @!p0 [sflag:s0], s1  }
0x1b7: {  	s1 =	ssub.s32 @!p0 $0x0, s1;
	[sflag:s0] =	ssyncset.done @!p0 $0x0  }
0x1b8: {  	[sflag:s0] =	ssyncadd.s32 @!p0 s1  }
0x1b9: {  	[bflag:$0x3] =	sbarrier.arrive $0xFFFF  }
0x1ba: {  	_ =	shalt  }

</sc_bundles>
